<compile_context>
chip_gen: v7x
topology: tpu7x:2x2x1
jax: 0.10.2.dev20260603
libtpu: 0.0.44.dev20260713+nightly
codegen_flags: <defaults>
</compile_context>

<pallas_src>
import functools
import jax
import jax.numpy as jnp
from jax import lax
from jax.experimental import pallas as pl
from jax.experimental.pallas import tpu as pltpu
from jax.experimental.pallas import tpu_sc as plsc

D_EMB = 64
SCALE = 8.0
N_SEQ = 16384
N_TOK = 50
TOK_PAD = 56
LANE_PAD = 128
NUM_CORES = 2
NUM_SUBCORES = 16
NUM_WORKERS = NUM_CORES * NUM_SUBCORES
ROWS_PER_WORKER = N_SEQ // NUM_WORKERS
STEPS = ROWS_PER_WORKER
ROW_ELEMS = N_TOK * D_EMB
NG = 6
NS = 3


def _scale_into(gbuf, sbuf):

    def jrow(j, carry):
        for c in range(D_EMB // 16):
            sbuf[pl.ds(j * D_EMB + c * 16, 16)] = gbuf[j, pl.ds(c * 16, 16)] * SCALE
        return carry

    lax.fori_loop(0, N_TOK, jrow, 0)


def _emb_body(x_hbm, table_hbm, out_hbm, idx_v, gbufs, sbufs, gsems, ssems):
    w = lax.axis_index("s") * NUM_CORES + lax.axis_index("c")
    row0 = w * ROWS_PER_WORKER
    pltpu.sync_copy(x_hbm.at[pl.ds(row0, ROWS_PER_WORKER)], idx_v)

    def start_gather(g, b):
        pltpu.async_copy(
            table_hbm.at[idx_v.at[g]], gbufs[b], gsems[b]
        )

    def wait_gather(b):
        pltpu.make_async_copy(
            table_hbm.at[idx_v.at[0]], gbufs[b], gsems[b]
        ).wait()

    def start_scatter(g, s):
        pltpu.async_copy(
            sbufs[s], out_hbm.at[pl.ds((row0 + g) * ROW_ELEMS, ROW_ELEMS)], ssems[s]
        )

    def wait_scatter(s):
        pltpu.make_async_copy(
            sbufs[s], out_hbm.at[pl.ds(0, ROW_ELEMS)], ssems[s]
        ).wait()

    for b in range(NG):
        start_gather(b, b)

    def visit(g, b, s, first, last):
        if not first:
            wait_scatter(s)
        wait_gather(b)
        _scale_into(gbufs[b], sbufs[s])
        start_scatter(g, s)
        if not last:
            start_gather(g + NG, b)

    for g in range(NG):
        visit(g, g % NG, g % NS, first=(g < NS), last=False)

    n_rounds = (STEPS - NG - 8) // NG

    def round_body(r, carry):
        g0 = NG + r * NG
        for t in range(NG):
            g = g0 + t
            visit(g, t % NG, t % NS, first=False, last=False)
        return carry

    lax.fori_loop(0, n_rounds, round_body, 0)

    tail0 = NG + n_rounds * NG
    for g in range(tail0, STEPS):
        visit(g, g % NG, g % NS, first=False, last=(g + NG >= STEPS))

    for s in range(NS):
        wait_scatter(s)


def kernel(x, table):
    mesh = plsc.VectorSubcoreMesh(core_axis_name="c", subcore_axis_name="s")
    fn = functools.partial(
        pl.kernel,
        mesh=mesh,
        out_type=jax.ShapeDtypeStruct((N_SEQ * ROW_ELEMS,), jnp.float32),
        scratch_types=[
            pltpu.VMEM((ROWS_PER_WORKER, N_TOK), jnp.int32),
            [pltpu.VMEM((N_TOK, D_EMB), jnp.float32) for _ in range(NG)],
            [pltpu.VMEM((ROW_ELEMS,), jnp.float32) for _ in range(NS)],
            [pltpu.SemaphoreType.DMA for _ in range(NG)],
            [pltpu.SemaphoreType.DMA for _ in range(NS)],
        ],
        compiler_params=pltpu.CompilerParams(use_tc_tiling_on_sc=False),
    )(_emb_body)
    out_flat = fn(x.astype(jnp.int32), table)
    return out_flat.reshape(N_SEQ, N_TOK, D_EMB)

# --- scband reference (transcript-rebuilt; emitter-appended) ---
"""Pipeline reference for scband-input-embeddings-80298708566226 (READ-ONLY COPY).

The authoritative reference and input builder live on the scoring server;
editing this copy changes nothing except your own understanding.
"""

import jax, jax.numpy as jnp
import numpy as np
import math

D_EMBED = 64
VOCAB_SIZE = 1000000

def setup_inputs(seed: int = 0) -> dict:
    key = jax.random.key(seed)
    k1, k2 = jax.random.split(key)
    x = jax.random.randint(k1, (16384, 50), 0, VOCAB_SIZE, dtype=jnp.int64 if jax.config.jax_enable_x64 else jnp.int32)
    # nn.Embedding default init: N(0, 1)
    table = jax.random.normal(k2, (VOCAB_SIZE, D_EMBED), dtype=jnp.float32)
    return {"x": x, "table": table}

def reference(x, table):
    # InputEmbeddings.forward: embedding(x) * sqrt(d_embed)
    emb = jnp.take(table, x, axis=0)
    return emb * math.sqrt(D_EMBED)

if __name__ == "__main__":
    import jax
    _d = setup_inputs()
    print(jax.jit(kernel)(*tuple(_d.values())))

</pallas_src>

<mosaic_0001>
#map = affine_map<(d0, d1) -> (0, 0)>
#map1 = affine_map<(d0, d1) -> (0)>
module attributes {stable_mosaic.version = 14 : i64} {
  func.func @_emb_body(%arg0: i32, %arg1: i32, %arg2: memref<16384x50xi32, #tpu.memory_space<hbm>>, %arg3: memref<1000000x64xf32, #tpu.memory_space<hbm>>, %arg4: memref<52428800xf32, #tpu.memory_space<hbm>>, %arg5: memref<512x50xi32, #tpu.memory_space<vmem>>, %arg6: memref<50x64xf32, #tpu.memory_space<vmem>>, %arg7: memref<50x64xf32, #tpu.memory_space<vmem>>, %arg8: memref<50x64xf32, #tpu.memory_space<vmem>>, %arg9: memref<50x64xf32, #tpu.memory_space<vmem>>, %arg10: memref<50x64xf32, #tpu.memory_space<vmem>>, %arg11: memref<50x64xf32, #tpu.memory_space<vmem>>, %arg12: memref<3200xf32, #tpu.memory_space<vmem>>, %arg13: memref<3200xf32, #tpu.memory_space<vmem>>, %arg14: memref<3200xf32, #tpu.memory_space<vmem>>, %arg15: memref<!tpu.dma_semaphore, #tpu.memory_space<semaphore_mem>>, %arg16: memref<!tpu.dma_semaphore, #tpu.memory_space<semaphore_mem>>, %arg17: memref<!tpu.dma_semaphore, #tpu.memory_space<semaphore_mem>>, %arg18: memref<!tpu.dma_semaphore, #tpu.memory_space<semaphore_mem>>, %arg19: memref<!tpu.dma_semaphore, #tpu.memory_space<semaphore_mem>>, %arg20: memref<!tpu.dma_semaphore, #tpu.memory_space<semaphore_mem>>, %arg21: memref<!tpu.dma_semaphore, #tpu.memory_space<semaphore_mem>>, %arg22: memref<!tpu.dma_semaphore, #tpu.memory_space<semaphore_mem>>, %arg23: memref<!tpu.dma_semaphore, #tpu.memory_space<semaphore_mem>>) attributes {dimension_semantics = [#tpu.dimension_semantics<core_parallel>, #tpu.dimension_semantics<subcore_parallel>], iteration_bounds = array<i64: 2, 16>, scalar_prefetch = 0 : i64, scratch_operands = 19 : i64, tpu.core_type = #tpu.core_type<sc_vector_subcore>, window_params = [{transform_indices = #map}, {transform_indices = #map}, {transform_indices = #map1}]} {
    %mul3A = arith.constant 2 : i32
    %mul3A_0 = arith.muli %arg1, %mul3A : i32
    %add3A = arith.addi %mul3A_0, %arg0 : i32
    %mul3A_1 = arith.constant 512 : i32
    %mul3A_2 = arith.muli %add3A, %mul3A_1 : i32
    "tpu.region"() ({
      %run_scoped3A = tpu.sem_alloc : memref<!tpu.dma_semaphore, #tpu.memory_space<semaphore_mem>>
      %dma_start3A_426 = arith.constant 0 : i32
      %dma_start3A_427 = tpu.memref_slice %arg2[%mul3A_2, %dma_start3A_426] : memref<16384x50xi32, #tpu.memory_space<hbm>> -> memref<512x50xi32, #tpu.memory_space<hbm>>
      %dma_start3A_428 = arith.constant 0 : i32
      %dma_start3A_429 = tpu.memref_slice %arg2[%mul3A_2, %dma_start3A_428] : memref<16384x50xi32, #tpu.memory_space<hbm>> -> memref<512x50xi32, #tpu.memory_space<hbm>>
      tpu.enqueue_dma source(%dma_start3A_429 : memref<512x50xi32, #tpu.memory_space<hbm>>) target(%arg5 : memref<512x50xi32, #tpu.memory_space<vmem>>) target_semaphore(%run_scoped3A : memref<!tpu.dma_semaphore, #tpu.memory_space<semaphore_mem>>)
      %dma_wait3A_430 = arith.constant 0 : i32
      %dma_wait3A_431 = tpu.memref_slice %arg2[%mul3A_2, %dma_wait3A_430] : memref<16384x50xi32, #tpu.memory_space<hbm>> -> memref<512x50xi32, #tpu.memory_space<hbm>>
      %dma_wait3A_432 = arith.constant 0 : i32
      %dma_wait3A_433 = tpu.memref_slice %arg2[%mul3A_2, %dma_wait3A_432] : memref<16384x50xi32, #tpu.memory_space<hbm>> -> memref<512x50xi32, #tpu.memory_space<hbm>>
      tpu.wait_dma2 semaphore(%run_scoped3A : memref<!tpu.dma_semaphore, #tpu.memory_space<semaphore_mem>>) src(%dma_wait3A_433 : memref<512x50xi32, #tpu.memory_space<hbm>>) dst(%arg5 : memref<512x50xi32, #tpu.memory_space<vmem>>)
      tpu.yield
    }) : () -> ()
    %dma_start3A = arith.constant 0 : i32
    %dma_start3A_3 = arith.constant 0 : i32
    %dma_start3A_4 = tpu.memref_slice %arg5[%dma_start3A, %dma_start3A_3] : memref<512x50xi32, #tpu.memory_space<vmem>> -> memref<1x50xi32, #tpu.memory_space<vmem>>
    %dma_start3A_5 = tpu.memref_squeeze %dma_start3A_4 : memref<1x50xi32, #tpu.memory_space<vmem>> -> memref<50xi32, #tpu.memory_space<vmem>>
    %dma_start3A_6 = arith.constant 0 : i32
    %dma_start3A_7 = arith.constant 0 : i32
    %dma_start3A_8 = tpu.memref_slice %arg3[%dma_start3A_6, %dma_start3A_7] : memref<1000000x64xf32, #tpu.memory_space<hbm>> -> memref<1000000x64xf32, #tpu.memory_space<hbm>>
    tpu.enqueue_indirect_dma source(%dma_start3A_8 : memref<1000000x64xf32, #tpu.memory_space<hbm>>) target(%arg6 : memref<50x64xf32, #tpu.memory_space<vmem>>) offsets(%dma_start3A_5 : memref<50xi32, #tpu.memory_space<vmem>>) semaphore(%arg15 : memref<!tpu.dma_semaphore, #tpu.memory_space<semaphore_mem>>)
    %dma_start3A_9 = arith.constant 1 : i32
    %dma_start3A_10 = arith.constant 0 : i32
    %dma_start3A_11 = tpu.memref_slice %arg5[%dma_start3A_9, %dma_start3A_10] : memref<512x50xi32, #tpu.memory_space<vmem>> -> memref<1x50xi32, #tpu.memory_space<vmem>>
    %dma_start3A_12 = tpu.memref_squeeze %dma_start3A_11 : memref<1x50xi32, #tpu.memory_space<vmem>> -> memref<50xi32, #tpu.memory_space<vmem>>
    %dma_start3A_13 = arith.constant 0 : i32
    %dma_start3A_14 = arith.constant 0 : i32
    %dma_start3A_15 = tpu.memref_slice %arg3[%dma_start3A_13, %dma_start3A_14] : memref<1000000x64xf32, #tpu.memory_space<hbm>> -> memref<1000000x64xf32, #tpu.memory_space<hbm>>
    tpu.enqueue_indirect_dma source(%dma_start3A_15 : memref<1000000x64xf32, #tpu.memory_space<hbm>>) target(%arg7 : memref<50x64xf32, #tpu.memory_space<vmem>>) offsets(%dma_start3A_12 : memref<50xi32, #tpu.memory_space<vmem>>) semaphore(%arg16 : memref<!tpu.dma_semaphore, #tpu.memory_space<semaphore_mem>>)
    %dma_start3A_16 = arith.constant 2 : i32
    %dma_start3A_17 = arith.constant 0 : i32
    %dma_start3A_18 = tpu.memref_slice %arg5[%dma_start3A_16, %dma_start3A_17] : memref<512x50xi32, #tpu.memory_space<vmem>> -> memref<1x50xi32, #tpu.memory_space<vmem>>
    %dma_start3A_19 = tpu.memref_squeeze %dma_start3A_18 : memref<1x50xi32, #tpu.memory_space<vmem>> -> memref<50xi32, #tpu.memory_space<vmem>>
    %dma_start3A_20 = arith.constant 0 : i32
    %dma_start3A_21 = arith.constant 0 : i32
    %dma_start3A_22 = tpu.memref_slice %arg3[%dma_start3A_20, %dma_start3A_21] : memref<1000000x64xf32, #tpu.memory_space<hbm>> -> memref<1000000x64xf32, #tpu.memory_space<hbm>>
    tpu.enqueue_indirect_dma source(%dma_start3A_22 : memref<1000000x64xf32, #tpu.memory_space<hbm>>) target(%arg8 : memref<50x64xf32, #tpu.memory_space<vmem>>) offsets(%dma_start3A_19 : memref<50xi32, #tpu.memory_space<vmem>>) semaphore(%arg17 : memref<!tpu.dma_semaphore, #tpu.memory_space<semaphore_mem>>)
    %dma_start3A_23 = arith.constant 3 : i32
    %dma_start3A_24 = arith.constant 0 : i32
    %dma_start3A_25 = tpu.memref_slice %arg5[%dma_start3A_23, %dma_start3A_24] : memref<512x50xi32, #tpu.memory_space<vmem>> -> memref<1x50xi32, #tpu.memory_space<vmem>>
    %dma_start3A_26 = tpu.memref_squeeze %dma_start3A_25 : memref<1x50xi32, #tpu.memory_space<vmem>> -> memref<50xi32, #tpu.memory_space<vmem>>
    %dma_start3A_27 = arith.constant 0 : i32
    %dma_start3A_28 = arith.constant 0 : i32
    %dma_start3A_29 = tpu.memref_slice %arg3[%dma_start3A_27, %dma_start3A_28] : memref<1000000x64xf32, #tpu.memory_space<hbm>> -> memref<1000000x64xf32, #tpu.memory_space<hbm>>
    tpu.enqueue_indirect_dma source(%dma_start3A_29 : memref<1000000x64xf32, #tpu.memory_space<hbm>>) target(%arg9 : memref<50x64xf32, #tpu.memory_space<vmem>>) offsets(%dma_start3A_26 : memref<50xi32, #tpu.memory_space<vmem>>) semaphore(%arg18 : memref<!tpu.dma_semaphore, #tpu.memory_space<semaphore_mem>>)
    %dma_start3A_30 = arith.constant 4 : i32
    %dma_start3A_31 = arith.constant 0 : i32
    %dma_start3A_32 = tpu.memref_slice %arg5[%dma_start3A_30, %dma_start3A_31] : memref<512x50xi32, #tpu.memory_space<vmem>> -> memref<1x50xi32, #tpu.memory_space<vmem>>
    %dma_start3A_33 = tpu.memref_squeeze %dma_start3A_32 : memref<1x50xi32, #tpu.memory_space<vmem>> -> memref<50xi32, #tpu.memory_space<vmem>>
    %dma_start3A_34 = arith.constant 0 : i32
    %dma_start3A_35 = arith.constant 0 : i32
    %dma_start3A_36 = tpu.memref_slice %arg3[%dma_start3A_34, %dma_start3A_35] : memref<1000000x64xf32, #tpu.memory_space<hbm>> -> memref<1000000x64xf32, #tpu.memory_space<hbm>>
    tpu.enqueue_indirect_dma source(%dma_start3A_36 : memref<1000000x64xf32, #tpu.memory_space<hbm>>) target(%arg10 : memref<50x64xf32, #tpu.memory_space<vmem>>) offsets(%dma_start3A_33 : memref<50xi32, #tpu.memory_space<vmem>>) semaphore(%arg19 : memref<!tpu.dma_semaphore, #tpu.memory_space<semaphore_mem>>)
    %dma_start3A_37 = arith.constant 5 : i32
    %dma_start3A_38 = arith.constant 0 : i32
    %dma_start3A_39 = tpu.memref_slice %arg5[%dma_start3A_37, %dma_start3A_38] : memref<512x50xi32, #tpu.memory_space<vmem>> -> memref<1x50xi32, #tpu.memory_space<vmem>>
    %dma_start3A_40 = tpu.memref_squeeze %dma_start3A_39 : memref<1x50xi32, #tpu.memory_space<vmem>> -> memref<50xi32, #tpu.memory_space<vmem>>
    %dma_start3A_41 = arith.constant 0 : i32
    %dma_start3A_42 = arith.constant 0 : i32
    %dma_start3A_43 = tpu.memref_slice %arg3[%dma_start3A_41, %dma_start3A_42] : memref<1000000x64xf32, #tpu.memory_space<hbm>> -> memref<1000000x64xf32, #tpu.memory_space<hbm>>
    tpu.enqueue_indirect_dma source(%dma_start3A_43 : memref<1000000x64xf32, #tpu.memory_space<hbm>>) target(%arg11 : memref<50x64xf32, #tpu.memory_space<vmem>>) offsets(%dma_start3A_40 : memref<50xi32, #tpu.memory_space<vmem>>) semaphore(%arg20 : memref<!tpu.dma_semaphore, #tpu.memory_space<semaphore_mem>>)
    %dma_wait3A = arith.constant 0 : i32
    %dma_wait3A_44 = arith.constant 0 : i32
    %dma_wait3A_45 = tpu.memref_slice %arg5[%dma_wait3A, %dma_wait3A_44] : memref<512x50xi32, #tpu.memory_space<vmem>> -> memref<1x50xi32, #tpu.memory_space<vmem>>
    %dma_wait3A_46 = tpu.memref_squeeze %dma_wait3A_45 : memref<1x50xi32, #tpu.memory_space<vmem>> -> memref<50xi32, #tpu.memory_space<vmem>>
    %dma_wait3A_47 = arith.constant 0 : i32
    %dma_wait3A_48 = arith.constant 0 : i32
    %dma_wait3A_49 = tpu.memref_slice %arg3[%dma_wait3A_47, %dma_wait3A_48] : memref<1000000x64xf32, #tpu.memory_space<hbm>> -> memref<1000000x64xf32, #tpu.memory_space<hbm>>
    tpu.wait_indirect_dma semaphore(%arg15 : memref<!tpu.dma_semaphore, #tpu.memory_space<semaphore_mem>>) src(%dma_wait3A_49 : memref<1000000x64xf32, #tpu.memory_space<hbm>>) dst(%arg6 : memref<50x64xf32, #tpu.memory_space<vmem>>)
    %scan3A = arith.constant 0 : i32
    %scan3A_50 = arith.constant 0 : i32
    %scan3A_51 = arith.constant 50 : i32
    %scan3A_52 = arith.addi %scan3A_50, %scan3A_51 : i32
    %scan3A_53 = arith.constant 1 : i32
    scf.for %scan3A_426 = %scan3A_50 to %scan3A_52 step %scan3A_53  : i32 {
      %get3A = arith.index_cast %scan3A_426 : i32 to index
      %get3A_427 = arith.constant 0 : index
      %get3A_428 = tpu.vector_load %arg6[%get3A, %get3A_427] {strides = array<i32>} : memref<50x64xf32, #tpu.memory_space<vmem>>, vector<1x16xf32>,
      %get3A_429 = vector.shape_cast %get3A_428 : vector<1x16xf32> to vector<16xf32>
      %mul3A_430 = arith.constant 8.000000e+00 : f32
      %mul3A_431 = vector.broadcast %mul3A_430 : f32 to vector<16xf32>
      %mul3A_432 = arith.mulf %get3A_429, %mul3A_431 : vector<16xf32>
      %mul3A_433 = arith.constant 64 : i32
      %mul3A_434 = arith.muli %scan3A_426, %mul3A_433 : i32
      %add3A_435 = arith.constant 0 : i32
      %add3A_436 = arith.addi %mul3A_434, %add3A_435 : i32
      %swap3A = arith.index_cast %add3A_436 : i32 to index
      %swap3A_437 = tpu.vector_load %arg12[%swap3A] {strides = array<i32>} : memref<3200xf32, #tpu.memory_space<vmem>>, vector<16xf32>,
      %swap3A_438 = vector.shape_cast %swap3A_437 : vector<16xf32> to vector<16xf32>
      %swap3A_439 = vector.shape_cast %mul3A_432 : vector<16xf32> to vector<16xf32>
      tpu.vector_store %arg12[%swap3A], %swap3A_439 {strides = array<i32>} : memref<3200xf32, #tpu.memory_space<vmem>>, vector<16xf32>,
      %get3A_440 = arith.index_cast %scan3A_426 : i32 to index
      %get3A_441 = arith.constant 16 : index
      %get3A_442 = tpu.vector_load %arg6[%get3A_440, %get3A_441] {strides = array<i32>} : memref<50x64xf32, #tpu.memory_space<vmem>>, vector<1x16xf32>,
      %get3A_443 = vector.shape_cast %get3A_442 : vector<1x16xf32> to vector<16xf32>
      %mul3A_444 = arith.constant 8.000000e+00 : f32
      %mul3A_445 = vector.broadcast %mul3A_444 : f32 to vector<16xf32>
      %mul3A_446 = arith.mulf %get3A_443, %mul3A_445 : vector<16xf32>
      %mul3A_447 = arith.constant 64 : i32
      %mul3A_448 = arith.muli %scan3A_426, %mul3A_447 : i32
      %add3A_449 = arith.constant 16 : i32
      %add3A_450 = arith.addi %mul3A_448, %add3A_449 : i32
      %swap3A_451 = arith.index_cast %add3A_450 : i32 to index
      %swap3A_452 = tpu.vector_load %arg12[%swap3A_451] {strides = array<i32>} : memref<3200xf32, #tpu.memory_space<vmem>>, vector<16xf32>,
      %swap3A_453 = vector.shape_cast %swap3A_452 : vector<16xf32> to vector<16xf32>
      %swap3A_454 = vector.shape_cast %mul3A_446 : vector<16xf32> to vector<16xf32>
      tpu.vector_store %arg12[%swap3A_451], %swap3A_454 {strides = array<i32>} : memref<3200xf32, #tpu.memory_space<vmem>>, vector<16xf32>,
      %get3A_455 = arith.index_cast %scan3A_426 : i32 to index
      %get3A_456 = arith.constant 32 : index
      %get3A_457 = tpu.vector_load %arg6[%get3A_455, %get3A_456] {strides = array<i32>} : memref<50x64xf32, #tpu.memory_space<vmem>>, vector<1x16xf32>,
      %get3A_458 = vector.shape_cast %get3A_457 : vector<1x16xf32> to vector<16xf32>
      %mul3A_459 = arith.constant 8.000000e+00 : f32
      %mul3A_460 = vector.broadcast %mul3A_459 : f32 to vector<16xf32>
      %mul3A_461 = arith.mulf %get3A_458, %mul3A_460 : vector<16xf32>
      %mul3A_462 = arith.constant 64 : i32
      %mul3A_463 = arith.muli %scan3A_426, %mul3A_462 : i32
      %add3A_464 = arith.constant 32 : i32
      %add3A_465 = arith.addi %mul3A_463, %add3A_464 : i32
      %swap3A_466 = arith.index_cast %add3A_465 : i32 to index
      %swap3A_467 = tpu.vector_load %arg12[%swap3A_466] {strides = array<i32>} : memref<3200xf32, #tpu.memory_space<vmem>>, vector<16xf32>,
      %swap3A_468 = vector.shape_cast %swap3A_467 : vector<16xf32> to vector<16xf32>
      %swap3A_469 = vector.shape_cast %mul3A_461 : vector<16xf32> to vector<16xf32>
      tpu.vector_store %arg12[%swap3A_466], %swap3A_469 {strides = array<i32>} : memref<3200xf32, #tpu.memory_space<vmem>>, vector<16xf32>,
      %get3A_470 = arith.index_cast %scan3A_426 : i32 to index
      %get3A_471 = arith.constant 48 : index
      %get3A_472 = tpu.vector_load %arg6[%get3A_470, %get3A_471] {strides = array<i32>} : memref<50x64xf32, #tpu.memory_space<vmem>>, vector<1x16xf32>,
      %get3A_473 = vector.shape_cast %get3A_472 : vector<1x16xf32> to vector<16xf32>
      %mul3A_474 = arith.constant 8.000000e+00 : f32
      %mul3A_475 = vector.broadcast %mul3A_474 : f32 to vector<16xf32>
      %mul3A_476 = arith.mulf %get3A_473, %mul3A_475 : vector<16xf32>
      %mul3A_477 = arith.constant 64 : i32
      %mul3A_478 = arith.muli %scan3A_426, %mul3A_477 : i32
      %add3A_479 = arith.constant 48 : i32
      %add3A_480 = arith.addi %mul3A_478, %add3A_479 : i32
      %swap3A_481 = arith.index_cast %add3A_480 : i32 to index
      %swap3A_482 = tpu.vector_load %arg12[%swap3A_481] {strides = array<i32>} : memref<3200xf32, #tpu.memory_space<vmem>>, vector<16xf32>,
      %swap3A_483 = vector.shape_cast %swap3A_482 : vector<16xf32> to vector<16xf32>
      %swap3A_484 = vector.shape_cast %mul3A_476 : vector<16xf32> to vector<16xf32>
      tpu.vector_store %arg12[%swap3A_481], %swap3A_484 {strides = array<i32>} : memref<3200xf32, #tpu.memory_space<vmem>>, vector<16xf32>,
    }
    %scan3A_54 = arith.constant 50 : i32
    %add3A_55 = arith.constant 0 : i32
    %add3A_56 = arith.addi %mul3A_2, %add3A_55 : i32
    %mul3A_57 = arith.constant 3200 : i32
    %mul3A_58 = arith.muli %add3A_56, %mul3A_57 : i32
    %dma_start3A_59 = tpu.memref_slice %arg4[%mul3A_58] : memref<52428800xf32, #tpu.memory_space<hbm>> -> memref<3200xf32, #tpu.memory_space<hbm>>
    %dma_start3A_60 = tpu.memref_slice %arg4[%mul3A_58] : memref<52428800xf32, #tpu.memory_space<hbm>> -> memref<3200xf32, #tpu.memory_space<hbm>>
    tpu.enqueue_dma source(%arg12 : memref<3200xf32, #tpu.memory_space<vmem>>) target(%dma_start3A_60 : memref<3200xf32, #tpu.memory_space<hbm>>) target_semaphore(%arg21 : memref<!tpu.dma_semaphore, #tpu.memory_space<semaphore_mem>>)
    %dma_start3A_61 = arith.constant 6 : i32
    %dma_start3A_62 = arith.constant 0 : i32
    %dma_start3A_63 = tpu.memref_slice %arg5[%dma_start3A_61, %dma_start3A_62] : memref<512x50xi32, #tpu.memory_space<vmem>> -> memref<1x50xi32, #tpu.memory_space<vmem>>
    %dma_start3A_64 = tpu.memref_squeeze %dma_start3A_63 : memref<1x50xi32, #tpu.memory_space<vmem>> -> memref<50xi32, #tpu.memory_space<vmem>>
    %dma_start3A_65 = arith.constant 0 : i32
    %dma_start3A_66 = arith.constant 0 : i32
    %dma_start3A_67 = tpu.memref_slice %arg3[%dma_start3A_65, %dma_start3A_66] : memref<1000000x64xf32, #tpu.memory_space<hbm>> -> memref<1000000x64xf32, #tpu.memory_space<hbm>>
    tpu.enqueue_indirect_dma source(%dma_start3A_67 : memref<1000000x64xf32, #tpu.memory_space<hbm>>) target(%arg6 : memref<50x64xf32, #tpu.memory_space<vmem>>) offsets(%dma_start3A_64 : memref<50xi32, #tpu.memory_space<vmem>>) semaphore(%arg15 : memref<!tpu.dma_semaphore, #tpu.memory_space<semaphore_mem>>)
    %dma_wait3A_68 = arith.constant 0 : i32
    %dma_wait3A_69 = arith.constant 0 : i32
    %dma_wait3A_70 = tpu.memref_slice %arg5[%dma_wait3A_68, %dma_wait3A_69] : memref<512x50xi32, #tpu.memory_space<vmem>> -> memref<1x50xi32, #tpu.memory_space<vmem>>
    %dma_wait3A_71 = tpu.memref_squeeze %dma_wait3A_70 : memref<1x50xi32, #tpu.memory_space<vmem>> -> memref<50xi32, #tpu.memory_space<vmem>>
    %dma_wait3A_72 = arith.constant 0 : i32
    %dma_wait3A_73 = arith.constant 0 : i32
    %dma_wait3A_74 = tpu.memref_slice %arg3[%dma_wait3A_72, %dma_wait3A_73] : memref<1000000x64xf32, #tpu.memory_space<hbm>> -> memref<1000000x64xf32, #tpu.memory_space<hbm>>
    tpu.wait_indirect_dma semaphore(%arg16 : memref<!tpu.dma_semaphore, #tpu.memory_space<semaphore_mem>>) src(%dma_wait3A_74 : memref<1000000x64xf32, #tpu.memory_space<hbm>>) dst(%arg7 : memref<50x64xf32, #tpu.memory_space<vmem>>)
    %scan3A_75 = arith.constant 0 : i32
    %scan3A_76 = arith.constant 0 : i32
    %scan3A_77 = arith.constant 50 : i32
    %scan3A_78 = arith.addi %scan3A_76, %scan3A_77 : i32
    %scan3A_79 = arith.constant 1 : i32
    scf.for %scan3A_426 = %scan3A_76 to %scan3A_78 step %scan3A_79  : i32 {
      %get3A = arith.index_cast %scan3A_426 : i32 to index
      %get3A_427 = arith.constant 0 : index
      %get3A_428 = tpu.vector_load %arg7[%get3A, %get3A_427] {strides = array<i32>} : memref<50x64xf32, #tpu.memory_space<vmem>>, vector<1x16xf32>,
      %get3A_429 = vector.shape_cast %get3A_428 : vector<1x16xf32> to vector<16xf32>
      %mul3A_430 = arith.constant 8.000000e+00 : f32
      %mul3A_431 = vector.broadcast %mul3A_430 : f32 to vector<16xf32>
      %mul3A_432 = arith.mulf %get3A_429, %mul3A_431 : vector<16xf32>
      %mul3A_433 = arith.constant 64 : i32
      %mul3A_434 = arith.muli %scan3A_426, %mul3A_433 : i32
      %add3A_435 = arith.constant 0 : i32
      %add3A_436 = arith.addi %mul3A_434, %add3A_435 : i32
      %swap3A = arith.index_cast %add3A_436 : i32 to index
      %swap3A_437 = tpu.vector_load %arg13[%swap3A] {strides = array<i32>} : memref<3200xf32, #tpu.memory_space<vmem>>, vector<16xf32>,
      %swap3A_438 = vector.shape_cast %swap3A_437 : vector<16xf32> to vector<16xf32>
      %swap3A_439 = vector.shape_cast %mul3A_432 : vector<16xf32> to vector<16xf32>
      tpu.vector_store %arg13[%swap3A], %swap3A_439 {strides = array<i32>} : memref<3200xf32, #tpu.memory_space<vmem>>, vector<16xf32>,
      %get3A_440 = arith.index_cast %scan3A_426 : i32 to index
      %get3A_441 = arith.constant 16 : index
      %get3A_442 = tpu.vector_load %arg7[%get3A_440, %get3A_441] {strides = array<i32>} : memref<50x64xf32, #tpu.memory_space<vmem>>, vector<1x16xf32>,
      %get3A_443 = vector.shape_cast %get3A_442 : vector<1x16xf32> to vector<16xf32>
      %mul3A_444 = arith.constant 8.000000e+00 : f32
      %mul3A_445 = vector.broadcast %mul3A_444 : f32 to vector<16xf32>
      %mul3A_446 = arith.mulf %get3A_443, %mul3A_445 : vector<16xf32>
      %mul3A_447 = arith.constant 64 : i32
      %mul3A_448 = arith.muli %scan3A_426, %mul3A_447 : i32
      %add3A_449 = arith.constant 16 : i32
      %add3A_450 = arith.addi %mul3A_448, %add3A_449 : i32
      %swap3A_451 = arith.index_cast %add3A_450 : i32 to index
      %swap3A_452 = tpu.vector_load %arg13[%swap3A_451] {strides = array<i32>} : memref<3200xf32, #tpu.memory_space<vmem>>, vector<16xf32>,
      %swap3A_453 = vector.shape_cast %swap3A_452 : vector<16xf32> to vector<16xf32>
      %swap3A_454 = vector.shape_cast %mul3A_446 : vector<16xf32> to vector<16xf32>
      tpu.vector_store %arg13[%swap3A_451], %swap3A_454 {strides = array<i32>} : memref<3200xf32, #tpu.memory_space<vmem>>, vector<16xf32>,
      %get3A_455 = arith.index_cast %scan3A_426 : i32 to index
      %get3A_456 = arith.constant 32 : index
      %get3A_457 = tpu.vector_load %arg7[%get3A_455, %get3A_456] {strides = array<i32>} : memref<50x64xf32, #tpu.memory_space<vmem>>, vector<1x16xf32>,
      %get3A_458 = vector.shape_cast %get3A_457 : vector<1x16xf32> to vector<16xf32>
      %mul3A_459 = arith.constant 8.000000e+00 : f32
      %mul3A_460 = vector.broadcast %mul3A_459 : f32 to vector<16xf32>
      %mul3A_461 = arith.mulf %get3A_458, %mul3A_460 : vector<16xf32>
      %mul3A_462 = arith.constant 64 : i32
      %mul3A_463 = arith.muli %scan3A_426, %mul3A_462 : i32
      %add3A_464 = arith.constant 32 : i32
      %add3A_465 = arith.addi %mul3A_463, %add3A_464 : i32
      %swap3A_466 = arith.index_cast %add3A_465 : i32 to index
      %swap3A_467 = tpu.vector_load %arg13[%swap3A_466] {strides = array<i32>} : memref<3200xf32, #tpu.memory_space<vmem>>, vector<16xf32>,
      %swap3A_468 = vector.shape_cast %swap3A_467 : vector<16xf32> to vector<16xf32>
      %swap3A_469 = vector.shape_cast %mul3A_461 : vector<16xf32> to vector<16xf32>
      tpu.vector_store %arg13[%swap3A_466], %swap3A_469 {strides = array<i32>} : memref<3200xf32, #tpu.memory_space<vmem>>, vector<16xf32>,
      %get3A_470 = arith.index_cast %scan3A_426 : i32 to index
      %get3A_471 = arith.constant 48 : index
      %get3A_472 = tpu.vector_load %arg7[%get3A_470, %get3A_471] {strides = array<i32>} : memref<50x64xf32, #tpu.memory_space<vmem>>, vector<1x16xf32>,
      %get3A_473 = vector.shape_cast %get3A_472 : vector<1x16xf32> to vector<16xf32>
      %mul3A_474 = arith.constant 8.000000e+00 : f32
      %mul3A_475 = vector.broadcast %mul3A_474 : f32 to vector<16xf32>
      %mul3A_476 = arith.mulf %get3A_473, %mul3A_475 : vector<16xf32>
      %mul3A_477 = arith.constant 64 : i32
      %mul3A_478 = arith.muli %scan3A_426, %mul3A_477 : i32
      %add3A_479 = arith.constant 48 : i32
      %add3A_480 = arith.addi %mul3A_478, %add3A_479 : i32
      %swap3A_481 = arith.index_cast %add3A_480 : i32 to index
      %swap3A_482 = tpu.vector_load %arg13[%swap3A_481] {strides = array<i32>} : memref<3200xf32, #tpu.memory_space<vmem>>, vector<16xf32>,
      %swap3A_483 = vector.shape_cast %swap3A_482 : vector<16xf32> to vector<16xf32>
      %swap3A_484 = vector.shape_cast %mul3A_476 : vector<16xf32> to vector<16xf32>
      tpu.vector_store %arg13[%swap3A_481], %swap3A_484 {strides = array<i32>} : memref<3200xf32, #tpu.memory_space<vmem>>, vector<16xf32>,
    }
    %scan3A_80 = arith.constant 50 : i32
    %add3A_81 = arith.constant 1 : i32
    %add3A_82 = arith.addi %mul3A_2, %add3A_81 : i32
    %mul3A_83 = arith.constant 3200 : i32
    %mul3A_84 = arith.muli %add3A_82, %mul3A_83 : i32
    %dma_start3A_85 = tpu.memref_slice %arg4[%mul3A_84] : memref<52428800xf32, #tpu.memory_space<hbm>> -> memref<3200xf32, #tpu.memory_space<hbm>>
    %dma_start3A_86 = tpu.memref_slice %arg4[%mul3A_84] : memref<52428800xf32, #tpu.memory_space<hbm>> -> memref<3200xf32, #tpu.memory_space<hbm>>
    tpu.enqueue_dma source(%arg13 : memref<3200xf32, #tpu.memory_space<vmem>>) target(%dma_start3A_86 : memref<3200xf32, #tpu.memory_space<hbm>>) target_semaphore(%arg22 : memref<!tpu.dma_semaphore, #tpu.memory_space<semaphore_mem>>)
    %dma_start3A_87 = arith.constant 7 : i32
    %dma_start3A_88 = arith.constant 0 : i32
    %dma_start3A_89 = tpu.memref_slice %arg5[%dma_start3A_87, %dma_start3A_88] : memref<512x50xi32, #tpu.memory_space<vmem>> -> memref<1x50xi32, #tpu.memory_space<vmem>>
    %dma_start3A_90 = tpu.memref_squeeze %dma_start3A_89 : memref<1x50xi32, #tpu.memory_space<vmem>> -> memref<50xi32, #tpu.memory_space<vmem>>
    %dma_start3A_91 = arith.constant 0 : i32
    %dma_start3A_92 = arith.constant 0 : i32
    %dma_start3A_93 = tpu.memref_slice %arg3[%dma_start3A_91, %dma_start3A_92] : memref<1000000x64xf32, #tpu.memory_space<hbm>> -> memref<1000000x64xf32, #tpu.memory_space<hbm>>
    tpu.enqueue_indirect_dma source(%dma_start3A_93 : memref<1000000x64xf32, #tpu.memory_space<hbm>>) target(%arg7 : memref<50x64xf32, #tpu.memory_space<vmem>>) offsets(%dma_start3A_90 : memref<50xi32, #tpu.memory_space<vmem>>) semaphore(%arg16 : memref<!tpu.dma_semaphore, #tpu.memory_space<semaphore_mem>>)
    %dma_wait3A_94 = arith.constant 0 : i32
    %dma_wait3A_95 = arith.constant 0 : i32
    %dma_wait3A_96 = tpu.memref_slice %arg5[%dma_wait3A_94, %dma_wait3A_95] : memref<512x50xi32, #tpu.memory_space<vmem>> -> memref<1x50xi32, #tpu.memory_space<vmem>>
    %dma_wait3A_97 = tpu.memref_squeeze %dma_wait3A_96 : memref<1x50xi32, #tpu.memory_space<vmem>> -> memref<50xi32, #tpu.memory_space<vmem>>
    %dma_wait3A_98 = arith.constant 0 : i32
    %dma_wait3A_99 = arith.constant 0 : i32
    %dma_wait3A_100 = tpu.memref_slice %arg3[%dma_wait3A_98, %dma_wait3A_99] : memref<1000000x64xf32, #tpu.memory_space<hbm>> -> memref<1000000x64xf32, #tpu.memory_space<hbm>>
    tpu.wait_indirect_dma semaphore(%arg17 : memref<!tpu.dma_semaphore, #tpu.memory_space<semaphore_mem>>) src(%dma_wait3A_100 : memref<1000000x64xf32, #tpu.memory_space<hbm>>) dst(%arg8 : memref<50x64xf32, #tpu.memory_space<vmem>>)
    %scan3A_101 = arith.constant 0 : i32
    %scan3A_102 = arith.constant 0 : i32
    %scan3A_103 = arith.constant 50 : i32
    %scan3A_104 = arith.addi %scan3A_102, %scan3A_103 : i32
    %scan3A_105 = arith.constant 1 : i32
    scf.for %scan3A_426 = %scan3A_102 to %scan3A_104 step %scan3A_105  : i32 {
      %get3A = arith.index_cast %scan3A_426 : i32 to index
      %get3A_427 = arith.constant 0 : index
      %get3A_428 = tpu.vector_load %arg8[%get3A, %get3A_427] {strides = array<i32>} : memref<50x64xf32, #tpu.memory_space<vmem>>, vector<1x16xf32>,
      %get3A_429 = vector.shape_cast %get3A_428 : vector<1x16xf32> to vector<16xf32>
      %mul3A_430 = arith.constant 8.000000e+00 : f32
      %mul3A_431 = vector.broadcast %mul3A_430 : f32 to vector<16xf32>
      %mul3A_432 = arith.mulf %get3A_429, %mul3A_431 : vector<16xf32>
      %mul3A_433 = arith.constant 64 : i32
      %mul3A_434 = arith.muli %scan3A_426, %mul3A_433 : i32
      %add3A_435 = arith.constant 0 : i32
      %add3A_436 = arith.addi %mul3A_434, %add3A_435 : i32
      %swap3A = arith.index_cast %add3A_436 : i32 to index
      %swap3A_437 = tpu.vector_load %arg14[%swap3A] {strides = array<i32>} : memref<3200xf32, #tpu.memory_space<vmem>>, vector<16xf32>,
      %swap3A_438 = vector.shape_cast %swap3A_437 : vector<16xf32> to vector<16xf32>
      %swap3A_439 = vector.shape_cast %mul3A_432 : vector<16xf32> to vector<16xf32>
      tpu.vector_store %arg14[%swap3A], %swap3A_439 {strides = array<i32>} : memref<3200xf32, #tpu.memory_space<vmem>>, vector<16xf32>,
      %get3A_440 = arith.index_cast %scan3A_426 : i32 to index
      %get3A_441 = arith.constant 16 : index
      %get3A_442 = tpu.vector_load %arg8[%get3A_440, %get3A_441] {strides = array<i32>} : memref<50x64xf32, #tpu.memory_space<vmem>>, vector<1x16xf32>,
      %get3A_443 = vector.shape_cast %get3A_442 : vector<1x16xf32> to vector<16xf32>
      %mul3A_444 = arith.constant 8.000000e+00 : f32
      %mul3A_445 = vector.broadcast %mul3A_444 : f32 to vector<16xf32>
      %mul3A_446 = arith.mulf %get3A_443, %mul3A_445 : vector<16xf32>
      %mul3A_447 = arith.constant 64 : i32
      %mul3A_448 = arith.muli %scan3A_426, %mul3A_447 : i32
      %add3A_449 = arith.constant 16 : i32
      %add3A_450 = arith.addi %mul3A_448, %add3A_449 : i32
      %swap3A_451 = arith.index_cast %add3A_450 : i32 to index
      %swap3A_452 = tpu.vector_load %arg14[%swap3A_451] {strides = array<i32>} : memref<3200xf32, #tpu.memory_space<vmem>>, vector<16xf32>,
      %swap3A_453 = vector.shape_cast %swap3A_452 : vector<16xf32> to vector<16xf32>
      %swap3A_454 = vector.shape_cast %mul3A_446 : vector<16xf32> to vector<16xf32>
      tpu.vector_store %arg14[%swap3A_451], %swap3A_454 {strides = array<i32>} : memref<3200xf32, #tpu.memory_space<vmem>>, vector<16xf32>,
      %get3A_455 = arith.index_cast %scan3A_426 : i32 to index
      %get3A_456 = arith.constant 32 : index
      %get3A_457 = tpu.vector_load %arg8[%get3A_455, %get3A_456] {strides = array<i32>} : memref<50x64xf32, #tpu.memory_space<vmem>>, vector<1x16xf32>,
      %get3A_458 = vector.shape_cast %get3A_457 : vector<1x16xf32> to vector<16xf32>
      %mul3A_459 = arith.constant 8.000000e+00 : f32
      %mul3A_460 = vector.broadcast %mul3A_459 : f32 to vector<16xf32>
      %mul3A_461 = arith.mulf %get3A_458, %mul3A_460 : vector<16xf32>
      %mul3A_462 = arith.constant 64 : i32
      %mul3A_463 = arith.muli %scan3A_426, %mul3A_462 : i32
      %add3A_464 = arith.constant 32 : i32
      %add3A_465 = arith.addi %mul3A_463, %add3A_464 : i32
      %swap3A_466 = arith.index_cast %add3A_465 : i32 to index
      %swap3A_467 = tpu.vector_load %arg14[%swap3A_466] {strides = array<i32>} : memref<3200xf32, #tpu.memory_space<vmem>>, vector<16xf32>,
      %swap3A_468 = vector.shape_cast %swap3A_467 : vector<16xf32> to vector<16xf32>
      %swap3A_469 = vector.shape_cast %mul3A_461 : vector<16xf32> to vector<16xf32>
      tpu.vector_store %arg14[%swap3A_466], %swap3A_469 {strides = array<i32>} : memref<3200xf32, #tpu.memory_space<vmem>>, vector<16xf32>,
      %get3A_470 = arith.index_cast %scan3A_426 : i32 to index
      %get3A_471 = arith.constant 48 : index
      %get3A_472 = tpu.vector_load %arg8[%get3A_470, %get3A_471] {strides = array<i32>} : memref<50x64xf32, #tpu.memory_space<vmem>>, vector<1x16xf32>,
      %get3A_473 = vector.shape_cast %get3A_472 : vector<1x16xf32> to vector<16xf32>
      %mul3A_474 = arith.constant 8.000000e+00 : f32
      %mul3A_475 = vector.broadcast %mul3A_474 : f32 to vector<16xf32>
      %mul3A_476 = arith.mulf %get3A_473, %mul3A_475 : vector<16xf32>
      %mul3A_477 = arith.constant 64 : i32
      %mul3A_478 = arith.muli %scan3A_426, %mul3A_477 : i32
      %add3A_479 = arith.constant 48 : i32
      %add3A_480 = arith.addi %mul3A_478, %add3A_479 : i32
      %swap3A_481 = arith.index_cast %add3A_480 : i32 to index
      %swap3A_482 = tpu.vector_load %arg14[%swap3A_481] {strides = array<i32>} : memref<3200xf32, #tpu.memory_space<vmem>>, vector<16xf32>,
      %swap3A_483 = vector.shape_cast %swap3A_482 : vector<16xf32> to vector<16xf32>
      %swap3A_484 = vector.shape_cast %mul3A_476 : vector<16xf32> to vector<16xf32>
      tpu.vector_store %arg14[%swap3A_481], %swap3A_484 {strides = array<i32>} : memref<3200xf32, #tpu.memory_space<vmem>>, vector<16xf32>,
    }
    %scan3A_106 = arith.constant 50 : i32
    %add3A_107 = arith.constant 2 : i32
    %add3A_108 = arith.addi %mul3A_2, %add3A_107 : i32
    %mul3A_109 = arith.constant 3200 : i32
    %mul3A_110 = arith.muli %add3A_108, %mul3A_109 : i32
    %dma_start3A_111 = tpu.memref_slice %arg4[%mul3A_110] : memref<52428800xf32, #tpu.memory_space<hbm>> -> memref<3200xf32, #tpu.memory_space<hbm>>
    %dma_start3A_112 = tpu.memref_slice %arg4[%mul3A_110] : memref<52428800xf32, #tpu.memory_space<hbm>> -> memref<3200xf32, #tpu.memory_space<hbm>>
    tpu.enqueue_dma source(%arg14 : memref<3200xf32, #tpu.memory_space<vmem>>) target(%dma_start3A_112 : memref<3200xf32, #tpu.memory_space<hbm>>) target_semaphore(%arg23 : memref<!tpu.dma_semaphore, #tpu.memory_space<semaphore_mem>>)
    %dma_start3A_113 = arith.constant 8 : i32
    %dma_start3A_114 = arith.constant 0 : i32
    %dma_start3A_115 = tpu.memref_slice %arg5[%dma_start3A_113, %dma_start3A_114] : memref<512x50xi32, #tpu.memory_space<vmem>> -> memref<1x50xi32, #tpu.memory_space<vmem>>
    %dma_start3A_116 = tpu.memref_squeeze %dma_start3A_115 : memref<1x50xi32, #tpu.memory_space<vmem>> -> memref<50xi32, #tpu.memory_space<vmem>>
    %dma_start3A_117 = arith.constant 0 : i32
    %dma_start3A_118 = arith.constant 0 : i32
    %dma_start3A_119 = tpu.memref_slice %arg3[%dma_start3A_117, %dma_start3A_118] : memref<1000000x64xf32, #tpu.memory_space<hbm>> -> memref<1000000x64xf32, #tpu.memory_space<hbm>>
    tpu.enqueue_indirect_dma source(%dma_start3A_119 : memref<1000000x64xf32, #tpu.memory_space<hbm>>) target(%arg8 : memref<50x64xf32, #tpu.memory_space<vmem>>) offsets(%dma_start3A_116 : memref<50xi32, #tpu.memory_space<vmem>>) semaphore(%arg17 : memref<!tpu.dma_semaphore, #tpu.memory_space<semaphore_mem>>)
    %dma_wait3A_120 = arith.constant 0 : i32
    %dma_wait3A_121 = tpu.memref_slice %arg4[%dma_wait3A_120] : memref<52428800xf32, #tpu.memory_space<hbm>> -> memref<3200xf32, #tpu.memory_space<hbm>>
    %dma_wait3A_122 = arith.constant 0 : i32
    %dma_wait3A_123 = tpu.memref_slice %arg4[%dma_wait3A_122] : memref<52428800xf32, #tpu.memory_space<hbm>> -> memref<3200xf32, #tpu.memory_space<hbm>>
    tpu.wait_dma2 semaphore(%arg21 : memref<!tpu.dma_semaphore, #tpu.memory_space<semaphore_mem>>) src(%arg12 : memref<3200xf32, #tpu.memory_space<vmem>>) dst(%dma_wait3A_123 : memref<3200xf32, #tpu.memory_space<hbm>>)
    %dma_wait3A_124 = arith.constant 0 : i32
    %dma_wait3A_125 = arith.constant 0 : i32
    %dma_wait3A_126 = tpu.memref_slice %arg5[%dma_wait3A_124, %dma_wait3A_125] : memref<512x50xi32, #tpu.memory_space<vmem>> -> memref<1x50xi32, #tpu.memory_space<vmem>>
    %dma_wait3A_127 = tpu.memref_squeeze %dma_wait3A_126 : memref<1x50xi32, #tpu.memory_space<vmem>> -> memref<50xi32, #tpu.memory_space<vmem>>
    %dma_wait3A_128 = arith.constant 0 : i32
    %dma_wait3A_129 = arith.constant 0 : i32
    %dma_wait3A_130 = tpu.memref_slice %arg3[%dma_wait3A_128, %dma_wait3A_129] : memref<1000000x64xf32, #tpu.memory_space<hbm>> -> memref<1000000x64xf32, #tpu.memory_space<hbm>>
    tpu.wait_indirect_dma semaphore(%arg18 : memref<!tpu.dma_semaphore, #tpu.memory_space<semaphore_mem>>) src(%dma_wait3A_130 : memref<1000000x64xf32, #tpu.memory_space<hbm>>) dst(%arg9 : memref<50x64xf32, #tpu.memory_space<vmem>>)
    %scan3A_131 = arith.constant 0 : i32
    %scan3A_132 = arith.constant 0 : i32
    %scan3A_133 = arith.constant 50 : i32
    %scan3A_134 = arith.addi %scan3A_132, %scan3A_133 : i32
    %scan3A_135 = arith.constant 1 : i32
    scf.for %scan3A_426 = %scan3A_132 to %scan3A_134 step %scan3A_135  : i32 {
      %get3A = arith.index_cast %scan3A_426 : i32 to index
      %get3A_427 = arith.constant 0 : index
      %get3A_428 = tpu.vector_load %arg9[%get3A, %get3A_427] {strides = array<i32>} : memref<50x64xf32, #tpu.memory_space<vmem>>, vector<1x16xf32>,
      %get3A_429 = vector.shape_cast %get3A_428 : vector<1x16xf32> to vector<16xf32>
      %mul3A_430 = arith.constant 8.000000e+00 : f32
      %mul3A_431 = vector.broadcast %mul3A_430 : f32 to vector<16xf32>
      %mul3A_432 = arith.mulf %get3A_429, %mul3A_431 : vector<16xf32>
      %mul3A_433 = arith.constant 64 : i32
      %mul3A_434 = arith.muli %scan3A_426, %mul3A_433 : i32
      %add3A_435 = arith.constant 0 : i32
      %add3A_436 = arith.addi %mul3A_434, %add3A_435 : i32
      %swap3A = arith.index_cast %add3A_436 : i32 to index
      %swap3A_437 = tpu.vector_load %arg12[%swap3A] {strides = array<i32>} : memref<3200xf32, #tpu.memory_space<vmem>>, vector<16xf32>,
      %swap3A_438 = vector.shape_cast %swap3A_437 : vector<16xf32> to vector<16xf32>
      %swap3A_439 = vector.shape_cast %mul3A_432 : vector<16xf32> to vector<16xf32>
      tpu.vector_store %arg12[%swap3A], %swap3A_439 {strides = array<i32>} : memref<3200xf32, #tpu.memory_space<vmem>>, vector<16xf32>,
      %get3A_440 = arith.index_cast %scan3A_426 : i32 to index
      %get3A_441 = arith.constant 16 : index
      %get3A_442 = tpu.vector_load %arg9[%get3A_440, %get3A_441] {strides = array<i32>} : memref<50x64xf32, #tpu.memory_space<vmem>>, vector<1x16xf32>,
      %get3A_443 = vector.shape_cast %get3A_442 : vector<1x16xf32> to vector<16xf32>
      %mul3A_444 = arith.constant 8.000000e+00 : f32
      %mul3A_445 = vector.broadcast %mul3A_444 : f32 to vector<16xf32>
      %mul3A_446 = arith.mulf %get3A_443, %mul3A_445 : vector<16xf32>
      %mul3A_447 = arith.constant 64 : i32
      %mul3A_448 = arith.muli %scan3A_426, %mul3A_447 : i32
      %add3A_449 = arith.constant 16 : i32
      %add3A_450 = arith.addi %mul3A_448, %add3A_449 : i32
      %swap3A_451 = arith.index_cast %add3A_450 : i32 to index
      %swap3A_452 = tpu.vector_load %arg12[%swap3A_451] {strides = array<i32>} : memref<3200xf32, #tpu.memory_space<vmem>>, vector<16xf32>,
      %swap3A_453 = vector.shape_cast %swap3A_452 : vector<16xf32> to vector<16xf32>
      %swap3A_454 = vector.shape_cast %mul3A_446 : vector<16xf32> to vector<16xf32>
      tpu.vector_store %arg12[%swap3A_451], %swap3A_454 {strides = array<i32>} : memref<3200xf32, #tpu.memory_space<vmem>>, vector<16xf32>,
      %get3A_455 = arith.index_cast %scan3A_426 : i32 to index
      %get3A_456 = arith.constant 32 : index
      %get3A_457 = tpu.vector_load %arg9[%get3A_455, %get3A_456] {strides = array<i32>} : memref<50x64xf32, #tpu.memory_space<vmem>>, vector<1x16xf32>,
      %get3A_458 = vector.shape_cast %get3A_457 : vector<1x16xf32> to vector<16xf32>
      %mul3A_459 = arith.constant 8.000000e+00 : f32
      %mul3A_460 = vector.broadcast %mul3A_459 : f32 to vector<16xf32>
      %mul3A_461 = arith.mulf %get3A_458, %mul3A_460 : vector<16xf32>
      %mul3A_462 = arith.constant 64 : i32
      %mul3A_463 = arith.muli %scan3A_426, %mul3A_462 : i32
      %add3A_464 = arith.constant 32 : i32
      %add3A_465 = arith.addi %mul3A_463, %add3A_464 : i32
      %swap3A_466 = arith.index_cast %add3A_465 : i32 to index
      %swap3A_467 = tpu.vector_load %arg12[%swap3A_466] {strides = array<i32>} : memref<3200xf32, #tpu.memory_space<vmem>>, vector<16xf32>,
      %swap3A_468 = vector.shape_cast %swap3A_467 : vector<16xf32> to vector<16xf32>
      %swap3A_469 = vector.shape_cast %mul3A_461 : vector<16xf32> to vector<16xf32>
      tpu.vector_store %arg12[%swap3A_466], %swap3A_469 {strides = array<i32>} : memref<3200xf32, #tpu.memory_space<vmem>>, vector<16xf32>,
      %get3A_470 = arith.index_cast %scan3A_426 : i32 to index
      %get3A_471 = arith.constant 48 : index
      %get3A_472 = tpu.vector_load %arg9[%get3A_470, %get3A_471] {strides = array<i32>} : memref<50x64xf32, #tpu.memory_space<vmem>>, vector<1x16xf32>,
      %get3A_473 = vector.shape_cast %get3A_472 : vector<1x16xf32> to vector<16xf32>
      %mul3A_474 = arith.constant 8.000000e+00 : f32
      %mul3A_475 = vector.broadcast %mul3A_474 : f32 to vector<16xf32>
      %mul3A_476 = arith.mulf %get3A_473, %mul3A_475 : vector<16xf32>
      %mul3A_477 = arith.constant 64 : i32
      %mul3A_478 = arith.muli %scan3A_426, %mul3A_477 : i32
      %add3A_479 = arith.constant 48 : i32
      %add3A_480 = arith.addi %mul3A_478, %add3A_479 : i32
      %swap3A_481 = arith.index_cast %add3A_480 : i32 to index
      %swap3A_482 = tpu.vector_load %arg12[%swap3A_481] {strides = array<i32>} : memref<3200xf32, #tpu.memory_space<vmem>>, vector<16xf32>,
      %swap3A_483 = vector.shape_cast %swap3A_482 : vector<16xf32> to vector<16xf32>
      %swap3A_484 = vector.shape_cast %mul3A_476 : vector<16xf32> to vector<16xf32>
      tpu.vector_store %arg12[%swap3A_481], %swap3A_484 {strides = array<i32>} : memref<3200xf32, #tpu.memory_space<vmem>>, vector<16xf32>,
    }
    %scan3A_136 = arith.constant 50 : i32
    %add3A_137 = arith.constant 3 : i32
    %add3A_138 = arith.addi %mul3A_2, %add3A_137 : i32
    %mul3A_139 = arith.constant 3200 : i32
    %mul3A_140 = arith.muli %add3A_138, %mul3A_139 : i32
    %dma_start3A_141 = tpu.memref_slice %arg4[%mul3A_140] : memref<52428800xf32, #tpu.memory_space<hbm>> -> memref<3200xf32, #tpu.memory_space<hbm>>
    %dma_start3A_142 = tpu.memref_slice %arg4[%mul3A_140] : memref<52428800xf32, #tpu.memory_space<hbm>> -> memref<3200xf32, #tpu.memory_space<hbm>>
    tpu.enqueue_dma source(%arg12 : memref<3200xf32, #tpu.memory_space<vmem>>) target(%dma_start3A_142 : memref<3200xf32, #tpu.memory_space<hbm>>) target_semaphore(%arg21 : memref<!tpu.dma_semaphore, #tpu.memory_space<semaphore_mem>>)
    %dma_start3A_143 = arith.constant 9 : i32
    %dma_start3A_144 = arith.constant 0 : i32
    %dma_start3A_145 = tpu.memref_slice %arg5[%dma_start3A_143, %dma_start3A_144] : memref<512x50xi32, #tpu.memory_space<vmem>> -> memref<1x50xi32, #tpu.memory_space<vmem>>
    %dma_start3A_146 = tpu.memref_squeeze %dma_start3A_145 : memref<1x50xi32, #tpu.memory_space<vmem>> -> memref<50xi32, #tpu.memory_space<vmem>>
    %dma_start3A_147 = arith.constant 0 : i32
    %dma_start3A_148 = arith.constant 0 : i32
    %dma_start3A_149 = tpu.memref_slice %arg3[%dma_start3A_147, %dma_start3A_148] : memref<1000000x64xf32, #tpu.memory_space<hbm>> -> memref<1000000x64xf32, #tpu.memory_space<hbm>>
    tpu.enqueue_indirect_dma source(%dma_start3A_149 : memref<1000000x64xf32, #tpu.memory_space<hbm>>) target(%arg9 : memref<50x64xf32, #tpu.memory_space<vmem>>) offsets(%dma_start3A_146 : memref<50xi32, #tpu.memory_space<vmem>>) semaphore(%arg18 : memref<!tpu.dma_semaphore, #tpu.memory_space<semaphore_mem>>)
    %dma_wait3A_150 = arith.constant 0 : i32
    %dma_wait3A_151 = tpu.memref_slice %arg4[%dma_wait3A_150] : memref<52428800xf32, #tpu.memory_space<hbm>> -> memref<3200xf32, #tpu.memory_space<hbm>>
    %dma_wait3A_152 = arith.constant 0 : i32
    %dma_wait3A_153 = tpu.memref_slice %arg4[%dma_wait3A_152] : memref<52428800xf32, #tpu.memory_space<hbm>> -> memref<3200xf32, #tpu.memory_space<hbm>>
    tpu.wait_dma2 semaphore(%arg22 : memref<!tpu.dma_semaphore, #tpu.memory_space<semaphore_mem>>) src(%arg13 : memref<3200xf32, #tpu.memory_space<vmem>>) dst(%dma_wait3A_153 : memref<3200xf32, #tpu.memory_space<hbm>>)
    %dma_wait3A_154 = arith.constant 0 : i32
    %dma_wait3A_155 = arith.constant 0 : i32
    %dma_wait3A_156 = tpu.memref_slice %arg5[%dma_wait3A_154, %dma_wait3A_155] : memref<512x50xi32, #tpu.memory_space<vmem>> -> memref<1x50xi32, #tpu.memory_space<vmem>>
    %dma_wait3A_157 = tpu.memref_squeeze %dma_wait3A_156 : memref<1x50xi32, #tpu.memory_space<vmem>> -> memref<50xi32, #tpu.memory_space<vmem>>
    %dma_wait3A_158 = arith.constant 0 : i32
    %dma_wait3A_159 = arith.constant 0 : i32
    %dma_wait3A_160 = tpu.memref_slice %arg3[%dma_wait3A_158, %dma_wait3A_159] : memref<1000000x64xf32, #tpu.memory_space<hbm>> -> memref<1000000x64xf32, #tpu.memory_space<hbm>>
    tpu.wait_indirect_dma semaphore(%arg19 : memref<!tpu.dma_semaphore, #tpu.memory_space<semaphore_mem>>) src(%dma_wait3A_160 : memref<1000000x64xf32, #tpu.memory_space<hbm>>) dst(%arg10 : memref<50x64xf32, #tpu.memory_space<vmem>>)
    %scan3A_161 = arith.constant 0 : i32
    %scan3A_162 = arith.constant 0 : i32
    %scan3A_163 = arith.constant 50 : i32
    %scan3A_164 = arith.addi %scan3A_162, %scan3A_163 : i32
    %scan3A_165 = arith.constant 1 : i32
    scf.for %scan3A_426 = %scan3A_162 to %scan3A_164 step %scan3A_165  : i32 {
      %get3A = arith.index_cast %scan3A_426 : i32 to index
      %get3A_427 = arith.constant 0 : index
      %get3A_428 = tpu.vector_load %arg10[%get3A, %get3A_427] {strides = array<i32>} : memref<50x64xf32, #tpu.memory_space<vmem>>, vector<1x16xf32>,
      %get3A_429 = vector.shape_cast %get3A_428 : vector<1x16xf32> to vector<16xf32>
      %mul3A_430 = arith.constant 8.000000e+00 : f32
      %mul3A_431 = vector.broadcast %mul3A_430 : f32 to vector<16xf32>
      %mul3A_432 = arith.mulf %get3A_429, %mul3A_431 : vector<16xf32>
      %mul3A_433 = arith.constant 64 : i32
      %mul3A_434 = arith.muli %scan3A_426, %mul3A_433 : i32
      %add3A_435 = arith.constant 0 : i32
      %add3A_436 = arith.addi %mul3A_434, %add3A_435 : i32
      %swap3A = arith.index_cast %add3A_436 : i32 to index
      %swap3A_437 = tpu.vector_load %arg13[%swap3A] {strides = array<i32>} : memref<3200xf32, #tpu.memory_space<vmem>>, vector<16xf32>,
      %swap3A_438 = vector.shape_cast %swap3A_437 : vector<16xf32> to vector<16xf32>
      %swap3A_439 = vector.shape_cast %mul3A_432 : vector<16xf32> to vector<16xf32>
      tpu.vector_store %arg13[%swap3A], %swap3A_439 {strides = array<i32>} : memref<3200xf32, #tpu.memory_space<vmem>>, vector<16xf32>,
      %get3A_440 = arith.index_cast %scan3A_426 : i32 to index
      %get3A_441 = arith.constant 16 : index
      %get3A_442 = tpu.vector_load %arg10[%get3A_440, %get3A_441] {strides = array<i32>} : memref<50x64xf32, #tpu.memory_space<vmem>>, vector<1x16xf32>,
      %get3A_443 = vector.shape_cast %get3A_442 : vector<1x16xf32> to vector<16xf32>
      %mul3A_444 = arith.constant 8.000000e+00 : f32
      %mul3A_445 = vector.broadcast %mul3A_444 : f32 to vector<16xf32>
      %mul3A_446 = arith.mulf %get3A_443, %mul3A_445 : vector<16xf32>
      %mul3A_447 = arith.constant 64 : i32
      %mul3A_448 = arith.muli %scan3A_426, %mul3A_447 : i32
      %add3A_449 = arith.constant 16 : i32
      %add3A_450 = arith.addi %mul3A_448, %add3A_449 : i32
      %swap3A_451 = arith.index_cast %add3A_450 : i32 to index
      %swap3A_452 = tpu.vector_load %arg13[%swap3A_451] {strides = array<i32>} : memref<3200xf32, #tpu.memory_space<vmem>>, vector<16xf32>,
      %swap3A_453 = vector.shape_cast %swap3A_452 : vector<16xf32> to vector<16xf32>
      %swap3A_454 = vector.shape_cast %mul3A_446 : vector<16xf32> to vector<16xf32>
      tpu.vector_store %arg13[%swap3A_451], %swap3A_454 {strides = array<i32>} : memref<3200xf32, #tpu.memory_space<vmem>>, vector<16xf32>,
      %get3A_455 = arith.index_cast %scan3A_426 : i32 to index
      %get3A_456 = arith.constant 32 : index
      %get3A_457 = tpu.vector_load %arg10[%get3A_455, %get3A_456] {strides = array<i32>} : memref<50x64xf32, #tpu.memory_space<vmem>>, vector<1x16xf32>,
      %get3A_458 = vector.shape_cast %get3A_457 : vector<1x16xf32> to vector<16xf32>
      %mul3A_459 = arith.constant 8.000000e+00 : f32
      %mul3A_460 = vector.broadcast %mul3A_459 : f32 to vector<16xf32>
      %mul3A_461 = arith.mulf %get3A_458, %mul3A_460 : vector<16xf32>
      %mul3A_462 = arith.constant 64 : i32
      %mul3A_463 = arith.muli %scan3A_426, %mul3A_462 : i32
      %add3A_464 = arith.constant 32 : i32
      %add3A_465 = arith.addi %mul3A_463, %add3A_464 : i32
      %swap3A_466 = arith.index_cast %add3A_465 : i32 to index
      %swap3A_467 = tpu.vector_load %arg13[%swap3A_466] {strides = array<i32>} : memref<3200xf32, #tpu.memory_space<vmem>>, vector<16xf32>,
      %swap3A_468 = vector.shape_cast %swap3A_467 : vector<16xf32> to vector<16xf32>
      %swap3A_469 = vector.shape_cast %mul3A_461 : vector<16xf32> to vector<16xf32>
      tpu.vector_store %arg13[%swap3A_466], %swap3A_469 {strides = array<i32>} : memref<3200xf32, #tpu.memory_space<vmem>>, vector<16xf32>,
      %get3A_470 = arith.index_cast %scan3A_426 : i32 to index
      %get3A_471 = arith.constant 48 : index
      %get3A_472 = tpu.vector_load %arg10[%get3A_470, %get3A_471] {strides = array<i32>} : memref<50x64xf32, #tpu.memory_space<vmem>>, vector<1x16xf32>,
      %get3A_473 = vector.shape_cast %get3A_472 : vector<1x16xf32> to vector<16xf32>
      %mul3A_474 = arith.constant 8.000000e+00 : f32
      %mul3A_475 = vector.broadcast %mul3A_474 : f32 to vector<16xf32>
      %mul3A_476 = arith.mulf %get3A_473, %mul3A_475 : vector<16xf32>
      %mul3A_477 = arith.constant 64 : i32
      %mul3A_478 = arith.muli %scan3A_426, %mul3A_477 : i32
      %add3A_479 = arith.constant 48 : i32
      %add3A_480 = arith.addi %mul3A_478, %add3A_479 : i32
      %swap3A_481 = arith.index_cast %add3A_480 : i32 to index
      %swap3A_482 = tpu.vector_load %arg13[%swap3A_481] {strides = array<i32>} : memref<3200xf32, #tpu.memory_space<vmem>>, vector<16xf32>,
      %swap3A_483 = vector.shape_cast %swap3A_482 : vector<16xf32> to vector<16xf32>
      %swap3A_484 = vector.shape_cast %mul3A_476 : vector<16xf32> to vector<16xf32>
      tpu.vector_store %arg13[%swap3A_481], %swap3A_484 {strides = array<i32>} : memref<3200xf32, #tpu.memory_space<vmem>>, vector<16xf32>,
    }
    %scan3A_166 = arith.constant 50 : i32
    %add3A_167 = arith.constant 4 : i32
    %add3A_168 = arith.addi %mul3A_2, %add3A_167 : i32
    %mul3A_169 = arith.constant 3200 : i32
    %mul3A_170 = arith.muli %add3A_168, %mul3A_169 : i32
    %dma_start3A_171 = tpu.memref_slice %arg4[%mul3A_170] : memref<52428800xf32, #tpu.memory_space<hbm>> -> memref<3200xf32, #tpu.memory_space<hbm>>
    %dma_start3A_172 = tpu.memref_slice %arg4[%mul3A_170] : memref<52428800xf32, #tpu.memory_space<hbm>> -> memref<3200xf32, #tpu.memory_space<hbm>>
    tpu.enqueue_dma source(%arg13 : memref<3200xf32, #tpu.memory_space<vmem>>) target(%dma_start3A_172 : memref<3200xf32, #tpu.memory_space<hbm>>) target_semaphore(%arg22 : memref<!tpu.dma_semaphore, #tpu.memory_space<semaphore_mem>>)
    %dma_start3A_173 = arith.constant 10 : i32
    %dma_start3A_174 = arith.constant 0 : i32
    %dma_start3A_175 = tpu.memref_slice %arg5[%dma_start3A_173, %dma_start3A_174] : memref<512x50xi32, #tpu.memory_space<vmem>> -> memref<1x50xi32, #tpu.memory_space<vmem>>
    %dma_start3A_176 = tpu.memref_squeeze %dma_start3A_175 : memref<1x50xi32, #tpu.memory_space<vmem>> -> memref<50xi32, #tpu.memory_space<vmem>>
    %dma_start3A_177 = arith.constant 0 : i32
    %dma_start3A_178 = arith.constant 0 : i32
    %dma_start3A_179 = tpu.memref_slice %arg3[%dma_start3A_177, %dma_start3A_178] : memref<1000000x64xf32, #tpu.memory_space<hbm>> -> memref<1000000x64xf32, #tpu.memory_space<hbm>>
    tpu.enqueue_indirect_dma source(%dma_start3A_179 : memref<1000000x64xf32, #tpu.memory_space<hbm>>) target(%arg10 : memref<50x64xf32, #tpu.memory_space<vmem>>) offsets(%dma_start3A_176 : memref<50xi32, #tpu.memory_space<vmem>>) semaphore(%arg19 : memref<!tpu.dma_semaphore, #tpu.memory_space<semaphore_mem>>)
    %dma_wait3A_180 = arith.constant 0 : i32
    %dma_wait3A_181 = tpu.memref_slice %arg4[%dma_wait3A_180] : memref<52428800xf32, #tpu.memory_space<hbm>> -> memref<3200xf32, #tpu.memory_space<hbm>>
    %dma_wait3A_182 = arith.constant 0 : i32
    %dma_wait3A_183 = tpu.memref_slice %arg4[%dma_wait3A_182] : memref<52428800xf32, #tpu.memory_space<hbm>> -> memref<3200xf32, #tpu.memory_space<hbm>>
    tpu.wait_dma2 semaphore(%arg23 : memref<!tpu.dma_semaphore, #tpu.memory_space<semaphore_mem>>) src(%arg14 : memref<3200xf32, #tpu.memory_space<vmem>>) dst(%dma_wait3A_183 : memref<3200xf32, #tpu.memory_space<hbm>>)
    %dma_wait3A_184 = arith.constant 0 : i32
    %dma_wait3A_185 = arith.constant 0 : i32
    %dma_wait3A_186 = tpu.memref_slice %arg5[%dma_wait3A_184, %dma_wait3A_185] : memref<512x50xi32, #tpu.memory_space<vmem>> -> memref<1x50xi32, #tpu.memory_space<vmem>>
    %dma_wait3A_187 = tpu.memref_squeeze %dma_wait3A_186 : memref<1x50xi32, #tpu.memory_space<vmem>> -> memref<50xi32, #tpu.memory_space<vmem>>
    %dma_wait3A_188 = arith.constant 0 : i32
    %dma_wait3A_189 = arith.constant 0 : i32
    %dma_wait3A_190 = tpu.memref_slice %arg3[%dma_wait3A_188, %dma_wait3A_189] : memref<1000000x64xf32, #tpu.memory_space<hbm>> -> memref<1000000x64xf32, #tpu.memory_space<hbm>>
    tpu.wait_indirect_dma semaphore(%arg20 : memref<!tpu.dma_semaphore, #tpu.memory_space<semaphore_mem>>) src(%dma_wait3A_190 : memref<1000000x64xf32, #tpu.memory_space<hbm>>) dst(%arg11 : memref<50x64xf32, #tpu.memory_space<vmem>>)
    %scan3A_191 = arith.constant 0 : i32
    %scan3A_192 = arith.constant 0 : i32
    %scan3A_193 = arith.constant 50 : i32
    %scan3A_194 = arith.addi %scan3A_192, %scan3A_193 : i32
    %scan3A_195 = arith.constant 1 : i32
    scf.for %scan3A_426 = %scan3A_192 to %scan3A_194 step %scan3A_195  : i32 {
      %get3A = arith.index_cast %scan3A_426 : i32 to index
      %get3A_427 = arith.constant 0 : index
      %get3A_428 = tpu.vector_load %arg11[%get3A, %get3A_427] {strides = array<i32>} : memref<50x64xf32, #tpu.memory_space<vmem>>, vector<1x16xf32>,
      %get3A_429 = vector.shape_cast %get3A_428 : vector<1x16xf32> to vector<16xf32>
      %mul3A_430 = arith.constant 8.000000e+00 : f32
      %mul3A_431 = vector.broadcast %mul3A_430 : f32 to vector<16xf32>
      %mul3A_432 = arith.mulf %get3A_429, %mul3A_431 : vector<16xf32>
      %mul3A_433 = arith.constant 64 : i32
      %mul3A_434 = arith.muli %scan3A_426, %mul3A_433 : i32
      %add3A_435 = arith.constant 0 : i32
      %add3A_436 = arith.addi %mul3A_434, %add3A_435 : i32
      %swap3A = arith.index_cast %add3A_436 : i32 to index
      %swap3A_437 = tpu.vector_load %arg14[%swap3A] {strides = array<i32>} : memref<3200xf32, #tpu.memory_space<vmem>>, vector<16xf32>,
      %swap3A_438 = vector.shape_cast %swap3A_437 : vector<16xf32> to vector<16xf32>
      %swap3A_439 = vector.shape_cast %mul3A_432 : vector<16xf32> to vector<16xf32>
      tpu.vector_store %arg14[%swap3A], %swap3A_439 {strides = array<i32>} : memref<3200xf32, #tpu.memory_space<vmem>>, vector<16xf32>,
      %get3A_440 = arith.index_cast %scan3A_426 : i32 to index
      %get3A_441 = arith.constant 16 : index
      %get3A_442 = tpu.vector_load %arg11[%get3A_440, %get3A_441] {strides = array<i32>} : memref<50x64xf32, #tpu.memory_space<vmem>>, vector<1x16xf32>,
      %get3A_443 = vector.shape_cast %get3A_442 : vector<1x16xf32> to vector<16xf32>
      %mul3A_444 = arith.constant 8.000000e+00 : f32
      %mul3A_445 = vector.broadcast %mul3A_444 : f32 to vector<16xf32>
      %mul3A_446 = arith.mulf %get3A_443, %mul3A_445 : vector<16xf32>
      %mul3A_447 = arith.constant 64 : i32
      %mul3A_448 = arith.muli %scan3A_426, %mul3A_447 : i32
      %add3A_449 = arith.constant 16 : i32
      %add3A_450 = arith.addi %mul3A_448, %add3A_449 : i32
      %swap3A_451 = arith.index_cast %add3A_450 : i32 to index
      %swap3A_452 = tpu.vector_load %arg14[%swap3A_451] {strides = array<i32>} : memref<3200xf32, #tpu.memory_space<vmem>>, vector<16xf32>,
      %swap3A_453 = vector.shape_cast %swap3A_452 : vector<16xf32> to vector<16xf32>
      %swap3A_454 = vector.shape_cast %mul3A_446 : vector<16xf32> to vector<16xf32>
      tpu.vector_store %arg14[%swap3A_451], %swap3A_454 {strides = array<i32>} : memref<3200xf32, #tpu.memory_space<vmem>>, vector<16xf32>,
      %get3A_455 = arith.index_cast %scan3A_426 : i32 to index
      %get3A_456 = arith.constant 32 : index
      %get3A_457 = tpu.vector_load %arg11[%get3A_455, %get3A_456] {strides = array<i32>} : memref<50x64xf32, #tpu.memory_space<vmem>>, vector<1x16xf32>,
      %get3A_458 = vector.shape_cast %get3A_457 : vector<1x16xf32> to vector<16xf32>
      %mul3A_459 = arith.constant 8.000000e+00 : f32
      %mul3A_460 = vector.broadcast %mul3A_459 : f32 to vector<16xf32>
      %mul3A_461 = arith.mulf %get3A_458, %mul3A_460 : vector<16xf32>
      %mul3A_462 = arith.constant 64 : i32
      %mul3A_463 = arith.muli %scan3A_426, %mul3A_462 : i32
      %add3A_464 = arith.constant 32 : i32
      %add3A_465 = arith.addi %mul3A_463, %add3A_464 : i32
      %swap3A_466 = arith.index_cast %add3A_465 : i32 to index
      %swap3A_467 = tpu.vector_load %arg14[%swap3A_466] {strides = array<i32>} : memref<3200xf32, #tpu.memory_space<vmem>>, vector<16xf32>,
      %swap3A_468 = vector.shape_cast %swap3A_467 : vector<16xf32> to vector<16xf32>
      %swap3A_469 = vector.shape_cast %mul3A_461 : vector<16xf32> to vector<16xf32>
      tpu.vector_store %arg14[%swap3A_466], %swap3A_469 {strides = array<i32>} : memref<3200xf32, #tpu.memory_space<vmem>>, vector<16xf32>,
      %get3A_470 = arith.index_cast %scan3A_426 : i32 to index
      %get3A_471 = arith.constant 48 : index
      %get3A_472 = tpu.vector_load %arg11[%get3A_470, %get3A_471] {strides = array<i32>} : memref<50x64xf32, #tpu.memory_space<vmem>>, vector<1x16xf32>,
      %get3A_473 = vector.shape_cast %get3A_472 : vector<1x16xf32> to vector<16xf32>
      %mul3A_474 = arith.constant 8.000000e+00 : f32
      %mul3A_475 = vector.broadcast %mul3A_474 : f32 to vector<16xf32>
      %mul3A_476 = arith.mulf %get3A_473, %mul3A_475 : vector<16xf32>
      %mul3A_477 = arith.constant 64 : i32
      %mul3A_478 = arith.muli %scan3A_426, %mul3A_477 : i32
      %add3A_479 = arith.constant 48 : i32
      %add3A_480 = arith.addi %mul3A_478, %add3A_479 : i32
      %swap3A_481 = arith.index_cast %add3A_480 : i32 to index
      %swap3A_482 = tpu.vector_load %arg14[%swap3A_481] {strides = array<i32>} : memref<3200xf32, #tpu.memory_space<vmem>>, vector<16xf32>,
      %swap3A_483 = vector.shape_cast %swap3A_482 : vector<16xf32> to vector<16xf32>
      %swap3A_484 = vector.shape_cast %mul3A_476 : vector<16xf32> to vector<16xf32>
      tpu.vector_store %arg14[%swap3A_481], %swap3A_484 {strides = array<i32>} : memref<3200xf32, #tpu.memory_space<vmem>>, vector<16xf32>,
    }
    %scan3A_196 = arith.constant 50 : i32
    %add3A_197 = arith.constant 5 : i32
    %add3A_198 = arith.addi %mul3A_2, %add3A_197 : i32
    %mul3A_199 = arith.constant 3200 : i32
    %mul3A_200 = arith.muli %add3A_198, %mul3A_199 : i32
    %dma_start3A_201 = tpu.memref_slice %arg4[%mul3A_200] : memref<52428800xf32, #tpu.memory_space<hbm>> -> memref<3200xf32, #tpu.memory_space<hbm>>
    %dma_start3A_202 = tpu.memref_slice %arg4[%mul3A_200] : memref<52428800xf32, #tpu.memory_space<hbm>> -> memref<3200xf32, #tpu.memory_space<hbm>>
    tpu.enqueue_dma source(%arg14 : memref<3200xf32, #tpu.memory_space<vmem>>) target(%dma_start3A_202 : memref<3200xf32, #tpu.memory_space<hbm>>) target_semaphore(%arg23 : memref<!tpu.dma_semaphore, #tpu.memory_space<semaphore_mem>>)
    %dma_start3A_203 = arith.constant 11 : i32
    %dma_start3A_204 = arith.constant 0 : i32
    %dma_start3A_205 = tpu.memref_slice %arg5[%dma_start3A_203, %dma_start3A_204] : memref<512x50xi32, #tpu.memory_space<vmem>> -> memref<1x50xi32, #tpu.memory_space<vmem>>
    %dma_start3A_206 = tpu.memref_squeeze %dma_start3A_205 : memref<1x50xi32, #tpu.memory_space<vmem>> -> memref<50xi32, #tpu.memory_space<vmem>>
    %dma_start3A_207 = arith.constant 0 : i32
    %dma_start3A_208 = arith.constant 0 : i32
    %dma_start3A_209 = tpu.memref_slice %arg3[%dma_start3A_207, %dma_start3A_208] : memref<1000000x64xf32, #tpu.memory_space<hbm>> -> memref<1000000x64xf32, #tpu.memory_space<hbm>>
    tpu.enqueue_indirect_dma source(%dma_start3A_209 : memref<1000000x64xf32, #tpu.memory_space<hbm>>) target(%arg11 : memref<50x64xf32, #tpu.memory_space<vmem>>) offsets(%dma_start3A_206 : memref<50xi32, #tpu.memory_space<vmem>>) semaphore(%arg20 : memref<!tpu.dma_semaphore, #tpu.memory_space<semaphore_mem>>)
    %scan3A_210 = arith.constant 0 : i32
    %scan3A_211 = arith.constant 0 : i32
    %scan3A_212 = arith.constant 83 : i32
    %scan3A_213 = arith.addi %scan3A_211, %scan3A_212 : i32
    %scan3A_214 = arith.constant 1 : i32
    scf.for %scan3A_426 = %scan3A_211 to %scan3A_213 step %scan3A_214  : i32 {
      %mul3A_427 = arith.constant 6 : i32
      %mul3A_428 = arith.muli %scan3A_426, %mul3A_427 : i32
      %add3A_429 = arith.constant 6 : i32
      %add3A_430 = arith.addi %add3A_429, %mul3A_428 : i32
      %add3A_431 = arith.constant 0 : i32
      %add3A_432 = arith.addi %add3A_430, %add3A_431 : i32
      %dma_wait3A_433 = arith.constant 0 : i32
      %dma_wait3A_434 = tpu.memref_slice %arg4[%dma_wait3A_433] : memref<52428800xf32, #tpu.memory_space<hbm>> -> memref<3200xf32, #tpu.memory_space<hbm>>
      %dma_wait3A_435 = arith.constant 0 : i32
      %dma_wait3A_436 = tpu.memref_slice %arg4[%dma_wait3A_435] : memref<52428800xf32, #tpu.memory_space<hbm>> -> memref<3200xf32, #tpu.memory_space<hbm>>
      tpu.wait_dma2 semaphore(%arg21 : memref<!tpu.dma_semaphore, #tpu.memory_space<semaphore_mem>>) src(%arg12 : memref<3200xf32, #tpu.memory_space<vmem>>) dst(%dma_wait3A_436 : memref<3200xf32, #tpu.memory_space<hbm>>)
      %dma_wait3A_437 = arith.constant 0 : i32
      %dma_wait3A_438 = arith.constant 0 : i32
      %dma_wait3A_439 = tpu.memref_slice %arg5[%dma_wait3A_437, %dma_wait3A_438] : memref<512x50xi32, #tpu.memory_space<vmem>> -> memref<1x50xi32, #tpu.memory_space<vmem>>
      %dma_wait3A_440 = tpu.memref_squeeze %dma_wait3A_439 : memref<1x50xi32, #tpu.memory_space<vmem>> -> memref<50xi32, #tpu.memory_space<vmem>>
      %dma_wait3A_441 = arith.constant 0 : i32
      %dma_wait3A_442 = arith.constant 0 : i32
      %dma_wait3A_443 = tpu.memref_slice %arg3[%dma_wait3A_441, %dma_wait3A_442] : memref<1000000x64xf32, #tpu.memory_space<hbm>> -> memref<1000000x64xf32, #tpu.memory_space<hbm>>
      tpu.wait_indirect_dma semaphore(%arg15 : memref<!tpu.dma_semaphore, #tpu.memory_space<semaphore_mem>>) src(%dma_wait3A_443 : memref<1000000x64xf32, #tpu.memory_space<hbm>>) dst(%arg6 : memref<50x64xf32, #tpu.memory_space<vmem>>)
      %scan3A_444 = arith.constant 0 : i32
      %scan3A_445 = arith.constant 0 : i32
      %scan3A_446 = arith.constant 50 : i32
      %scan3A_447 = arith.addi %scan3A_445, %scan3A_446 : i32
      %scan3A_448 = arith.constant 1 : i32
      scf.for %scan3A_623 = %scan3A_445 to %scan3A_447 step %scan3A_448  : i32 {
        %get3A = arith.index_cast %scan3A_623 : i32 to index
        %get3A_624 = arith.constant 0 : index
        %get3A_625 = tpu.vector_load %arg6[%get3A, %get3A_624] {strides = array<i32>} : memref<50x64xf32, #tpu.memory_space<vmem>>, vector<1x16xf32>,
        %get3A_626 = vector.shape_cast %get3A_625 : vector<1x16xf32> to vector<16xf32>
        %mul3A_627 = arith.constant 8.000000e+00 : f32
        %mul3A_628 = vector.broadcast %mul3A_627 : f32 to vector<16xf32>
        %mul3A_629 = arith.mulf %get3A_626, %mul3A_628 : vector<16xf32>
        %mul3A_630 = arith.constant 64 : i32
        %mul3A_631 = arith.muli %scan3A_623, %mul3A_630 : i32
        %add3A_632 = arith.constant 0 : i32
        %add3A_633 = arith.addi %mul3A_631, %add3A_632 : i32
        %swap3A = arith.index_cast %add3A_633 : i32 to index
        %swap3A_634 = tpu.vector_load %arg12[%swap3A] {strides = array<i32>} : memref<3200xf32, #tpu.memory_space<vmem>>, vector<16xf32>,
        %swap3A_635 = vector.shape_cast %swap3A_634 : vector<16xf32> to vector<16xf32>
        %swap3A_636 = vector.shape_cast %mul3A_629 : vector<16xf32> to vector<16xf32>
        tpu.vector_store %arg12[%swap3A], %swap3A_636 {strides = array<i32>} : memref<3200xf32, #tpu.memory_space<vmem>>, vector<16xf32>,
        %get3A_637 = arith.index_cast %scan3A_623 : i32 to index
        %get3A_638 = arith.constant 16 : index
        %get3A_639 = tpu.vector_load %arg6[%get3A_637, %get3A_638] {strides = array<i32>} : memref<50x64xf32, #tpu.memory_space<vmem>>, vector<1x16xf32>,
        %get3A_640 = vector.shape_cast %get3A_639 : vector<1x16xf32> to vector<16xf32>
        %mul3A_641 = arith.constant 8.000000e+00 : f32
        %mul3A_642 = vector.broadcast %mul3A_641 : f32 to vector<16xf32>
        %mul3A_643 = arith.mulf %get3A_640, %mul3A_642 : vector<16xf32>
        %mul3A_644 = arith.constant 64 : i32
        %mul3A_645 = arith.muli %scan3A_623, %mul3A_644 : i32
        %add3A_646 = arith.constant 16 : i32
        %add3A_647 = arith.addi %mul3A_645, %add3A_646 : i32
        %swap3A_648 = arith.index_cast %add3A_647 : i32 to index
        %swap3A_649 = tpu.vector_load %arg12[%swap3A_648] {strides = array<i32>} : memref<3200xf32, #tpu.memory_space<vmem>>, vector<16xf32>,
        %swap3A_650 = vector.shape_cast %swap3A_649 : vector<16xf32> to vector<16xf32>
        %swap3A_651 = vector.shape_cast %mul3A_643 : vector<16xf32> to vector<16xf32>
        tpu.vector_store %arg12[%swap3A_648], %swap3A_651 {strides = array<i32>} : memref<3200xf32, #tpu.memory_space<vmem>>, vector<16xf32>,
        %get3A_652 = arith.index_cast %scan3A_623 : i32 to index
        %get3A_653 = arith.constant 32 : index
        %get3A_654 = tpu.vector_load %arg6[%get3A_652, %get3A_653] {strides = array<i32>} : memref<50x64xf32, #tpu.memory_space<vmem>>, vector<1x16xf32>,
        %get3A_655 = vector.shape_cast %get3A_654 : vector<1x16xf32> to vector<16xf32>
        %mul3A_656 = arith.constant 8.000000e+00 : f32
        %mul3A_657 = vector.broadcast %mul3A_656 : f32 to vector<16xf32>
        %mul3A_658 = arith.mulf %get3A_655, %mul3A_657 : vector<16xf32>
        %mul3A_659 = arith.constant 64 : i32
        %mul3A_660 = arith.muli %scan3A_623, %mul3A_659 : i32
        %add3A_661 = arith.constant 32 : i32
        %add3A_662 = arith.addi %mul3A_660, %add3A_661 : i32
        %swap3A_663 = arith.index_cast %add3A_662 : i32 to index
        %swap3A_664 = tpu.vector_load %arg12[%swap3A_663] {strides = array<i32>} : memref<3200xf32, #tpu.memory_space<vmem>>, vector<16xf32>,
        %swap3A_665 = vector.shape_cast %swap3A_664 : vector<16xf32> to vector<16xf32>
        %swap3A_666 = vector.shape_cast %mul3A_658 : vector<16xf32> to vector<16xf32>
        tpu.vector_store %arg12[%swap3A_663], %swap3A_666 {strides = array<i32>} : memref<3200xf32, #tpu.memory_space<vmem>>, vector<16xf32>,
        %get3A_667 = arith.index_cast %scan3A_623 : i32 to index
        %get3A_668 = arith.constant 48 : index
        %get3A_669 = tpu.vector_load %arg6[%get3A_667, %get3A_668] {strides = array<i32>} : memref<50x64xf32, #tpu.memory_space<vmem>>, vector<1x16xf32>,
        %get3A_670 = vector.shape_cast %get3A_669 : vector<1x16xf32> to vector<16xf32>
        %mul3A_671 = arith.constant 8.000000e+00 : f32
        %mul3A_672 = vector.broadcast %mul3A_671 : f32 to vector<16xf32>
        %mul3A_673 = arith.mulf %get3A_670, %mul3A_672 : vector<16xf32>
        %mul3A_674 = arith.constant 64 : i32
        %mul3A_675 = arith.muli %scan3A_623, %mul3A_674 : i32
        %add3A_676 = arith.constant 48 : i32
        %add3A_677 = arith.addi %mul3A_675, %add3A_676 : i32
        %swap3A_678 = arith.index_cast %add3A_677 : i32 to index
        %swap3A_679 = tpu.vector_load %arg12[%swap3A_678] {strides = array<i32>} : memref<3200xf32, #tpu.memory_space<vmem>>, vector<16xf32>,
        %swap3A_680 = vector.shape_cast %swap3A_679 : vector<16xf32> to vector<16xf32>
        %swap3A_681 = vector.shape_cast %mul3A_673 : vector<16xf32> to vector<16xf32>
        tpu.vector_store %arg12[%swap3A_678], %swap3A_681 {strides = array<i32>} : memref<3200xf32, #tpu.memory_space<vmem>>, vector<16xf32>,
      }
      %scan3A_449 = arith.constant 50 : i32
      %add3A_450 = arith.addi %mul3A_2, %add3A_432 : i32
      %mul3A_451 = arith.constant 3200 : i32
      %mul3A_452 = arith.muli %add3A_450, %mul3A_451 : i32
      %dma_start3A_453 = tpu.memref_slice %arg4[%mul3A_452] : memref<52428800xf32, #tpu.memory_space<hbm>> -> memref<3200xf32, #tpu.memory_space<hbm>>
      %dma_start3A_454 = tpu.memref_slice %arg4[%mul3A_452] : memref<52428800xf32, #tpu.memory_space<hbm>> -> memref<3200xf32, #tpu.memory_space<hbm>>
      tpu.enqueue_dma source(%arg12 : memref<3200xf32, #tpu.memory_space<vmem>>) target(%dma_start3A_454 : memref<3200xf32, #tpu.memory_space<hbm>>) target_semaphore(%arg21 : memref<!tpu.dma_semaphore, #tpu.memory_space<semaphore_mem>>)
      %add3A_455 = arith.constant 6 : i32
      %add3A_456 = arith.addi %add3A_432, %add3A_455 : i32
      %dma_start3A_457 = arith.constant 0 : i32
      %dma_start3A_458 = tpu.memref_slice %arg5[%add3A_456, %dma_start3A_457] : memref<512x50xi32, #tpu.memory_space<vmem>> -> memref<1x50xi32, #tpu.memory_space<vmem>>
      %dma_start3A_459 = tpu.memref_squeeze %dma_start3A_458 : memref<1x50xi32, #tpu.memory_space<vmem>> -> memref<50xi32, #tpu.memory_space<vmem>>
      %dma_start3A_460 = arith.constant 0 : i32
      %dma_start3A_461 = arith.constant 0 : i32
      %dma_start3A_462 = tpu.memref_slice %arg3[%dma_start3A_460, %dma_start3A_461] : memref<1000000x64xf32, #tpu.memory_space<hbm>> -> memref<1000000x64xf32, #tpu.memory_space<hbm>>
      tpu.enqueue_indirect_dma source(%dma_start3A_462 : memref<1000000x64xf32, #tpu.memory_space<hbm>>) target(%arg6 : memref<50x64xf32, #tpu.memory_space<vmem>>) offsets(%dma_start3A_459 : memref<50xi32, #tpu.memory_space<vmem>>) semaphore(%arg15 : memref<!tpu.dma_semaphore, #tpu.memory_space<semaphore_mem>>)
      %add3A_463 = arith.constant 1 : i32
      %add3A_464 = arith.addi %add3A_430, %add3A_463 : i32
      %dma_wait3A_465 = arith.constant 0 : i32
      %dma_wait3A_466 = tpu.memref_slice %arg4[%dma_wait3A_465] : memref<52428800xf32, #tpu.memory_space<hbm>> -> memref<3200xf32, #tpu.memory_space<hbm>>
      %dma_wait3A_467 = arith.constant 0 : i32
      %dma_wait3A_468 = tpu.memref_slice %arg4[%dma_wait3A_467] : memref<52428800xf32, #tpu.memory_space<hbm>> -> memref<3200xf32, #tpu.memory_space<hbm>>
      tpu.wait_dma2 semaphore(%arg22 : memref<!tpu.dma_semaphore, #tpu.memory_space<semaphore_mem>>) src(%arg13 : memref<3200xf32, #tpu.memory_space<vmem>>) dst(%dma_wait3A_468 : memref<3200xf32, #tpu.memory_space<hbm>>)
      %dma_wait3A_469 = arith.constant 0 : i32
      %dma_wait3A_470 = arith.constant 0 : i32
      %dma_wait3A_471 = tpu.memref_slice %arg5[%dma_wait3A_469, %dma_wait3A_470] : memref<512x50xi32, #tpu.memory_space<vmem>> -> memref<1x50xi32, #tpu.memory_space<vmem>>
      %dma_wait3A_472 = tpu.memref_squeeze %dma_wait3A_471 : memref<1x50xi32, #tpu.memory_space<vmem>> -> memref<50xi32, #tpu.memory_space<vmem>>
      %dma_wait3A_473 = arith.constant 0 : i32
      %dma_wait3A_474 = arith.constant 0 : i32
      %dma_wait3A_475 = tpu.memref_slice %arg3[%dma_wait3A_473, %dma_wait3A_474] : memref<1000000x64xf32, #tpu.memory_space<hbm>> -> memref<1000000x64xf32, #tpu.memory_space<hbm>>
      tpu.wait_indirect_dma semaphore(%arg16 : memref<!tpu.dma_semaphore, #tpu.memory_space<semaphore_mem>>) src(%dma_wait3A_475 : memref<1000000x64xf32, #tpu.memory_space<hbm>>) dst(%arg7 : memref<50x64xf32, #tpu.memory_space<vmem>>)
      %scan3A_476 = arith.constant 0 : i32
      %scan3A_477 = arith.constant 0 : i32
      %scan3A_478 = arith.constant 50 : i32
      %scan3A_479 = arith.addi %scan3A_477, %scan3A_478 : i32
      %scan3A_480 = arith.constant 1 : i32
      scf.for %scan3A_623 = %scan3A_477 to %scan3A_479 step %scan3A_480  : i32 {
        %get3A = arith.index_cast %scan3A_623 : i32 to index
        %get3A_624 = arith.constant 0 : index
        %get3A_625 = tpu.vector_load %arg7[%get3A, %get3A_624] {strides = array<i32>} : memref<50x64xf32, #tpu.memory_space<vmem>>, vector<1x16xf32>,
        %get3A_626 = vector.shape_cast %get3A_625 : vector<1x16xf32> to vector<16xf32>
        %mul3A_627 = arith.constant 8.000000e+00 : f32
        %mul3A_628 = vector.broadcast %mul3A_627 : f32 to vector<16xf32>
        %mul3A_629 = arith.mulf %get3A_626, %mul3A_628 : vector<16xf32>
        %mul3A_630 = arith.constant 64 : i32
        %mul3A_631 = arith.muli %scan3A_623, %mul3A_630 : i32
        %add3A_632 = arith.constant 0 : i32
        %add3A_633 = arith.addi %mul3A_631, %add3A_632 : i32
        %swap3A = arith.index_cast %add3A_633 : i32 to index
        %swap3A_634 = tpu.vector_load %arg13[%swap3A] {strides = array<i32>} : memref<3200xf32, #tpu.memory_space<vmem>>, vector<16xf32>,
        %swap3A_635 = vector.shape_cast %swap3A_634 : vector<16xf32> to vector<16xf32>
        %swap3A_636 = vector.shape_cast %mul3A_629 : vector<16xf32> to vector<16xf32>
        tpu.vector_store %arg13[%swap3A], %swap3A_636 {strides = array<i32>} : memref<3200xf32, #tpu.memory_space<vmem>>, vector<16xf32>,
        %get3A_637 = arith.index_cast %scan3A_623 : i32 to index
        %get3A_638 = arith.constant 16 : index
        %get3A_639 = tpu.vector_load %arg7[%get3A_637, %get3A_638] {strides = array<i32>} : memref<50x64xf32, #tpu.memory_space<vmem>>, vector<1x16xf32>,
        %get3A_640 = vector.shape_cast %get3A_639 : vector<1x16xf32> to vector<16xf32>
        %mul3A_641 = arith.constant 8.000000e+00 : f32
        %mul3A_642 = vector.broadcast %mul3A_641 : f32 to vector<16xf32>
        %mul3A_643 = arith.mulf %get3A_640, %mul3A_642 : vector<16xf32>
        %mul3A_644 = arith.constant 64 : i32
        %mul3A_645 = arith.muli %scan3A_623, %mul3A_644 : i32
        %add3A_646 = arith.constant 16 : i32
        %add3A_647 = arith.addi %mul3A_645, %add3A_646 : i32
        %swap3A_648 = arith.index_cast %add3A_647 : i32 to index
        %swap3A_649 = tpu.vector_load %arg13[%swap3A_648] {strides = array<i32>} : memref<3200xf32, #tpu.memory_space<vmem>>, vector<16xf32>,
        %swap3A_650 = vector.shape_cast %swap3A_649 : vector<16xf32> to vector<16xf32>
        %swap3A_651 = vector.shape_cast %mul3A_643 : vector<16xf32> to vector<16xf32>
        tpu.vector_store %arg13[%swap3A_648], %swap3A_651 {strides = array<i32>} : memref<3200xf32, #tpu.memory_space<vmem>>, vector<16xf32>,
        %get3A_652 = arith.index_cast %scan3A_623 : i32 to index
        %get3A_653 = arith.constant 32 : index
        %get3A_654 = tpu.vector_load %arg7[%get3A_652, %get3A_653] {strides = array<i32>} : memref<50x64xf32, #tpu.memory_space<vmem>>, vector<1x16xf32>,
        %get3A_655 = vector.shape_cast %get3A_654 : vector<1x16xf32> to vector<16xf32>
        %mul3A_656 = arith.constant 8.000000e+00 : f32
        %mul3A_657 = vector.broadcast %mul3A_656 : f32 to vector<16xf32>
        %mul3A_658 = arith.mulf %get3A_655, %mul3A_657 : vector<16xf32>
        %mul3A_659 = arith.constant 64 : i32
        %mul3A_660 = arith.muli %scan3A_623, %mul3A_659 : i32
        %add3A_661 = arith.constant 32 : i32
        %add3A_662 = arith.addi %mul3A_660, %add3A_661 : i32
        %swap3A_663 = arith.index_cast %add3A_662 : i32 to index
        %swap3A_664 = tpu.vector_load %arg13[%swap3A_663] {strides = array<i32>} : memref<3200xf32, #tpu.memory_space<vmem>>, vector<16xf32>,
        %swap3A_665 = vector.shape_cast %swap3A_664 : vector<16xf32> to vector<16xf32>
        %swap3A_666 = vector.shape_cast %mul3A_658 : vector<16xf32> to vector<16xf32>
        tpu.vector_store %arg13[%swap3A_663], %swap3A_666 {strides = array<i32>} : memref<3200xf32, #tpu.memory_space<vmem>>, vector<16xf32>,
        %get3A_667 = arith.index_cast %scan3A_623 : i32 to index
        %get3A_668 = arith.constant 48 : index
        %get3A_669 = tpu.vector_load %arg7[%get3A_667, %get3A_668] {strides = array<i32>} : memref<50x64xf32, #tpu.memory_space<vmem>>, vector<1x16xf32>,
        %get3A_670 = vector.shape_cast %get3A_669 : vector<1x16xf32> to vector<16xf32>
        %mul3A_671 = arith.constant 8.000000e+00 : f32
        %mul3A_672 = vector.broadcast %mul3A_671 : f32 to vector<16xf32>
        %mul3A_673 = arith.mulf %get3A_670, %mul3A_672 : vector<16xf32>
        %mul3A_674 = arith.constant 64 : i32
        %mul3A_675 = arith.muli %scan3A_623, %mul3A_674 : i32
        %add3A_676 = arith.constant 48 : i32
        %add3A_677 = arith.addi %mul3A_675, %add3A_676 : i32
        %swap3A_678 = arith.index_cast %add3A_677 : i32 to index
        %swap3A_679 = tpu.vector_load %arg13[%swap3A_678] {strides = array<i32>} : memref<3200xf32, #tpu.memory_space<vmem>>, vector<16xf32>,
        %swap3A_680 = vector.shape_cast %swap3A_679 : vector<16xf32> to vector<16xf32>
        %swap3A_681 = vector.shape_cast %mul3A_673 : vector<16xf32> to vector<16xf32>
        tpu.vector_store %arg13[%swap3A_678], %swap3A_681 {strides = array<i32>} : memref<3200xf32, #tpu.memory_space<vmem>>, vector<16xf32>,
      }
      %scan3A_481 = arith.constant 50 : i32
      %add3A_482 = arith.addi %mul3A_2, %add3A_464 : i32
      %mul3A_483 = arith.constant 3200 : i32
      %mul3A_484 = arith.muli %add3A_482, %mul3A_483 : i32
      %dma_start3A_485 = tpu.memref_slice %arg4[%mul3A_484] : memref<52428800xf32, #tpu.memory_space<hbm>> -> memref<3200xf32, #tpu.memory_space<hbm>>
      %dma_start3A_486 = tpu.memref_slice %arg4[%mul3A_484] : memref<52428800xf32, #tpu.memory_space<hbm>> -> memref<3200xf32, #tpu.memory_space<hbm>>
      tpu.enqueue_dma source(%arg13 : memref<3200xf32, #tpu.memory_space<vmem>>) target(%dma_start3A_486 : memref<3200xf32, #tpu.memory_space<hbm>>) target_semaphore(%arg22 : memref<!tpu.dma_semaphore, #tpu.memory_space<semaphore_mem>>)
      %add3A_487 = arith.constant 6 : i32
      %add3A_488 = arith.addi %add3A_464, %add3A_487 : i32
      %dma_start3A_489 = arith.constant 0 : i32
      %dma_start3A_490 = tpu.memref_slice %arg5[%add3A_488, %dma_start3A_489] : memref<512x50xi32, #tpu.memory_space<vmem>> -> memref<1x50xi32, #tpu.memory_space<vmem>>
      %dma_start3A_491 = tpu.memref_squeeze %dma_start3A_490 : memref<1x50xi32, #tpu.memory_space<vmem>> -> memref<50xi32, #tpu.memory_space<vmem>>
      %dma_start3A_492 = arith.constant 0 : i32
      %dma_start3A_493 = arith.constant 0 : i32
      %dma_start3A_494 = tpu.memref_slice %arg3[%dma_start3A_492, %dma_start3A_493] : memref<1000000x64xf32, #tpu.memory_space<hbm>> -> memref<1000000x64xf32, #tpu.memory_space<hbm>>
      tpu.enqueue_indirect_dma source(%dma_start3A_494 : memref<1000000x64xf32, #tpu.memory_space<hbm>>) target(%arg7 : memref<50x64xf32, #tpu.memory_space<vmem>>) offsets(%dma_start3A_491 : memref<50xi32, #tpu.memory_space<vmem>>) semaphore(%arg16 : memref<!tpu.dma_semaphore, #tpu.memory_space<semaphore_mem>>)
      %add3A_495 = arith.constant 2 : i32
      %add3A_496 = arith.addi %add3A_430, %add3A_495 : i32
      %dma_wait3A_497 = arith.constant 0 : i32
      %dma_wait3A_498 = tpu.memref_slice %arg4[%dma_wait3A_497] : memref<52428800xf32, #tpu.memory_space<hbm>> -> memref<3200xf32, #tpu.memory_space<hbm>>
      %dma_wait3A_499 = arith.constant 0 : i32
      %dma_wait3A_500 = tpu.memref_slice %arg4[%dma_wait3A_499] : memref<52428800xf32, #tpu.memory_space<hbm>> -> memref<3200xf32, #tpu.memory_space<hbm>>
      tpu.wait_dma2 semaphore(%arg23 : memref<!tpu.dma_semaphore, #tpu.memory_space<semaphore_mem>>) src(%arg14 : memref<3200xf32, #tpu.memory_space<vmem>>) dst(%dma_wait3A_500 : memref<3200xf32, #tpu.memory_space<hbm>>)
      %dma_wait3A_501 = arith.constant 0 : i32
      %dma_wait3A_502 = arith.constant 0 : i32
      %dma_wait3A_503 = tpu.memref_slice %arg5[%dma_wait3A_501, %dma_wait3A_502] : memref<512x50xi32, #tpu.memory_space<vmem>> -> memref<1x50xi32, #tpu.memory_space<vmem>>
      %dma_wait3A_504 = tpu.memref_squeeze %dma_wait3A_503 : memref<1x50xi32, #tpu.memory_space<vmem>> -> memref<50xi32, #tpu.memory_space<vmem>>
      %dma_wait3A_505 = arith.constant 0 : i32
      %dma_wait3A_506 = arith.constant 0 : i32
      %dma_wait3A_507 = tpu.memref_slice %arg3[%dma_wait3A_505, %dma_wait3A_506] : memref<1000000x64xf32, #tpu.memory_space<hbm>> -> memref<1000000x64xf32, #tpu.memory_space<hbm>>
      tpu.wait_indirect_dma semaphore(%arg17 : memref<!tpu.dma_semaphore, #tpu.memory_space<semaphore_mem>>) src(%dma_wait3A_507 : memref<1000000x64xf32, #tpu.memory_space<hbm>>) dst(%arg8 : memref<50x64xf32, #tpu.memory_space<vmem>>)
      %scan3A_508 = arith.constant 0 : i32
      %scan3A_509 = arith.constant 0 : i32
      %scan3A_510 = arith.constant 50 : i32
      %scan3A_511 = arith.addi %scan3A_509, %scan3A_510 : i32
      %scan3A_512 = arith.constant 1 : i32
      scf.for %scan3A_623 = %scan3A_509 to %scan3A_511 step %scan3A_512  : i32 {
        %get3A = arith.index_cast %scan3A_623 : i32 to index
        %get3A_624 = arith.constant 0 : index
        %get3A_625 = tpu.vector_load %arg8[%get3A, %get3A_624] {strides = array<i32>} : memref<50x64xf32, #tpu.memory_space<vmem>>, vector<1x16xf32>,
        %get3A_626 = vector.shape_cast %get3A_625 : vector<1x16xf32> to vector<16xf32>
        %mul3A_627 = arith.constant 8.000000e+00 : f32
        %mul3A_628 = vector.broadcast %mul3A_627 : f32 to vector<16xf32>
        %mul3A_629 = arith.mulf %get3A_626, %mul3A_628 : vector<16xf32>
        %mul3A_630 = arith.constant 64 : i32
        %mul3A_631 = arith.muli %scan3A_623, %mul3A_630 : i32
        %add3A_632 = arith.constant 0 : i32
        %add3A_633 = arith.addi %mul3A_631, %add3A_632 : i32
        %swap3A = arith.index_cast %add3A_633 : i32 to index
        %swap3A_634 = tpu.vector_load %arg14[%swap3A] {strides = array<i32>} : memref<3200xf32, #tpu.memory_space<vmem>>, vector<16xf32>,
        %swap3A_635 = vector.shape_cast %swap3A_634 : vector<16xf32> to vector<16xf32>
        %swap3A_636 = vector.shape_cast %mul3A_629 : vector<16xf32> to vector<16xf32>
        tpu.vector_store %arg14[%swap3A], %swap3A_636 {strides = array<i32>} : memref<3200xf32, #tpu.memory_space<vmem>>, vector<16xf32>,
        %get3A_637 = arith.index_cast %scan3A_623 : i32 to index
        %get3A_638 = arith.constant 16 : index
        %get3A_639 = tpu.vector_load %arg8[%get3A_637, %get3A_638] {strides = array<i32>} : memref<50x64xf32, #tpu.memory_space<vmem>>, vector<1x16xf32>,
        %get3A_640 = vector.shape_cast %get3A_639 : vector<1x16xf32> to vector<16xf32>
        %mul3A_641 = arith.constant 8.000000e+00 : f32
        %mul3A_642 = vector.broadcast %mul3A_641 : f32 to vector<16xf32>
        %mul3A_643 = arith.mulf %get3A_640, %mul3A_642 : vector<16xf32>
        %mul3A_644 = arith.constant 64 : i32
        %mul3A_645 = arith.muli %scan3A_623, %mul3A_644 : i32
        %add3A_646 = arith.constant 16 : i32
        %add3A_647 = arith.addi %mul3A_645, %add3A_646 : i32
        %swap3A_648 = arith.index_cast %add3A_647 : i32 to index
        %swap3A_649 = tpu.vector_load %arg14[%swap3A_648] {strides = array<i32>} : memref<3200xf32, #tpu.memory_space<vmem>>, vector<16xf32>,
        %swap3A_650 = vector.shape_cast %swap3A_649 : vector<16xf32> to vector<16xf32>
        %swap3A_651 = vector.shape_cast %mul3A_643 : vector<16xf32> to vector<16xf32>
        tpu.vector_store %arg14[%swap3A_648], %swap3A_651 {strides = array<i32>} : memref<3200xf32, #tpu.memory_space<vmem>>, vector<16xf32>,
        %get3A_652 = arith.index_cast %scan3A_623 : i32 to index
        %get3A_653 = arith.constant 32 : index
        %get3A_654 = tpu.vector_load %arg8[%get3A_652, %get3A_653] {strides = array<i32>} : memref<50x64xf32, #tpu.memory_space<vmem>>, vector<1x16xf32>,
        %get3A_655 = vector.shape_cast %get3A_654 : vector<1x16xf32> to vector<16xf32>
        %mul3A_656 = arith.constant 8.000000e+00 : f32
        %mul3A_657 = vector.broadcast %mul3A_656 : f32 to vector<16xf32>
        %mul3A_658 = arith.mulf %get3A_655, %mul3A_657 : vector<16xf32>
        %mul3A_659 = arith.constant 64 : i32
        %mul3A_660 = arith.muli %scan3A_623, %mul3A_659 : i32
        %add3A_661 = arith.constant 32 : i32
        %add3A_662 = arith.addi %mul3A_660, %add3A_661 : i32
        %swap3A_663 = arith.index_cast %add3A_662 : i32 to index
        %swap3A_664 = tpu.vector_load %arg14[%swap3A_663] {strides = array<i32>} : memref<3200xf32, #tpu.memory_space<vmem>>, vector<16xf32>,
        %swap3A_665 = vector.shape_cast %swap3A_664 : vector<16xf32> to vector<16xf32>
        %swap3A_666 = vector.shape_cast %mul3A_658 : vector<16xf32> to vector<16xf32>
        tpu.vector_store %arg14[%swap3A_663], %swap3A_666 {strides = array<i32>} : memref<3200xf32, #tpu.memory_space<vmem>>, vector<16xf32>,
        %get3A_667 = arith.index_cast %scan3A_623 : i32 to index
        %get3A_668 = arith.constant 48 : index
        %get3A_669 = tpu.vector_load %arg8[%get3A_667, %get3A_668] {strides = array<i32>} : memref<50x64xf32, #tpu.memory_space<vmem>>, vector<1x16xf32>,
        %get3A_670 = vector.shape_cast %get3A_669 : vector<1x16xf32> to vector<16xf32>
        %mul3A_671 = arith.constant 8.000000e+00 : f32
        %mul3A_672 = vector.broadcast %mul3A_671 : f32 to vector<16xf32>
        %mul3A_673 = arith.mulf %get3A_670, %mul3A_672 : vector<16xf32>
        %mul3A_674 = arith.constant 64 : i32
        %mul3A_675 = arith.muli %scan3A_623, %mul3A_674 : i32
        %add3A_676 = arith.constant 48 : i32
        %add3A_677 = arith.addi %mul3A_675, %add3A_676 : i32
        %swap3A_678 = arith.index_cast %add3A_677 : i32 to index
        %swap3A_679 = tpu.vector_load %arg14[%swap3A_678] {strides = array<i32>} : memref<3200xf32, #tpu.memory_space<vmem>>, vector<16xf32>,
        %swap3A_680 = vector.shape_cast %swap3A_679 : vector<16xf32> to vector<16xf32>
        %swap3A_681 = vector.shape_cast %mul3A_673 : vector<16xf32> to vector<16xf32>
        tpu.vector_store %arg14[%swap3A_678], %swap3A_681 {strides = array<i32>} : memref<3200xf32, #tpu.memory_space<vmem>>, vector<16xf32>,
      }
      %scan3A_513 = arith.constant 50 : i32
      %add3A_514 = arith.addi %mul3A_2, %add3A_496 : i32
      %mul3A_515 = arith.constant 3200 : i32
      %mul3A_516 = arith.muli %add3A_514, %mul3A_515 : i32
      %dma_start3A_517 = tpu.memref_slice %arg4[%mul3A_516] : memref<52428800xf32, #tpu.memory_space<hbm>> -> memref<3200xf32, #tpu.memory_space<hbm>>
      %dma_start3A_518 = tpu.memref_slice %arg4[%mul3A_516] : memref<52428800xf32, #tpu.memory_space<hbm>> -> memref<3200xf32, #tpu.memory_space<hbm>>
      tpu.enqueue_dma source(%arg14 : memref<3200xf32, #tpu.memory_space<vmem>>) target(%dma_start3A_518 : memref<3200xf32, #tpu.memory_space<hbm>>) target_semaphore(%arg23 : memref<!tpu.dma_semaphore, #tpu.memory_space<semaphore_mem>>)
      %add3A_519 = arith.constant 6 : i32
      %add3A_520 = arith.addi %add3A_496, %add3A_519 : i32
      %dma_start3A_521 = arith.constant 0 : i32
      %dma_start3A_522 = tpu.memref_slice %arg5[%add3A_520, %dma_start3A_521] : memref<512x50xi32, #tpu.memory_space<vmem>> -> memref<1x50xi32, #tpu.memory_space<vmem>>
      %dma_start3A_523 = tpu.memref_squeeze %dma_start3A_522 : memref<1x50xi32, #tpu.memory_space<vmem>> -> memref<50xi32, #tpu.memory_space<vmem>>
      %dma_start3A_524 = arith.constant 0 : i32
      %dma_start3A_525 = arith.constant 0 : i32
      %dma_start3A_526 = tpu.memref_slice %arg3[%dma_start3A_524, %dma_start3A_525] : memref<1000000x64xf32, #tpu.memory_space<hbm>> -> memref<1000000x64xf32, #tpu.memory_space<hbm>>
      tpu.enqueue_indirect_dma source(%dma_start3A_526 : memref<1000000x64xf32, #tpu.memory_space<hbm>>) target(%arg8 : memref<50x64xf32, #tpu.memory_space<vmem>>) offsets(%dma_start3A_523 : memref<50xi32, #tpu.memory_space<vmem>>) semaphore(%arg17 : memref<!tpu.dma_semaphore, #tpu.memory_space<semaphore_mem>>)
      %add3A_527 = arith.constant 3 : i32
      %add3A_528 = arith.addi %add3A_430, %add3A_527 : i32
      %dma_wait3A_529 = arith.constant 0 : i32
      %dma_wait3A_530 = tpu.memref_slice %arg4[%dma_wait3A_529] : memref<52428800xf32, #tpu.memory_space<hbm>> -> memref<3200xf32, #tpu.memory_space<hbm>>
      %dma_wait3A_531 = arith.constant 0 : i32
      %dma_wait3A_532 = tpu.memref_slice %arg4[%dma_wait3A_531] : memref<52428800xf32, #tpu.memory_space<hbm>> -> memref<3200xf32, #tpu.memory_space<hbm>>
      tpu.wait_dma2 semaphore(%arg21 : memref<!tpu.dma_semaphore, #tpu.memory_space<semaphore_mem>>) src(%arg12 : memref<3200xf32, #tpu.memory_space<vmem>>) dst(%dma_wait3A_532 : memref<3200xf32, #tpu.memory_space<hbm>>)
      %dma_wait3A_533 = arith.constant 0 : i32
      %dma_wait3A_534 = arith.constant 0 : i32
      %dma_wait3A_535 = tpu.memref_slice %arg5[%dma_wait3A_533, %dma_wait3A_534] : memref<512x50xi32, #tpu.memory_space<vmem>> -> memref<1x50xi32, #tpu.memory_space<vmem>>
      %dma_wait3A_536 = tpu.memref_squeeze %dma_wait3A_535 : memref<1x50xi32, #tpu.memory_space<vmem>> -> memref<50xi32, #tpu.memory_space<vmem>>
      %dma_wait3A_537 = arith.constant 0 : i32
      %dma_wait3A_538 = arith.constant 0 : i32
      %dma_wait3A_539 = tpu.memref_slice %arg3[%dma_wait3A_537, %dma_wait3A_538] : memref<1000000x64xf32, #tpu.memory_space<hbm>> -> memref<1000000x64xf32, #tpu.memory_space<hbm>>
      tpu.wait_indirect_dma semaphore(%arg18 : memref<!tpu.dma_semaphore, #tpu.memory_space<semaphore_mem>>) src(%dma_wait3A_539 : memref<1000000x64xf32, #tpu.memory_space<hbm>>) dst(%arg9 : memref<50x64xf32, #tpu.memory_space<vmem>>)
      %scan3A_540 = arith.constant 0 : i32
      %scan3A_541 = arith.constant 0 : i32
      %scan3A_542 = arith.constant 50 : i32
      %scan3A_543 = arith.addi %scan3A_541, %scan3A_542 : i32
      %scan3A_544 = arith.constant 1 : i32
      scf.for %scan3A_623 = %scan3A_541 to %scan3A_543 step %scan3A_544  : i32 {
        %get3A = arith.index_cast %scan3A_623 : i32 to index
        %get3A_624 = arith.constant 0 : index
        %get3A_625 = tpu.vector_load %arg9[%get3A, %get3A_624] {strides = array<i32>} : memref<50x64xf32, #tpu.memory_space<vmem>>, vector<1x16xf32>,
        %get3A_626 = vector.shape_cast %get3A_625 : vector<1x16xf32> to vector<16xf32>
        %mul3A_627 = arith.constant 8.000000e+00 : f32
        %mul3A_628 = vector.broadcast %mul3A_627 : f32 to vector<16xf32>
        %mul3A_629 = arith.mulf %get3A_626, %mul3A_628 : vector<16xf32>
        %mul3A_630 = arith.constant 64 : i32
        %mul3A_631 = arith.muli %scan3A_623, %mul3A_630 : i32
        %add3A_632 = arith.constant 0 : i32
        %add3A_633 = arith.addi %mul3A_631, %add3A_632 : i32
        %swap3A = arith.index_cast %add3A_633 : i32 to index
        %swap3A_634 = tpu.vector_load %arg12[%swap3A] {strides = array<i32>} : memref<3200xf32, #tpu.memory_space<vmem>>, vector<16xf32>,
        %swap3A_635 = vector.shape_cast %swap3A_634 : vector<16xf32> to vector<16xf32>
        %swap3A_636 = vector.shape_cast %mul3A_629 : vector<16xf32> to vector<16xf32>
        tpu.vector_store %arg12[%swap3A], %swap3A_636 {strides = array<i32>} : memref<3200xf32, #tpu.memory_space<vmem>>, vector<16xf32>,
        %get3A_637 = arith.index_cast %scan3A_623 : i32 to index
        %get3A_638 = arith.constant 16 : index
        %get3A_639 = tpu.vector_load %arg9[%get3A_637, %get3A_638] {strides = array<i32>} : memref<50x64xf32, #tpu.memory_space<vmem>>, vector<1x16xf32>,
        %get3A_640 = vector.shape_cast %get3A_639 : vector<1x16xf32> to vector<16xf32>
        %mul3A_641 = arith.constant 8.000000e+00 : f32
        %mul3A_642 = vector.broadcast %mul3A_641 : f32 to vector<16xf32>
        %mul3A_643 = arith.mulf %get3A_640, %mul3A_642 : vector<16xf32>
        %mul3A_644 = arith.constant 64 : i32
        %mul3A_645 = arith.muli %scan3A_623, %mul3A_644 : i32
        %add3A_646 = arith.constant 16 : i32
        %add3A_647 = arith.addi %mul3A_645, %add3A_646 : i32
        %swap3A_648 = arith.index_cast %add3A_647 : i32 to index
        %swap3A_649 = tpu.vector_load %arg12[%swap3A_648] {strides = array<i32>} : memref<3200xf32, #tpu.memory_space<vmem>>, vector<16xf32>,
        %swap3A_650 = vector.shape_cast %swap3A_649 : vector<16xf32> to vector<16xf32>
        %swap3A_651 = vector.shape_cast %mul3A_643 : vector<16xf32> to vector<16xf32>
        tpu.vector_store %arg12[%swap3A_648], %swap3A_651 {strides = array<i32>} : memref<3200xf32, #tpu.memory_space<vmem>>, vector<16xf32>,
        %get3A_652 = arith.index_cast %scan3A_623 : i32 to index
        %get3A_653 = arith.constant 32 : index
        %get3A_654 = tpu.vector_load %arg9[%get3A_652, %get3A_653] {strides = array<i32>} : memref<50x64xf32, #tpu.memory_space<vmem>>, vector<1x16xf32>,
        %get3A_655 = vector.shape_cast %get3A_654 : vector<1x16xf32> to vector<16xf32>
        %mul3A_656 = arith.constant 8.000000e+00 : f32
        %mul3A_657 = vector.broadcast %mul3A_656 : f32 to vector<16xf32>
        %mul3A_658 = arith.mulf %get3A_655, %mul3A_657 : vector<16xf32>
        %mul3A_659 = arith.constant 64 : i32
        %mul3A_660 = arith.muli %scan3A_623, %mul3A_659 : i32
        %add3A_661 = arith.constant 32 : i32
        %add3A_662 = arith.addi %mul3A_660, %add3A_661 : i32
        %swap3A_663 = arith.index_cast %add3A_662 : i32 to index
        %swap3A_664 = tpu.vector_load %arg12[%swap3A_663] {strides = array<i32>} : memref<3200xf32, #tpu.memory_space<vmem>>, vector<16xf32>,
        %swap3A_665 = vector.shape_cast %swap3A_664 : vector<16xf32> to vector<16xf32>
        %swap3A_666 = vector.shape_cast %mul3A_658 : vector<16xf32> to vector<16xf32>
        tpu.vector_store %arg12[%swap3A_663], %swap3A_666 {strides = array<i32>} : memref<3200xf32, #tpu.memory_space<vmem>>, vector<16xf32>,
        %get3A_667 = arith.index_cast %scan3A_623 : i32 to index
        %get3A_668 = arith.constant 48 : index
        %get3A_669 = tpu.vector_load %arg9[%get3A_667, %get3A_668] {strides = array<i32>} : memref<50x64xf32, #tpu.memory_space<vmem>>, vector<1x16xf32>,
        %get3A_670 = vector.shape_cast %get3A_669 : vector<1x16xf32> to vector<16xf32>
        %mul3A_671 = arith.constant 8.000000e+00 : f32
        %mul3A_672 = vector.broadcast %mul3A_671 : f32 to vector<16xf32>
        %mul3A_673 = arith.mulf %get3A_670, %mul3A_672 : vector<16xf32>
        %mul3A_674 = arith.constant 64 : i32
        %mul3A_675 = arith.muli %scan3A_623, %mul3A_674 : i32
        %add3A_676 = arith.constant 48 : i32
        %add3A_677 = arith.addi %mul3A_675, %add3A_676 : i32
        %swap3A_678 = arith.index_cast %add3A_677 : i32 to index
        %swap3A_679 = tpu.vector_load %arg12[%swap3A_678] {strides = array<i32>} : memref<3200xf32, #tpu.memory_space<vmem>>, vector<16xf32>,
        %swap3A_680 = vector.shape_cast %swap3A_679 : vector<16xf32> to vector<16xf32>
        %swap3A_681 = vector.shape_cast %mul3A_673 : vector<16xf32> to vector<16xf32>
        tpu.vector_store %arg12[%swap3A_678], %swap3A_681 {strides = array<i32>} : memref<3200xf32, #tpu.memory_space<vmem>>, vector<16xf32>,
      }
      %scan3A_545 = arith.constant 50 : i32
      %add3A_546 = arith.addi %mul3A_2, %add3A_528 : i32
      %mul3A_547 = arith.constant 3200 : i32
      %mul3A_548 = arith.muli %add3A_546, %mul3A_547 : i32
      %dma_start3A_549 = tpu.memref_slice %arg4[%mul3A_548] : memref<52428800xf32, #tpu.memory_space<hbm>> -> memref<3200xf32, #tpu.memory_space<hbm>>
      %dma_start3A_550 = tpu.memref_slice %arg4[%mul3A_548] : memref<52428800xf32, #tpu.memory_space<hbm>> -> memref<3200xf32, #tpu.memory_space<hbm>>
      tpu.enqueue_dma source(%arg12 : memref<3200xf32, #tpu.memory_space<vmem>>) target(%dma_start3A_550 : memref<3200xf32, #tpu.memory_space<hbm>>) target_semaphore(%arg21 : memref<!tpu.dma_semaphore, #tpu.memory_space<semaphore_mem>>)
      %add3A_551 = arith.constant 6 : i32
      %add3A_552 = arith.addi %add3A_528, %add3A_551 : i32
      %dma_start3A_553 = arith.constant 0 : i32
      %dma_start3A_554 = tpu.memref_slice %arg5[%add3A_552, %dma_start3A_553] : memref<512x50xi32, #tpu.memory_space<vmem>> -> memref<1x50xi32, #tpu.memory_space<vmem>>
      %dma_start3A_555 = tpu.memref_squeeze %dma_start3A_554 : memref<1x50xi32, #tpu.memory_space<vmem>> -> memref<50xi32, #tpu.memory_space<vmem>>
      %dma_start3A_556 = arith.constant 0 : i32
      %dma_start3A_557 = arith.constant 0 : i32
      %dma_start3A_558 = tpu.memref_slice %arg3[%dma_start3A_556, %dma_start3A_557] : memref<1000000x64xf32, #tpu.memory_space<hbm>> -> memref<1000000x64xf32, #tpu.memory_space<hbm>>
      tpu.enqueue_indirect_dma source(%dma_start3A_558 : memref<1000000x64xf32, #tpu.memory_space<hbm>>) target(%arg9 : memref<50x64xf32, #tpu.memory_space<vmem>>) offsets(%dma_start3A_555 : memref<50xi32, #tpu.memory_space<vmem>>) semaphore(%arg18 : memref<!tpu.dma_semaphore, #tpu.memory_space<semaphore_mem>>)
      %add3A_559 = arith.constant 4 : i32
      %add3A_560 = arith.addi %add3A_430, %add3A_559 : i32
      %dma_wait3A_561 = arith.constant 0 : i32
      %dma_wait3A_562 = tpu.memref_slice %arg4[%dma_wait3A_561] : memref<52428800xf32, #tpu.memory_space<hbm>> -> memref<3200xf32, #tpu.memory_space<hbm>>
      %dma_wait3A_563 = arith.constant 0 : i32
      %dma_wait3A_564 = tpu.memref_slice %arg4[%dma_wait3A_563] : memref<52428800xf32, #tpu.memory_space<hbm>> -> memref<3200xf32, #tpu.memory_space<hbm>>
      tpu.wait_dma2 semaphore(%arg22 : memref<!tpu.dma_semaphore, #tpu.memory_space<semaphore_mem>>) src(%arg13 : memref<3200xf32, #tpu.memory_space<vmem>>) dst(%dma_wait3A_564 : memref<3200xf32, #tpu.memory_space<hbm>>)
      %dma_wait3A_565 = arith.constant 0 : i32
      %dma_wait3A_566 = arith.constant 0 : i32
      %dma_wait3A_567 = tpu.memref_slice %arg5[%dma_wait3A_565, %dma_wait3A_566] : memref<512x50xi32, #tpu.memory_space<vmem>> -> memref<1x50xi32, #tpu.memory_space<vmem>>
      %dma_wait3A_568 = tpu.memref_squeeze %dma_wait3A_567 : memref<1x50xi32, #tpu.memory_space<vmem>> -> memref<50xi32, #tpu.memory_space<vmem>>
      %dma_wait3A_569 = arith.constant 0 : i32
      %dma_wait3A_570 = arith.constant 0 : i32
      %dma_wait3A_571 = tpu.memref_slice %arg3[%dma_wait3A_569, %dma_wait3A_570] : memref<1000000x64xf32, #tpu.memory_space<hbm>> -> memref<1000000x64xf32, #tpu.memory_space<hbm>>
      tpu.wait_indirect_dma semaphore(%arg19 : memref<!tpu.dma_semaphore, #tpu.memory_space<semaphore_mem>>) src(%dma_wait3A_571 : memref<1000000x64xf32, #tpu.memory_space<hbm>>) dst(%arg10 : memref<50x64xf32, #tpu.memory_space<vmem>>)
      %scan3A_572 = arith.constant 0 : i32
      %scan3A_573 = arith.constant 0 : i32
      %scan3A_574 = arith.constant 50 : i32
      %scan3A_575 = arith.addi %scan3A_573, %scan3A_574 : i32
      %scan3A_576 = arith.constant 1 : i32
      scf.for %scan3A_623 = %scan3A_573 to %scan3A_575 step %scan3A_576  : i32 {
        %get3A = arith.index_cast %scan3A_623 : i32 to index
        %get3A_624 = arith.constant 0 : index
        %get3A_625 = tpu.vector_load %arg10[%get3A, %get3A_624] {strides = array<i32>} : memref<50x64xf32, #tpu.memory_space<vmem>>, vector<1x16xf32>,
        %get3A_626 = vector.shape_cast %get3A_625 : vector<1x16xf32> to vector<16xf32>
        %mul3A_627 = arith.constant 8.000000e+00 : f32
        %mul3A_628 = vector.broadcast %mul3A_627 : f32 to vector<16xf32>
        %mul3A_629 = arith.mulf %get3A_626, %mul3A_628 : vector<16xf32>
        %mul3A_630 = arith.constant 64 : i32
        %mul3A_631 = arith.muli %scan3A_623, %mul3A_630 : i32
        %add3A_632 = arith.constant 0 : i32
        %add3A_633 = arith.addi %mul3A_631, %add3A_632 : i32
        %swap3A = arith.index_cast %add3A_633 : i32 to index
        %swap3A_634 = tpu.vector_load %arg13[%swap3A] {strides = array<i32>} : memref<3200xf32, #tpu.memory_space<vmem>>, vector<16xf32>,
        %swap3A_635 = vector.shape_cast %swap3A_634 : vector<16xf32> to vector<16xf32>
        %swap3A_636 = vector.shape_cast %mul3A_629 : vector<16xf32> to vector<16xf32>
        tpu.vector_store %arg13[%swap3A], %swap3A_636 {strides = array<i32>} : memref<3200xf32, #tpu.memory_space<vmem>>, vector<16xf32>,
        %get3A_637 = arith.index_cast %scan3A_623 : i32 to index
        %get3A_638 = arith.constant 16 : index
        %get3A_639 = tpu.vector_load %arg10[%get3A_637, %get3A_638] {strides = array<i32>} : memref<50x64xf32, #tpu.memory_space<vmem>>, vector<1x16xf32>,
        %get3A_640 = vector.shape_cast %get3A_639 : vector<1x16xf32> to vector<16xf32>
        %mul3A_641 = arith.constant 8.000000e+00 : f32
        %mul3A_642 = vector.broadcast %mul3A_641 : f32 to vector<16xf32>
        %mul3A_643 = arith.mulf %get3A_640, %mul3A_642 : vector<16xf32>
        %mul3A_644 = arith.constant 64 : i32
        %mul3A_645 = arith.muli %scan3A_623, %mul3A_644 : i32
        %add3A_646 = arith.constant 16 : i32
        %add3A_647 = arith.addi %mul3A_645, %add3A_646 : i32
        %swap3A_648 = arith.index_cast %add3A_647 : i32 to index
        %swap3A_649 = tpu.vector_load %arg13[%swap3A_648] {strides = array<i32>} : memref<3200xf32, #tpu.memory_space<vmem>>, vector<16xf32>,
        %swap3A_650 = vector.shape_cast %swap3A_649 : vector<16xf32> to vector<16xf32>
        %swap3A_651 = vector.shape_cast %mul3A_643 : vector<16xf32> to vector<16xf32>
        tpu.vector_store %arg13[%swap3A_648], %swap3A_651 {strides = array<i32>} : memref<3200xf32, #tpu.memory_space<vmem>>, vector<16xf32>,
        %get3A_652 = arith.index_cast %scan3A_623 : i32 to index
        %get3A_653 = arith.constant 32 : index
        %get3A_654 = tpu.vector_load %arg10[%get3A_652, %get3A_653] {strides = array<i32>} : memref<50x64xf32, #tpu.memory_space<vmem>>, vector<1x16xf32>,
        %get3A_655 = vector.shape_cast %get3A_654 : vector<1x16xf32> to vector<16xf32>
        %mul3A_656 = arith.constant 8.000000e+00 : f32
        %mul3A_657 = vector.broadcast %mul3A_656 : f32 to vector<16xf32>
        %mul3A_658 = arith.mulf %get3A_655, %mul3A_657 : vector<16xf32>
        %mul3A_659 = arith.constant 64 : i32
        %mul3A_660 = arith.muli %scan3A_623, %mul3A_659 : i32
        %add3A_661 = arith.constant 32 : i32
        %add3A_662 = arith.addi %mul3A_660, %add3A_661 : i32
        %swap3A_663 = arith.index_cast %add3A_662 : i32 to index
        %swap3A_664 = tpu.vector_load %arg13[%swap3A_663] {strides = array<i32>} : memref<3200xf32, #tpu.memory_space<vmem>>, vector<16xf32>,
        %swap3A_665 = vector.shape_cast %swap3A_664 : vector<16xf32> to vector<16xf32>
        %swap3A_666 = vector.shape_cast %mul3A_658 : vector<16xf32> to vector<16xf32>
        tpu.vector_store %arg13[%swap3A_663], %swap3A_666 {strides = array<i32>} : memref<3200xf32, #tpu.memory_space<vmem>>, vector<16xf32>,
        %get3A_667 = arith.index_cast %scan3A_623 : i32 to index
        %get3A_668 = arith.constant 48 : index
        %get3A_669 = tpu.vector_load %arg10[%get3A_667, %get3A_668] {strides = array<i32>} : memref<50x64xf32, #tpu.memory_space<vmem>>, vector<1x16xf32>,
        %get3A_670 = vector.shape_cast %get3A_669 : vector<1x16xf32> to vector<16xf32>
        %mul3A_671 = arith.constant 8.000000e+00 : f32
        %mul3A_672 = vector.broadcast %mul3A_671 : f32 to vector<16xf32>
        %mul3A_673 = arith.mulf %get3A_670, %mul3A_672 : vector<16xf32>
        %mul3A_674 = arith.constant 64 : i32
        %mul3A_675 = arith.muli %scan3A_623, %mul3A_674 : i32
        %add3A_676 = arith.constant 48 : i32
        %add3A_677 = arith.addi %mul3A_675, %add3A_676 : i32
        %swap3A_678 = arith.index_cast %add3A_677 : i32 to index
        %swap3A_679 = tpu.vector_load %arg13[%swap3A_678] {strides = array<i32>} : memref<3200xf32, #tpu.memory_space<vmem>>, vector<16xf32>,
        %swap3A_680 = vector.shape_cast %swap3A_679 : vector<16xf32> to vector<16xf32>
        %swap3A_681 = vector.shape_cast %mul3A_673 : vector<16xf32> to vector<16xf32>
        tpu.vector_store %arg13[%swap3A_678], %swap3A_681 {strides = array<i32>} : memref<3200xf32, #tpu.memory_space<vmem>>, vector<16xf32>,
      }
      %scan3A_577 = arith.constant 50 : i32
      %add3A_578 = arith.addi %mul3A_2, %add3A_560 : i32
      %mul3A_579 = arith.constant 3200 : i32
      %mul3A_580 = arith.muli %add3A_578, %mul3A_579 : i32
      %dma_start3A_581 = tpu.memref_slice %arg4[%mul3A_580] : memref<52428800xf32, #tpu.memory_space<hbm>> -> memref<3200xf32, #tpu.memory_space<hbm>>
      %dma_start3A_582 = tpu.memref_slice %arg4[%mul3A_580] : memref<52428800xf32, #tpu.memory_space<hbm>> -> memref<3200xf32, #tpu.memory_space<hbm>>
      tpu.enqueue_dma source(%arg13 : memref<3200xf32, #tpu.memory_space<vmem>>) target(%dma_start3A_582 : memref<3200xf32, #tpu.memory_space<hbm>>) target_semaphore(%arg22 : memref<!tpu.dma_semaphore, #tpu.memory_space<semaphore_mem>>)
      %add3A_583 = arith.constant 6 : i32
      %add3A_584 = arith.addi %add3A_560, %add3A_583 : i32
      %dma_start3A_585 = arith.constant 0 : i32
      %dma_start3A_586 = tpu.memref_slice %arg5[%add3A_584, %dma_start3A_585] : memref<512x50xi32, #tpu.memory_space<vmem>> -> memref<1x50xi32, #tpu.memory_space<vmem>>
      %dma_start3A_587 = tpu.memref_squeeze %dma_start3A_586 : memref<1x50xi32, #tpu.memory_space<vmem>> -> memref<50xi32, #tpu.memory_space<vmem>>
      %dma_start3A_588 = arith.constant 0 : i32
      %dma_start3A_589 = arith.constant 0 : i32
      %dma_start3A_590 = tpu.memref_slice %arg3[%dma_start3A_588, %dma_start3A_589] : memref<1000000x64xf32, #tpu.memory_space<hbm>> -> memref<1000000x64xf32, #tpu.memory_space<hbm>>
      tpu.enqueue_indirect_dma source(%dma_start3A_590 : memref<1000000x64xf32, #tpu.memory_space<hbm>>) target(%arg10 : memref<50x64xf32, #tpu.memory_space<vmem>>) offsets(%dma_start3A_587 : memref<50xi32, #tpu.memory_space<vmem>>) semaphore(%arg19 : memref<!tpu.dma_semaphore, #tpu.memory_space<semaphore_mem>>)
      %add3A_591 = arith.constant 5 : i32
      %add3A_592 = arith.addi %add3A_430, %add3A_591 : i32
      %dma_wait3A_593 = arith.constant 0 : i32
      %dma_wait3A_594 = tpu.memref_slice %arg4[%dma_wait3A_593] : memref<52428800xf32, #tpu.memory_space<hbm>> -> memref<3200xf32, #tpu.memory_space<hbm>>
      %dma_wait3A_595 = arith.constant 0 : i32
      %dma_wait3A_596 = tpu.memref_slice %arg4[%dma_wait3A_595] : memref<52428800xf32, #tpu.memory_space<hbm>> -> memref<3200xf32, #tpu.memory_space<hbm>>
      tpu.wait_dma2 semaphore(%arg23 : memref<!tpu.dma_semaphore, #tpu.memory_space<semaphore_mem>>) src(%arg14 : memref<3200xf32, #tpu.memory_space<vmem>>) dst(%dma_wait3A_596 : memref<3200xf32, #tpu.memory_space<hbm>>)
      %dma_wait3A_597 = arith.constant 0 : i32
      %dma_wait3A_598 = arith.constant 0 : i32
      %dma_wait3A_599 = tpu.memref_slice %arg5[%dma_wait3A_597, %dma_wait3A_598] : memref<512x50xi32, #tpu.memory_space<vmem>> -> memref<1x50xi32, #tpu.memory_space<vmem>>
      %dma_wait3A_600 = tpu.memref_squeeze %dma_wait3A_599 : memref<1x50xi32, #tpu.memory_space<vmem>> -> memref<50xi32, #tpu.memory_space<vmem>>
      %dma_wait3A_601 = arith.constant 0 : i32
      %dma_wait3A_602 = arith.constant 0 : i32
      %dma_wait3A_603 = tpu.memref_slice %arg3[%dma_wait3A_601, %dma_wait3A_602] : memref<1000000x64xf32, #tpu.memory_space<hbm>> -> memref<1000000x64xf32, #tpu.memory_space<hbm>>
      tpu.wait_indirect_dma semaphore(%arg20 : memref<!tpu.dma_semaphore, #tpu.memory_space<semaphore_mem>>) src(%dma_wait3A_603 : memref<1000000x64xf32, #tpu.memory_space<hbm>>) dst(%arg11 : memref<50x64xf32, #tpu.memory_space<vmem>>)
      %scan3A_604 = arith.constant 0 : i32
      %scan3A_605 = arith.constant 0 : i32
      %scan3A_606 = arith.constant 50 : i32
      %scan3A_607 = arith.addi %scan3A_605, %scan3A_606 : i32
      %scan3A_608 = arith.constant 1 : i32
      scf.for %scan3A_623 = %scan3A_605 to %scan3A_607 step %scan3A_608  : i32 {
        %get3A = arith.index_cast %scan3A_623 : i32 to index
        %get3A_624 = arith.constant 0 : index
        %get3A_625 = tpu.vector_load %arg11[%get3A, %get3A_624] {strides = array<i32>} : memref<50x64xf32, #tpu.memory_space<vmem>>, vector<1x16xf32>,
        %get3A_626 = vector.shape_cast %get3A_625 : vector<1x16xf32> to vector<16xf32>
        %mul3A_627 = arith.constant 8.000000e+00 : f32
        %mul3A_628 = vector.broadcast %mul3A_627 : f32 to vector<16xf32>
        %mul3A_629 = arith.mulf %get3A_626, %mul3A_628 : vector<16xf32>
        %mul3A_630 = arith.constant 64 : i32
        %mul3A_631 = arith.muli %scan3A_623, %mul3A_630 : i32
        %add3A_632 = arith.constant 0 : i32
        %add3A_633 = arith.addi %mul3A_631, %add3A_632 : i32
        %swap3A = arith.index_cast %add3A_633 : i32 to index
        %swap3A_634 = tpu.vector_load %arg14[%swap3A] {strides = array<i32>} : memref<3200xf32, #tpu.memory_space<vmem>>, vector<16xf32>,
        %swap3A_635 = vector.shape_cast %swap3A_634 : vector<16xf32> to vector<16xf32>
        %swap3A_636 = vector.shape_cast %mul3A_629 : vector<16xf32> to vector<16xf32>
        tpu.vector_store %arg14[%swap3A], %swap3A_636 {strides = array<i32>} : memref<3200xf32, #tpu.memory_space<vmem>>, vector<16xf32>,
        %get3A_637 = arith.index_cast %scan3A_623 : i32 to index
        %get3A_638 = arith.constant 16 : index
        %get3A_639 = tpu.vector_load %arg11[%get3A_637, %get3A_638] {strides = array<i32>} : memref<50x64xf32, #tpu.memory_space<vmem>>, vector<1x16xf32>,
        %get3A_640 = vector.shape_cast %get3A_639 : vector<1x16xf32> to vector<16xf32>
        %mul3A_641 = arith.constant 8.000000e+00 : f32
        %mul3A_642 = vector.broadcast %mul3A_641 : f32 to vector<16xf32>
        %mul3A_643 = arith.mulf %get3A_640, %mul3A_642 : vector<16xf32>
        %mul3A_644 = arith.constant 64 : i32
        %mul3A_645 = arith.muli %scan3A_623, %mul3A_644 : i32
        %add3A_646 = arith.constant 16 : i32
        %add3A_647 = arith.addi %mul3A_645, %add3A_646 : i32
        %swap3A_648 = arith.index_cast %add3A_647 : i32 to index
        %swap3A_649 = tpu.vector_load %arg14[%swap3A_648] {strides = array<i32>} : memref<3200xf32, #tpu.memory_space<vmem>>, vector<16xf32>,
        %swap3A_650 = vector.shape_cast %swap3A_649 : vector<16xf32> to vector<16xf32>
        %swap3A_651 = vector.shape_cast %mul3A_643 : vector<16xf32> to vector<16xf32>
        tpu.vector_store %arg14[%swap3A_648], %swap3A_651 {strides = array<i32>} : memref<3200xf32, #tpu.memory_space<vmem>>, vector<16xf32>,
        %get3A_652 = arith.index_cast %scan3A_623 : i32 to index
        %get3A_653 = arith.constant 32 : index
        %get3A_654 = tpu.vector_load %arg11[%get3A_652, %get3A_653] {strides = array<i32>} : memref<50x64xf32, #tpu.memory_space<vmem>>, vector<1x16xf32>,
        %get3A_655 = vector.shape_cast %get3A_654 : vector<1x16xf32> to vector<16xf32>
        %mul3A_656 = arith.constant 8.000000e+00 : f32
        %mul3A_657 = vector.broadcast %mul3A_656 : f32 to vector<16xf32>
        %mul3A_658 = arith.mulf %get3A_655, %mul3A_657 : vector<16xf32>
        %mul3A_659 = arith.constant 64 : i32
        %mul3A_660 = arith.muli %scan3A_623, %mul3A_659 : i32
        %add3A_661 = arith.constant 32 : i32
        %add3A_662 = arith.addi %mul3A_660, %add3A_661 : i32
        %swap3A_663 = arith.index_cast %add3A_662 : i32 to index
        %swap3A_664 = tpu.vector_load %arg14[%swap3A_663] {strides = array<i32>} : memref<3200xf32, #tpu.memory_space<vmem>>, vector<16xf32>,
        %swap3A_665 = vector.shape_cast %swap3A_664 : vector<16xf32> to vector<16xf32>
        %swap3A_666 = vector.shape_cast %mul3A_658 : vector<16xf32> to vector<16xf32>
        tpu.vector_store %arg14[%swap3A_663], %swap3A_666 {strides = array<i32>} : memref<3200xf32, #tpu.memory_space<vmem>>, vector<16xf32>,
        %get3A_667 = arith.index_cast %scan3A_623 : i32 to index
        %get3A_668 = arith.constant 48 : index
        %get3A_669 = tpu.vector_load %arg11[%get3A_667, %get3A_668] {strides = array<i32>} : memref<50x64xf32, #tpu.memory_space<vmem>>, vector<1x16xf32>,
        %get3A_670 = vector.shape_cast %get3A_669 : vector<1x16xf32> to vector<16xf32>
        %mul3A_671 = arith.constant 8.000000e+00 : f32
        %mul3A_672 = vector.broadcast %mul3A_671 : f32 to vector<16xf32>
        %mul3A_673 = arith.mulf %get3A_670, %mul3A_672 : vector<16xf32>
        %mul3A_674 = arith.constant 64 : i32
        %mul3A_675 = arith.muli %scan3A_623, %mul3A_674 : i32
        %add3A_676 = arith.constant 48 : i32
        %add3A_677 = arith.addi %mul3A_675, %add3A_676 : i32
        %swap3A_678 = arith.index_cast %add3A_677 : i32 to index
        %swap3A_679 = tpu.vector_load %arg14[%swap3A_678] {strides = array<i32>} : memref<3200xf32, #tpu.memory_space<vmem>>, vector<16xf32>,
        %swap3A_680 = vector.shape_cast %swap3A_679 : vector<16xf32> to vector<16xf32>
        %swap3A_681 = vector.shape_cast %mul3A_673 : vector<16xf32> to vector<16xf32>
        tpu.vector_store %arg14[%swap3A_678], %swap3A_681 {strides = array<i32>} : memref<3200xf32, #tpu.memory_space<vmem>>, vector<16xf32>,
      }
      %scan3A_609 = arith.constant 50 : i32
      %add3A_610 = arith.addi %mul3A_2, %add3A_592 : i32
      %mul3A_611 = arith.constant 3200 : i32
      %mul3A_612 = arith.muli %add3A_610, %mul3A_611 : i32
      %dma_start3A_613 = tpu.memref_slice %arg4[%mul3A_612] : memref<52428800xf32, #tpu.memory_space<hbm>> -> memref<3200xf32, #tpu.memory_space<hbm>>
      %dma_start3A_614 = tpu.memref_slice %arg4[%mul3A_612] : memref<52428800xf32, #tpu.memory_space<hbm>> -> memref<3200xf32, #tpu.memory_space<hbm>>
      tpu.enqueue_dma source(%arg14 : memref<3200xf32, #tpu.memory_space<vmem>>) target(%dma_start3A_614 : memref<3200xf32, #tpu.memory_space<hbm>>) target_semaphore(%arg23 : memref<!tpu.dma_semaphore, #tpu.memory_space<semaphore_mem>>)
      %add3A_615 = arith.constant 6 : i32
      %add3A_616 = arith.addi %add3A_592, %add3A_615 : i32
      %dma_start3A_617 = arith.constant 0 : i32
      %dma_start3A_618 = tpu.memref_slice %arg5[%add3A_616, %dma_start3A_617] : memref<512x50xi32, #tpu.memory_space<vmem>> -> memref<1x50xi32, #tpu.memory_space<vmem>>
      %dma_start3A_619 = tpu.memref_squeeze %dma_start3A_618 : memref<1x50xi32, #tpu.memory_space<vmem>> -> memref<50xi32, #tpu.memory_space<vmem>>
      %dma_start3A_620 = arith.constant 0 : i32
      %dma_start3A_621 = arith.constant 0 : i32
      %dma_start3A_622 = tpu.memref_slice %arg3[%dma_start3A_620, %dma_start3A_621] : memref<1000000x64xf32, #tpu.memory_space<hbm>> -> memref<1000000x64xf32, #tpu.memory_space<hbm>>
      tpu.enqueue_indirect_dma source(%dma_start3A_622 : memref<1000000x64xf32, #tpu.memory_space<hbm>>) target(%arg11 : memref<50x64xf32, #tpu.memory_space<vmem>>) offsets(%dma_start3A_619 : memref<50xi32, #tpu.memory_space<vmem>>) semaphore(%arg20 : memref<!tpu.dma_semaphore, #tpu.memory_space<semaphore_mem>>)
    }
    %scan3A_215 = arith.constant 83 : i32
    %dma_wait3A_216 = arith.constant 0 : i32
    %dma_wait3A_217 = tpu.memref_slice %arg4[%dma_wait3A_216] : memref<52428800xf32, #tpu.memory_space<hbm>> -> memref<3200xf32, #tpu.memory_space<hbm>>
    %dma_wait3A_218 = arith.constant 0 : i32
    %dma_wait3A_219 = tpu.memref_slice %arg4[%dma_wait3A_218] : memref<52428800xf32, #tpu.memory_space<hbm>> -> memref<3200xf32, #tpu.memory_space<hbm>>
    tpu.wait_dma2 semaphore(%arg21 : memref<!tpu.dma_semaphore, #tpu.memory_space<semaphore_mem>>) src(%arg12 : memref<3200xf32, #tpu.memory_space<vmem>>) dst(%dma_wait3A_219 : memref<3200xf32, #tpu.memory_space<hbm>>)
    %dma_wait3A_220 = arith.constant 0 : i32
    %dma_wait3A_221 = arith.constant 0 : i32
    %dma_wait3A_222 = tpu.memref_slice %arg5[%dma_wait3A_220, %dma_wait3A_221] : memref<512x50xi32, #tpu.memory_space<vmem>> -> memref<1x50xi32, #tpu.memory_space<vmem>>
    %dma_wait3A_223 = tpu.memref_squeeze %dma_wait3A_222 : memref<1x50xi32, #tpu.memory_space<vmem>> -> memref<50xi32, #tpu.memory_space<vmem>>
    %dma_wait3A_224 = arith.constant 0 : i32
    %dma_wait3A_225 = arith.constant 0 : i32
    %dma_wait3A_226 = tpu.memref_slice %arg3[%dma_wait3A_224, %dma_wait3A_225] : memref<1000000x64xf32, #tpu.memory_space<hbm>> -> memref<1000000x64xf32, #tpu.memory_space<hbm>>
    tpu.wait_indirect_dma semaphore(%arg15 : memref<!tpu.dma_semaphore, #tpu.memory_space<semaphore_mem>>) src(%dma_wait3A_226 : memref<1000000x64xf32, #tpu.memory_space<hbm>>) dst(%arg6 : memref<50x64xf32, #tpu.memory_space<vmem>>)
    %scan3A_227 = arith.constant 0 : i32
    %scan3A_228 = arith.constant 0 : i32
    %scan3A_229 = arith.constant 50 : i32
    %scan3A_230 = arith.addi %scan3A_228, %scan3A_229 : i32
    %scan3A_231 = arith.constant 1 : i32
    scf.for %scan3A_426 = %scan3A_228 to %scan3A_230 step %scan3A_231  : i32 {
      %get3A = arith.index_cast %scan3A_426 : i32 to index
      %get3A_427 = arith.constant 0 : index
      %get3A_428 = tpu.vector_load %arg6[%get3A, %get3A_427] {strides = array<i32>} : memref<50x64xf32, #tpu.memory_space<vmem>>, vector<1x16xf32>,
      %get3A_429 = vector.shape_cast %get3A_428 : vector<1x16xf32> to vector<16xf32>
      %mul3A_430 = arith.constant 8.000000e+00 : f32
      %mul3A_431 = vector.broadcast %mul3A_430 : f32 to vector<16xf32>
      %mul3A_432 = arith.mulf %get3A_429, %mul3A_431 : vector<16xf32>
      %mul3A_433 = arith.constant 64 : i32
      %mul3A_434 = arith.muli %scan3A_426, %mul3A_433 : i32
      %add3A_435 = arith.constant 0 : i32
      %add3A_436 = arith.addi %mul3A_434, %add3A_435 : i32
      %swap3A = arith.index_cast %add3A_436 : i32 to index
      %swap3A_437 = tpu.vector_load %arg12[%swap3A] {strides = array<i32>} : memref<3200xf32, #tpu.memory_space<vmem>>, vector<16xf32>,
      %swap3A_438 = vector.shape_cast %swap3A_437 : vector<16xf32> to vector<16xf32>
      %swap3A_439 = vector.shape_cast %mul3A_432 : vector<16xf32> to vector<16xf32>
      tpu.vector_store %arg12[%swap3A], %swap3A_439 {strides = array<i32>} : memref<3200xf32, #tpu.memory_space<vmem>>, vector<16xf32>,
      %get3A_440 = arith.index_cast %scan3A_426 : i32 to index
      %get3A_441 = arith.constant 16 : index
      %get3A_442 = tpu.vector_load %arg6[%get3A_440, %get3A_441] {strides = array<i32>} : memref<50x64xf32, #tpu.memory_space<vmem>>, vector<1x16xf32>,
      %get3A_443 = vector.shape_cast %get3A_442 : vector<1x16xf32> to vector<16xf32>
      %mul3A_444 = arith.constant 8.000000e+00 : f32
      %mul3A_445 = vector.broadcast %mul3A_444 : f32 to vector<16xf32>
      %mul3A_446 = arith.mulf %get3A_443, %mul3A_445 : vector<16xf32>
      %mul3A_447 = arith.constant 64 : i32
      %mul3A_448 = arith.muli %scan3A_426, %mul3A_447 : i32
      %add3A_449 = arith.constant 16 : i32
      %add3A_450 = arith.addi %mul3A_448, %add3A_449 : i32
      %swap3A_451 = arith.index_cast %add3A_450 : i32 to index
      %swap3A_452 = tpu.vector_load %arg12[%swap3A_451] {strides = array<i32>} : memref<3200xf32, #tpu.memory_space<vmem>>, vector<16xf32>,
      %swap3A_453 = vector.shape_cast %swap3A_452 : vector<16xf32> to vector<16xf32>
      %swap3A_454 = vector.shape_cast %mul3A_446 : vector<16xf32> to vector<16xf32>
      tpu.vector_store %arg12[%swap3A_451], %swap3A_454 {strides = array<i32>} : memref<3200xf32, #tpu.memory_space<vmem>>, vector<16xf32>,
      %get3A_455 = arith.index_cast %scan3A_426 : i32 to index
      %get3A_456 = arith.constant 32 : index
      %get3A_457 = tpu.vector_load %arg6[%get3A_455, %get3A_456] {strides = array<i32>} : memref<50x64xf32, #tpu.memory_space<vmem>>, vector<1x16xf32>,
      %get3A_458 = vector.shape_cast %get3A_457 : vector<1x16xf32> to vector<16xf32>
      %mul3A_459 = arith.constant 8.000000e+00 : f32
      %mul3A_460 = vector.broadcast %mul3A_459 : f32 to vector<16xf32>
      %mul3A_461 = arith.mulf %get3A_458, %mul3A_460 : vector<16xf32>
      %mul3A_462 = arith.constant 64 : i32
      %mul3A_463 = arith.muli %scan3A_426, %mul3A_462 : i32
      %add3A_464 = arith.constant 32 : i32
      %add3A_465 = arith.addi %mul3A_463, %add3A_464 : i32
      %swap3A_466 = arith.index_cast %add3A_465 : i32 to index
      %swap3A_467 = tpu.vector_load %arg12[%swap3A_466] {strides = array<i32>} : memref<3200xf32, #tpu.memory_space<vmem>>, vector<16xf32>,
      %swap3A_468 = vector.shape_cast %swap3A_467 : vector<16xf32> to vector<16xf32>
      %swap3A_469 = vector.shape_cast %mul3A_461 : vector<16xf32> to vector<16xf32>
      tpu.vector_store %arg12[%swap3A_466], %swap3A_469 {strides = array<i32>} : memref<3200xf32, #tpu.memory_space<vmem>>, vector<16xf32>,
      %get3A_470 = arith.index_cast %scan3A_426 : i32 to index
      %get3A_471 = arith.constant 48 : index
      %get3A_472 = tpu.vector_load %arg6[%get3A_470, %get3A_471] {strides = array<i32>} : memref<50x64xf32, #tpu.memory_space<vmem>>, vector<1x16xf32>,
      %get3A_473 = vector.shape_cast %get3A_472 : vector<1x16xf32> to vector<16xf32>
      %mul3A_474 = arith.constant 8.000000e+00 : f32
      %mul3A_475 = vector.broadcast %mul3A_474 : f32 to vector<16xf32>
      %mul3A_476 = arith.mulf %get3A_473, %mul3A_475 : vector<16xf32>
      %mul3A_477 = arith.constant 64 : i32
      %mul3A_478 = arith.muli %scan3A_426, %mul3A_477 : i32
      %add3A_479 = arith.constant 48 : i32
      %add3A_480 = arith.addi %mul3A_478, %add3A_479 : i32
      %swap3A_481 = arith.index_cast %add3A_480 : i32 to index
      %swap3A_482 = tpu.vector_load %arg12[%swap3A_481] {strides = array<i32>} : memref<3200xf32, #tpu.memory_space<vmem>>, vector<16xf32>,
      %swap3A_483 = vector.shape_cast %swap3A_482 : vector<16xf32> to vector<16xf32>
      %swap3A_484 = vector.shape_cast %mul3A_476 : vector<16xf32> to vector<16xf32>
      tpu.vector_store %arg12[%swap3A_481], %swap3A_484 {strides = array<i32>} : memref<3200xf32, #tpu.memory_space<vmem>>, vector<16xf32>,
    }
    %scan3A_232 = arith.constant 50 : i32
    %add3A_233 = arith.constant 504 : i32
    %add3A_234 = arith.addi %mul3A_2, %add3A_233 : i32
    %mul3A_235 = arith.constant 3200 : i32
    %mul3A_236 = arith.muli %add3A_234, %mul3A_235 : i32
    %dma_start3A_237 = tpu.memref_slice %arg4[%mul3A_236] : memref<52428800xf32, #tpu.memory_space<hbm>> -> memref<3200xf32, #tpu.memory_space<hbm>>
    %dma_start3A_238 = tpu.memref_slice %arg4[%mul3A_236] : memref<52428800xf32, #tpu.memory_space<hbm>> -> memref<3200xf32, #tpu.memory_space<hbm>>
    tpu.enqueue_dma source(%arg12 : memref<3200xf32, #tpu.memory_space<vmem>>) target(%dma_start3A_238 : memref<3200xf32, #tpu.memory_space<hbm>>) target_semaphore(%arg21 : memref<!tpu.dma_semaphore, #tpu.memory_space<semaphore_mem>>)
    %dma_start3A_239 = arith.constant 510 : i32
    %dma_start3A_240 = arith.constant 0 : i32
    %dma_start3A_241 = tpu.memref_slice %arg5[%dma_start3A_239, %dma_start3A_240] : memref<512x50xi32, #tpu.memory_space<vmem>> -> memref<1x50xi32, #tpu.memory_space<vmem>>
    %dma_start3A_242 = tpu.memref_squeeze %dma_start3A_241 : memref<1x50xi32, #tpu.memory_space<vmem>> -> memref<50xi32, #tpu.memory_space<vmem>>
    %dma_start3A_243 = arith.constant 0 : i32
    %dma_start3A_244 = arith.constant 0 : i32
    %dma_start3A_245 = tpu.memref_slice %arg3[%dma_start3A_243, %dma_start3A_244] : memref<1000000x64xf32, #tpu.memory_space<hbm>> -> memref<1000000x64xf32, #tpu.memory_space<hbm>>
    tpu.enqueue_indirect_dma source(%dma_start3A_245 : memref<1000000x64xf32, #tpu.memory_space<hbm>>) target(%arg6 : memref<50x64xf32, #tpu.memory_space<vmem>>) offsets(%dma_start3A_242 : memref<50xi32, #tpu.memory_space<vmem>>) semaphore(%arg15 : memref<!tpu.dma_semaphore, #tpu.memory_space<semaphore_mem>>)
    %dma_wait3A_246 = arith.constant 0 : i32
    %dma_wait3A_247 = tpu.memref_slice %arg4[%dma_wait3A_246] : memref<52428800xf32, #tpu.memory_space<hbm>> -> memref<3200xf32, #tpu.memory_space<hbm>>
    %dma_wait3A_248 = arith.constant 0 : i32
    %dma_wait3A_249 = tpu.memref_slice %arg4[%dma_wait3A_248] : memref<52428800xf32, #tpu.memory_space<hbm>> -> memref<3200xf32, #tpu.memory_space<hbm>>
    tpu.wait_dma2 semaphore(%arg22 : memref<!tpu.dma_semaphore, #tpu.memory_space<semaphore_mem>>) src(%arg13 : memref<3200xf32, #tpu.memory_space<vmem>>) dst(%dma_wait3A_249 : memref<3200xf32, #tpu.memory_space<hbm>>)
    %dma_wait3A_250 = arith.constant 0 : i32
    %dma_wait3A_251 = arith.constant 0 : i32
    %dma_wait3A_252 = tpu.memref_slice %arg5[%dma_wait3A_250, %dma_wait3A_251] : memref<512x50xi32, #tpu.memory_space<vmem>> -> memref<1x50xi32, #tpu.memory_space<vmem>>
    %dma_wait3A_253 = tpu.memref_squeeze %dma_wait3A_252 : memref<1x50xi32, #tpu.memory_space<vmem>> -> memref<50xi32, #tpu.memory_space<vmem>>
    %dma_wait3A_254 = arith.constant 0 : i32
    %dma_wait3A_255 = arith.constant 0 : i32
    %dma_wait3A_256 = tpu.memref_slice %arg3[%dma_wait3A_254, %dma_wait3A_255] : memref<1000000x64xf32, #tpu.memory_space<hbm>> -> memref<1000000x64xf32, #tpu.memory_space<hbm>>
    tpu.wait_indirect_dma semaphore(%arg16 : memref<!tpu.dma_semaphore, #tpu.memory_space<semaphore_mem>>) src(%dma_wait3A_256 : memref<1000000x64xf32, #tpu.memory_space<hbm>>) dst(%arg7 : memref<50x64xf32, #tpu.memory_space<vmem>>)
    %scan3A_257 = arith.constant 0 : i32
    %scan3A_258 = arith.constant 0 : i32
    %scan3A_259 = arith.constant 50 : i32
    %scan3A_260 = arith.addi %scan3A_258, %scan3A_259 : i32
    %scan3A_261 = arith.constant 1 : i32
    scf.for %scan3A_426 = %scan3A_258 to %scan3A_260 step %scan3A_261  : i32 {
      %get3A = arith.index_cast %scan3A_426 : i32 to index
      %get3A_427 = arith.constant 0 : index
      %get3A_428 = tpu.vector_load %arg7[%get3A, %get3A_427] {strides = array<i32>} : memref<50x64xf32, #tpu.memory_space<vmem>>, vector<1x16xf32>,
      %get3A_429 = vector.shape_cast %get3A_428 : vector<1x16xf32> to vector<16xf32>
      %mul3A_430 = arith.constant 8.000000e+00 : f32
      %mul3A_431 = vector.broadcast %mul3A_430 : f32 to vector<16xf32>
      %mul3A_432 = arith.mulf %get3A_429, %mul3A_431 : vector<16xf32>
      %mul3A_433 = arith.constant 64 : i32
      %mul3A_434 = arith.muli %scan3A_426, %mul3A_433 : i32
      %add3A_435 = arith.constant 0 : i32
      %add3A_436 = arith.addi %mul3A_434, %add3A_435 : i32
      %swap3A = arith.index_cast %add3A_436 : i32 to index
      %swap3A_437 = tpu.vector_load %arg13[%swap3A] {strides = array<i32>} : memref<3200xf32, #tpu.memory_space<vmem>>, vector<16xf32>,
      %swap3A_438 = vector.shape_cast %swap3A_437 : vector<16xf32> to vector<16xf32>
      %swap3A_439 = vector.shape_cast %mul3A_432 : vector<16xf32> to vector<16xf32>
      tpu.vector_store %arg13[%swap3A], %swap3A_439 {strides = array<i32>} : memref<3200xf32, #tpu.memory_space<vmem>>, vector<16xf32>,
      %get3A_440 = arith.index_cast %scan3A_426 : i32 to index
      %get3A_441 = arith.constant 16 : index
      %get3A_442 = tpu.vector_load %arg7[%get3A_440, %get3A_441] {strides = array<i32>} : memref<50x64xf32, #tpu.memory_space<vmem>>, vector<1x16xf32>,
      %get3A_443 = vector.shape_cast %get3A_442 : vector<1x16xf32> to vector<16xf32>
      %mul3A_444 = arith.constant 8.000000e+00 : f32
      %mul3A_445 = vector.broadcast %mul3A_444 : f32 to vector<16xf32>
      %mul3A_446 = arith.mulf %get3A_443, %mul3A_445 : vector<16xf32>
      %mul3A_447 = arith.constant 64 : i32
      %mul3A_448 = arith.muli %scan3A_426, %mul3A_447 : i32
      %add3A_449 = arith.constant 16 : i32
      %add3A_450 = arith.addi %mul3A_448, %add3A_449 : i32
      %swap3A_451 = arith.index_cast %add3A_450 : i32 to index
      %swap3A_452 = tpu.vector_load %arg13[%swap3A_451] {strides = array<i32>} : memref<3200xf32, #tpu.memory_space<vmem>>, vector<16xf32>,
      %swap3A_453 = vector.shape_cast %swap3A_452 : vector<16xf32> to vector<16xf32>
      %swap3A_454 = vector.shape_cast %mul3A_446 : vector<16xf32> to vector<16xf32>
      tpu.vector_store %arg13[%swap3A_451], %swap3A_454 {strides = array<i32>} : memref<3200xf32, #tpu.memory_space<vmem>>, vector<16xf32>,
      %get3A_455 = arith.index_cast %scan3A_426 : i32 to index
      %get3A_456 = arith.constant 32 : index
      %get3A_457 = tpu.vector_load %arg7[%get3A_455, %get3A_456] {strides = array<i32>} : memref<50x64xf32, #tpu.memory_space<vmem>>, vector<1x16xf32>,
      %get3A_458 = vector.shape_cast %get3A_457 : vector<1x16xf32> to vector<16xf32>
      %mul3A_459 = arith.constant 8.000000e+00 : f32
      %mul3A_460 = vector.broadcast %mul3A_459 : f32 to vector<16xf32>
      %mul3A_461 = arith.mulf %get3A_458, %mul3A_460 : vector<16xf32>
      %mul3A_462 = arith.constant 64 : i32
      %mul3A_463 = arith.muli %scan3A_426, %mul3A_462 : i32
      %add3A_464 = arith.constant 32 : i32
      %add3A_465 = arith.addi %mul3A_463, %add3A_464 : i32
      %swap3A_466 = arith.index_cast %add3A_465 : i32 to index
      %swap3A_467 = tpu.vector_load %arg13[%swap3A_466] {strides = array<i32>} : memref<3200xf32, #tpu.memory_space<vmem>>, vector<16xf32>,
      %swap3A_468 = vector.shape_cast %swap3A_467 : vector<16xf32> to vector<16xf32>
      %swap3A_469 = vector.shape_cast %mul3A_461 : vector<16xf32> to vector<16xf32>
      tpu.vector_store %arg13[%swap3A_466], %swap3A_469 {strides = array<i32>} : memref<3200xf32, #tpu.memory_space<vmem>>, vector<16xf32>,
      %get3A_470 = arith.index_cast %scan3A_426 : i32 to index
      %get3A_471 = arith.constant 48 : index
      %get3A_472 = tpu.vector_load %arg7[%get3A_470, %get3A_471] {strides = array<i32>} : memref<50x64xf32, #tpu.memory_space<vmem>>, vector<1x16xf32>,
      %get3A_473 = vector.shape_cast %get3A_472 : vector<1x16xf32> to vector<16xf32>
      %mul3A_474 = arith.constant 8.000000e+00 : f32
      %mul3A_475 = vector.broadcast %mul3A_474 : f32 to vector<16xf32>
      %mul3A_476 = arith.mulf %get3A_473, %mul3A_475 : vector<16xf32>
      %mul3A_477 = arith.constant 64 : i32
      %mul3A_478 = arith.muli %scan3A_426, %mul3A_477 : i32
      %add3A_479 = arith.constant 48 : i32
      %add3A_480 = arith.addi %mul3A_478, %add3A_479 : i32
      %swap3A_481 = arith.index_cast %add3A_480 : i32 to index
      %swap3A_482 = tpu.vector_load %arg13[%swap3A_481] {strides = array<i32>} : memref<3200xf32, #tpu.memory_space<vmem>>, vector<16xf32>,
      %swap3A_483 = vector.shape_cast %swap3A_482 : vector<16xf32> to vector<16xf32>
      %swap3A_484 = vector.shape_cast %mul3A_476 : vector<16xf32> to vector<16xf32>
      tpu.vector_store %arg13[%swap3A_481], %swap3A_484 {strides = array<i32>} : memref<3200xf32, #tpu.memory_space<vmem>>, vector<16xf32>,
    }
    %scan3A_262 = arith.constant 50 : i32
    %add3A_263 = arith.constant 505 : i32
    %add3A_264 = arith.addi %mul3A_2, %add3A_263 : i32
    %mul3A_265 = arith.constant 3200 : i32
    %mul3A_266 = arith.muli %add3A_264, %mul3A_265 : i32
    %dma_start3A_267 = tpu.memref_slice %arg4[%mul3A_266] : memref<52428800xf32, #tpu.memory_space<hbm>> -> memref<3200xf32, #tpu.memory_space<hbm>>
    %dma_start3A_268 = tpu.memref_slice %arg4[%mul3A_266] : memref<52428800xf32, #tpu.memory_space<hbm>> -> memref<3200xf32, #tpu.memory_space<hbm>>
    tpu.enqueue_dma source(%arg13 : memref<3200xf32, #tpu.memory_space<vmem>>) target(%dma_start3A_268 : memref<3200xf32, #tpu.memory_space<hbm>>) target_semaphore(%arg22 : memref<!tpu.dma_semaphore, #tpu.memory_space<semaphore_mem>>)
    %dma_start3A_269 = arith.constant 511 : i32
    %dma_start3A_270 = arith.constant 0 : i32
    %dma_start3A_271 = tpu.memref_slice %arg5[%dma_start3A_269, %dma_start3A_270] : memref<512x50xi32, #tpu.memory_space<vmem>> -> memref<1x50xi32, #tpu.memory_space<vmem>>
    %dma_start3A_272 = tpu.memref_squeeze %dma_start3A_271 : memref<1x50xi32, #tpu.memory_space<vmem>> -> memref<50xi32, #tpu.memory_space<vmem>>
    %dma_start3A_273 = arith.constant 0 : i32
    %dma_start3A_274 = arith.constant 0 : i32
    %dma_start3A_275 = tpu.memref_slice %arg3[%dma_start3A_273, %dma_start3A_274] : memref<1000000x64xf32, #tpu.memory_space<hbm>> -> memref<1000000x64xf32, #tpu.memory_space<hbm>>
    tpu.enqueue_indirect_dma source(%dma_start3A_275 : memref<1000000x64xf32, #tpu.memory_space<hbm>>) target(%arg7 : memref<50x64xf32, #tpu.memory_space<vmem>>) offsets(%dma_start3A_272 : memref<50xi32, #tpu.memory_space<vmem>>) semaphore(%arg16 : memref<!tpu.dma_semaphore, #tpu.memory_space<semaphore_mem>>)
    %dma_wait3A_276 = arith.constant 0 : i32
    %dma_wait3A_277 = tpu.memref_slice %arg4[%dma_wait3A_276] : memref<52428800xf32, #tpu.memory_space<hbm>> -> memref<3200xf32, #tpu.memory_space<hbm>>
    %dma_wait3A_278 = arith.constant 0 : i32
    %dma_wait3A_279 = tpu.memref_slice %arg4[%dma_wait3A_278] : memref<52428800xf32, #tpu.memory_space<hbm>> -> memref<3200xf32, #tpu.memory_space<hbm>>
    tpu.wait_dma2 semaphore(%arg23 : memref<!tpu.dma_semaphore, #tpu.memory_space<semaphore_mem>>) src(%arg14 : memref<3200xf32, #tpu.memory_space<vmem>>) dst(%dma_wait3A_279 : memref<3200xf32, #tpu.memory_space<hbm>>)
    %dma_wait3A_280 = arith.constant 0 : i32
    %dma_wait3A_281 = arith.constant 0 : i32
    %dma_wait3A_282 = tpu.memref_slice %arg5[%dma_wait3A_280, %dma_wait3A_281] : memref<512x50xi32, #tpu.memory_space<vmem>> -> memref<1x50xi32, #tpu.memory_space<vmem>>
    %dma_wait3A_283 = tpu.memref_squeeze %dma_wait3A_282 : memref<1x50xi32, #tpu.memory_space<vmem>> -> memref<50xi32, #tpu.memory_space<vmem>>
    %dma_wait3A_284 = arith.constant 0 : i32
    %dma_wait3A_285 = arith.constant 0 : i32
    %dma_wait3A_286 = tpu.memref_slice %arg3[%dma_wait3A_284, %dma_wait3A_285] : memref<1000000x64xf32, #tpu.memory_space<hbm>> -> memref<1000000x64xf32, #tpu.memory_space<hbm>>
    tpu.wait_indirect_dma semaphore(%arg17 : memref<!tpu.dma_semaphore, #tpu.memory_space<semaphore_mem>>) src(%dma_wait3A_286 : memref<1000000x64xf32, #tpu.memory_space<hbm>>) dst(%arg8 : memref<50x64xf32, #tpu.memory_space<vmem>>)
    %scan3A_287 = arith.constant 0 : i32
    %scan3A_288 = arith.constant 0 : i32
    %scan3A_289 = arith.constant 50 : i32
    %scan3A_290 = arith.addi %scan3A_288, %scan3A_289 : i32
    %scan3A_291 = arith.constant 1 : i32
    scf.for %scan3A_426 = %scan3A_288 to %scan3A_290 step %scan3A_291  : i32 {
      %get3A = arith.index_cast %scan3A_426 : i32 to index
      %get3A_427 = arith.constant 0 : index
      %get3A_428 = tpu.vector_load %arg8[%get3A, %get3A_427] {strides = array<i32>} : memref<50x64xf32, #tpu.memory_space<vmem>>, vector<1x16xf32>,
      %get3A_429 = vector.shape_cast %get3A_428 : vector<1x16xf32> to vector<16xf32>
      %mul3A_430 = arith.constant 8.000000e+00 : f32
      %mul3A_431 = vector.broadcast %mul3A_430 : f32 to vector<16xf32>
      %mul3A_432 = arith.mulf %get3A_429, %mul3A_431 : vector<16xf32>
      %mul3A_433 = arith.constant 64 : i32
      %mul3A_434 = arith.muli %scan3A_426, %mul3A_433 : i32
      %add3A_435 = arith.constant 0 : i32
      %add3A_436 = arith.addi %mul3A_434, %add3A_435 : i32
      %swap3A = arith.index_cast %add3A_436 : i32 to index
      %swap3A_437 = tpu.vector_load %arg14[%swap3A] {strides = array<i32>} : memref<3200xf32, #tpu.memory_space<vmem>>, vector<16xf32>,
      %swap3A_438 = vector.shape_cast %swap3A_437 : vector<16xf32> to vector<16xf32>
      %swap3A_439 = vector.shape_cast %mul3A_432 : vector<16xf32> to vector<16xf32>
      tpu.vector_store %arg14[%swap3A], %swap3A_439 {strides = array<i32>} : memref<3200xf32, #tpu.memory_space<vmem>>, vector<16xf32>,
      %get3A_440 = arith.index_cast %scan3A_426 : i32 to index
      %get3A_441 = arith.constant 16 : index
      %get3A_442 = tpu.vector_load %arg8[%get3A_440, %get3A_441] {strides = array<i32>} : memref<50x64xf32, #tpu.memory_space<vmem>>, vector<1x16xf32>,
      %get3A_443 = vector.shape_cast %get3A_442 : vector<1x16xf32> to vector<16xf32>
      %mul3A_444 = arith.constant 8.000000e+00 : f32
      %mul3A_445 = vector.broadcast %mul3A_444 : f32 to vector<16xf32>
      %mul3A_446 = arith.mulf %get3A_443, %mul3A_445 : vector<16xf32>
      %mul3A_447 = arith.constant 64 : i32
      %mul3A_448 = arith.muli %scan3A_426, %mul3A_447 : i32
      %add3A_449 = arith.constant 16 : i32
      %add3A_450 = arith.addi %mul3A_448, %add3A_449 : i32
      %swap3A_451 = arith.index_cast %add3A_450 : i32 to index
      %swap3A_452 = tpu.vector_load %arg14[%swap3A_451] {strides = array<i32>} : memref<3200xf32, #tpu.memory_space<vmem>>, vector<16xf32>,
      %swap3A_453 = vector.shape_cast %swap3A_452 : vector<16xf32> to vector<16xf32>
      %swap3A_454 = vector.shape_cast %mul3A_446 : vector<16xf32> to vector<16xf32>
      tpu.vector_store %arg14[%swap3A_451], %swap3A_454 {strides = array<i32>} : memref<3200xf32, #tpu.memory_space<vmem>>, vector<16xf32>,
      %get3A_455 = arith.index_cast %scan3A_426 : i32 to index
      %get3A_456 = arith.constant 32 : index
      %get3A_457 = tpu.vector_load %arg8[%get3A_455, %get3A_456] {strides = array<i32>} : memref<50x64xf32, #tpu.memory_space<vmem>>, vector<1x16xf32>,
      %get3A_458 = vector.shape_cast %get3A_457 : vector<1x16xf32> to vector<16xf32>
      %mul3A_459 = arith.constant 8.000000e+00 : f32
      %mul3A_460 = vector.broadcast %mul3A_459 : f32 to vector<16xf32>
      %mul3A_461 = arith.mulf %get3A_458, %mul3A_460 : vector<16xf32>
      %mul3A_462 = arith.constant 64 : i32
      %mul3A_463 = arith.muli %scan3A_426, %mul3A_462 : i32
      %add3A_464 = arith.constant 32 : i32
      %add3A_465 = arith.addi %mul3A_463, %add3A_464 : i32
      %swap3A_466 = arith.index_cast %add3A_465 : i32 to index
      %swap3A_467 = tpu.vector_load %arg14[%swap3A_466] {strides = array<i32>} : memref<3200xf32, #tpu.memory_space<vmem>>, vector<16xf32>,
      %swap3A_468 = vector.shape_cast %swap3A_467 : vector<16xf32> to vector<16xf32>
      %swap3A_469 = vector.shape_cast %mul3A_461 : vector<16xf32> to vector<16xf32>
      tpu.vector_store %arg14[%swap3A_466], %swap3A_469 {strides = array<i32>} : memref<3200xf32, #tpu.memory_space<vmem>>, vector<16xf32>,
      %get3A_470 = arith.index_cast %scan3A_426 : i32 to index
      %get3A_471 = arith.constant 48 : index
      %get3A_472 = tpu.vector_load %arg8[%get3A_470, %get3A_471] {strides = array<i32>} : memref<50x64xf32, #tpu.memory_space<vmem>>, vector<1x16xf32>,
      %get3A_473 = vector.shape_cast %get3A_472 : vector<1x16xf32> to vector<16xf32>
      %mul3A_474 = arith.constant 8.000000e+00 : f32
      %mul3A_475 = vector.broadcast %mul3A_474 : f32 to vector<16xf32>
      %mul3A_476 = arith.mulf %get3A_473, %mul3A_475 : vector<16xf32>
      %mul3A_477 = arith.constant 64 : i32
      %mul3A_478 = arith.muli %scan3A_426, %mul3A_477 : i32
      %add3A_479 = arith.constant 48 : i32
      %add3A_480 = arith.addi %mul3A_478, %add3A_479 : i32
      %swap3A_481 = arith.index_cast %add3A_480 : i32 to index
      %swap3A_482 = tpu.vector_load %arg14[%swap3A_481] {strides = array<i32>} : memref<3200xf32, #tpu.memory_space<vmem>>, vector<16xf32>,
      %swap3A_483 = vector.shape_cast %swap3A_482 : vector<16xf32> to vector<16xf32>
      %swap3A_484 = vector.shape_cast %mul3A_476 : vector<16xf32> to vector<16xf32>
      tpu.vector_store %arg14[%swap3A_481], %swap3A_484 {strides = array<i32>} : memref<3200xf32, #tpu.memory_space<vmem>>, vector<16xf32>,
    }
    %scan3A_292 = arith.constant 50 : i32
    %add3A_293 = arith.constant 506 : i32
    %add3A_294 = arith.addi %mul3A_2, %add3A_293 : i32
    %mul3A_295 = arith.constant 3200 : i32
    %mul3A_296 = arith.muli %add3A_294, %mul3A_295 : i32
    %dma_start3A_297 = tpu.memref_slice %arg4[%mul3A_296] : memref<52428800xf32, #tpu.memory_space<hbm>> -> memref<3200xf32, #tpu.memory_space<hbm>>
    %dma_start3A_298 = tpu.memref_slice %arg4[%mul3A_296] : memref<52428800xf32, #tpu.memory_space<hbm>> -> memref<3200xf32, #tpu.memory_space<hbm>>
    tpu.enqueue_dma source(%arg14 : memref<3200xf32, #tpu.memory_space<vmem>>) target(%dma_start3A_298 : memref<3200xf32, #tpu.memory_space<hbm>>) target_semaphore(%arg23 : memref<!tpu.dma_semaphore, #tpu.memory_space<semaphore_mem>>)
    %dma_wait3A_299 = arith.constant 0 : i32
    %dma_wait3A_300 = tpu.memref_slice %arg4[%dma_wait3A_299] : memref<52428800xf32, #tpu.memory_space<hbm>> -> memref<3200xf32, #tpu.memory_space<hbm>>
    %dma_wait3A_301 = arith.constant 0 : i32
    %dma_wait3A_302 = tpu.memref_slice %arg4[%dma_wait3A_301] : memref<52428800xf32, #tpu.memory_space<hbm>> -> memref<3200xf32, #tpu.memory_space<hbm>>
    tpu.wait_dma2 semaphore(%arg21 : memref<!tpu.dma_semaphore, #tpu.memory_space<semaphore_mem>>) src(%arg12 : memref<3200xf32, #tpu.memory_space<vmem>>) dst(%dma_wait3A_302 : memref<3200xf32, #tpu.memory_space<hbm>>)
    %dma_wait3A_303 = arith.constant 0 : i32
    %dma_wait3A_304 = arith.constant 0 : i32
    %dma_wait3A_305 = tpu.memref_slice %arg5[%dma_wait3A_303, %dma_wait3A_304] : memref<512x50xi32, #tpu.memory_space<vmem>> -> memref<1x50xi32, #tpu.memory_space<vmem>>
    %dma_wait3A_306 = tpu.memref_squeeze %dma_wait3A_305 : memref<1x50xi32, #tpu.memory_space<vmem>> -> memref<50xi32, #tpu.memory_space<vmem>>
    %dma_wait3A_307 = arith.constant 0 : i32
    %dma_wait3A_308 = arith.constant 0 : i32
    %dma_wait3A_309 = tpu.memref_slice %arg3[%dma_wait3A_307, %dma_wait3A_308] : memref<1000000x64xf32, #tpu.memory_space<hbm>> -> memref<1000000x64xf32, #tpu.memory_space<hbm>>
    tpu.wait_indirect_dma semaphore(%arg18 : memref<!tpu.dma_semaphore, #tpu.memory_space<semaphore_mem>>) src(%dma_wait3A_309 : memref<1000000x64xf32, #tpu.memory_space<hbm>>) dst(%arg9 : memref<50x64xf32, #tpu.memory_space<vmem>>)
    %scan3A_310 = arith.constant 0 : i32
    %scan3A_311 = arith.constant 0 : i32
    %scan3A_312 = arith.constant 50 : i32
    %scan3A_313 = arith.addi %scan3A_311, %scan3A_312 : i32
    %scan3A_314 = arith.constant 1 : i32
    scf.for %scan3A_426 = %scan3A_311 to %scan3A_313 step %scan3A_314  : i32 {
      %get3A = arith.index_cast %scan3A_426 : i32 to index
      %get3A_427 = arith.constant 0 : index
      %get3A_428 = tpu.vector_load %arg9[%get3A, %get3A_427] {strides = array<i32>} : memref<50x64xf32, #tpu.memory_space<vmem>>, vector<1x16xf32>,
      %get3A_429 = vector.shape_cast %get3A_428 : vector<1x16xf32> to vector<16xf32>
      %mul3A_430 = arith.constant 8.000000e+00 : f32
      %mul3A_431 = vector.broadcast %mul3A_430 : f32 to vector<16xf32>
      %mul3A_432 = arith.mulf %get3A_429, %mul3A_431 : vector<16xf32>
      %mul3A_433 = arith.constant 64 : i32
      %mul3A_434 = arith.muli %scan3A_426, %mul3A_433 : i32
      %add3A_435 = arith.constant 0 : i32
      %add3A_436 = arith.addi %mul3A_434, %add3A_435 : i32
      %swap3A = arith.index_cast %add3A_436 : i32 to index
      %swap3A_437 = tpu.vector_load %arg12[%swap3A] {strides = array<i32>} : memref<3200xf32, #tpu.memory_space<vmem>>, vector<16xf32>,
      %swap3A_438 = vector.shape_cast %swap3A_437 : vector<16xf32> to vector<16xf32>
      %swap3A_439 = vector.shape_cast %mul3A_432 : vector<16xf32> to vector<16xf32>
      tpu.vector_store %arg12[%swap3A], %swap3A_439 {strides = array<i32>} : memref<3200xf32, #tpu.memory_space<vmem>>, vector<16xf32>,
      %get3A_440 = arith.index_cast %scan3A_426 : i32 to index
      %get3A_441 = arith.constant 16 : index
      %get3A_442 = tpu.vector_load %arg9[%get3A_440, %get3A_441] {strides = array<i32>} : memref<50x64xf32, #tpu.memory_space<vmem>>, vector<1x16xf32>,
      %get3A_443 = vector.shape_cast %get3A_442 : vector<1x16xf32> to vector<16xf32>
      %mul3A_444 = arith.constant 8.000000e+00 : f32
      %mul3A_445 = vector.broadcast %mul3A_444 : f32 to vector<16xf32>
      %mul3A_446 = arith.mulf %get3A_443, %mul3A_445 : vector<16xf32>
      %mul3A_447 = arith.constant 64 : i32
      %mul3A_448 = arith.muli %scan3A_426, %mul3A_447 : i32
      %add3A_449 = arith.constant 16 : i32
      %add3A_450 = arith.addi %mul3A_448, %add3A_449 : i32
      %swap3A_451 = arith.index_cast %add3A_450 : i32 to index
      %swap3A_452 = tpu.vector_load %arg12[%swap3A_451] {strides = array<i32>} : memref<3200xf32, #tpu.memory_space<vmem>>, vector<16xf32>,
      %swap3A_453 = vector.shape_cast %swap3A_452 : vector<16xf32> to vector<16xf32>
      %swap3A_454 = vector.shape_cast %mul3A_446 : vector<16xf32> to vector<16xf32>
      tpu.vector_store %arg12[%swap3A_451], %swap3A_454 {strides = array<i32>} : memref<3200xf32, #tpu.memory_space<vmem>>, vector<16xf32>,
      %get3A_455 = arith.index_cast %scan3A_426 : i32 to index
      %get3A_456 = arith.constant 32 : index
      %get3A_457 = tpu.vector_load %arg9[%get3A_455, %get3A_456] {strides = array<i32>} : memref<50x64xf32, #tpu.memory_space<vmem>>, vector<1x16xf32>,
      %get3A_458 = vector.shape_cast %get3A_457 : vector<1x16xf32> to vector<16xf32>
      %mul3A_459 = arith.constant 8.000000e+00 : f32
      %mul3A_460 = vector.broadcast %mul3A_459 : f32 to vector<16xf32>
      %mul3A_461 = arith.mulf %get3A_458, %mul3A_460 : vector<16xf32>
      %mul3A_462 = arith.constant 64 : i32
      %mul3A_463 = arith.muli %scan3A_426, %mul3A_462 : i32
      %add3A_464 = arith.constant 32 : i32
      %add3A_465 = arith.addi %mul3A_463, %add3A_464 : i32
      %swap3A_466 = arith.index_cast %add3A_465 : i32 to index
      %swap3A_467 = tpu.vector_load %arg12[%swap3A_466] {strides = array<i32>} : memref<3200xf32, #tpu.memory_space<vmem>>, vector<16xf32>,
      %swap3A_468 = vector.shape_cast %swap3A_467 : vector<16xf32> to vector<16xf32>
      %swap3A_469 = vector.shape_cast %mul3A_461 : vector<16xf32> to vector<16xf32>
      tpu.vector_store %arg12[%swap3A_466], %swap3A_469 {strides = array<i32>} : memref<3200xf32, #tpu.memory_space<vmem>>, vector<16xf32>,
      %get3A_470 = arith.index_cast %scan3A_426 : i32 to index
      %get3A_471 = arith.constant 48 : index
      %get3A_472 = tpu.vector_load %arg9[%get3A_470, %get3A_471] {strides = array<i32>} : memref<50x64xf32, #tpu.memory_space<vmem>>, vector<1x16xf32>,
      %get3A_473 = vector.shape_cast %get3A_472 : vector<1x16xf32> to vector<16xf32>
      %mul3A_474 = arith.constant 8.000000e+00 : f32
      %mul3A_475 = vector.broadcast %mul3A_474 : f32 to vector<16xf32>
      %mul3A_476 = arith.mulf %get3A_473, %mul3A_475 : vector<16xf32>
      %mul3A_477 = arith.constant 64 : i32
      %mul3A_478 = arith.muli %scan3A_426, %mul3A_477 : i32
      %add3A_479 = arith.constant 48 : i32
      %add3A_480 = arith.addi %mul3A_478, %add3A_479 : i32
      %swap3A_481 = arith.index_cast %add3A_480 : i32 to index
      %swap3A_482 = tpu.vector_load %arg12[%swap3A_481] {strides = array<i32>} : memref<3200xf32, #tpu.memory_space<vmem>>, vector<16xf32>,
      %swap3A_483 = vector.shape_cast %swap3A_482 : vector<16xf32> to vector<16xf32>
      %swap3A_484 = vector.shape_cast %mul3A_476 : vector<16xf32> to vector<16xf32>
      tpu.vector_store %arg12[%swap3A_481], %swap3A_484 {strides = array<i32>} : memref<3200xf32, #tpu.memory_space<vmem>>, vector<16xf32>,
    }
    %scan3A_315 = arith.constant 50 : i32
    %add3A_316 = arith.constant 507 : i32
    %add3A_317 = arith.addi %mul3A_2, %add3A_316 : i32
    %mul3A_318 = arith.constant 3200 : i32
    %mul3A_319 = arith.muli %add3A_317, %mul3A_318 : i32
    %dma_start3A_320 = tpu.memref_slice %arg4[%mul3A_319] : memref<52428800xf32, #tpu.memory_space<hbm>> -> memref<3200xf32, #tpu.memory_space<hbm>>
    %dma_start3A_321 = tpu.memref_slice %arg4[%mul3A_319] : memref<52428800xf32, #tpu.memory_space<hbm>> -> memref<3200xf32, #tpu.memory_space<hbm>>
    tpu.enqueue_dma source(%arg12 : memref<3200xf32, #tpu.memory_space<vmem>>) target(%dma_start3A_321 : memref<3200xf32, #tpu.memory_space<hbm>>) target_semaphore(%arg21 : memref<!tpu.dma_semaphore, #tpu.memory_space<semaphore_mem>>)
    %dma_wait3A_322 = arith.constant 0 : i32
    %dma_wait3A_323 = tpu.memref_slice %arg4[%dma_wait3A_322] : memref<52428800xf32, #tpu.memory_space<hbm>> -> memref<3200xf32, #tpu.memory_space<hbm>>
    %dma_wait3A_324 = arith.constant 0 : i32
    %dma_wait3A_325 = tpu.memref_slice %arg4[%dma_wait3A_324] : memref<52428800xf32, #tpu.memory_space<hbm>> -> memref<3200xf32, #tpu.memory_space<hbm>>
    tpu.wait_dma2 semaphore(%arg22 : memref<!tpu.dma_semaphore, #tpu.memory_space<semaphore_mem>>) src(%arg13 : memref<3200xf32, #tpu.memory_space<vmem>>) dst(%dma_wait3A_325 : memref<3200xf32, #tpu.memory_space<hbm>>)
    %dma_wait3A_326 = arith.constant 0 : i32
    %dma_wait3A_327 = arith.constant 0 : i32
    %dma_wait3A_328 = tpu.memref_slice %arg5[%dma_wait3A_326, %dma_wait3A_327] : memref<512x50xi32, #tpu.memory_space<vmem>> -> memref<1x50xi32, #tpu.memory_space<vmem>>
    %dma_wait3A_329 = tpu.memref_squeeze %dma_wait3A_328 : memref<1x50xi32, #tpu.memory_space<vmem>> -> memref<50xi32, #tpu.memory_space<vmem>>
    %dma_wait3A_330 = arith.constant 0 : i32
    %dma_wait3A_331 = arith.constant 0 : i32
    %dma_wait3A_332 = tpu.memref_slice %arg3[%dma_wait3A_330, %dma_wait3A_331] : memref<1000000x64xf32, #tpu.memory_space<hbm>> -> memref<1000000x64xf32, #tpu.memory_space<hbm>>
    tpu.wait_indirect_dma semaphore(%arg19 : memref<!tpu.dma_semaphore, #tpu.memory_space<semaphore_mem>>) src(%dma_wait3A_332 : memref<1000000x64xf32, #tpu.memory_space<hbm>>) dst(%arg10 : memref<50x64xf32, #tpu.memory_space<vmem>>)
    %scan3A_333 = arith.constant 0 : i32
    %scan3A_334 = arith.constant 0 : i32
    %scan3A_335 = arith.constant 50 : i32
    %scan3A_336 = arith.addi %scan3A_334, %scan3A_335 : i32
    %scan3A_337 = arith.constant 1 : i32
    scf.for %scan3A_426 = %scan3A_334 to %scan3A_336 step %scan3A_337  : i32 {
      %get3A = arith.index_cast %scan3A_426 : i32 to index
      %get3A_427 = arith.constant 0 : index
      %get3A_428 = tpu.vector_load %arg10[%get3A, %get3A_427] {strides = array<i32>} : memref<50x64xf32, #tpu.memory_space<vmem>>, vector<1x16xf32>,
      %get3A_429 = vector.shape_cast %get3A_428 : vector<1x16xf32> to vector<16xf32>
      %mul3A_430 = arith.constant 8.000000e+00 : f32
      %mul3A_431 = vector.broadcast %mul3A_430 : f32 to vector<16xf32>
      %mul3A_432 = arith.mulf %get3A_429, %mul3A_431 : vector<16xf32>
      %mul3A_433 = arith.constant 64 : i32
      %mul3A_434 = arith.muli %scan3A_426, %mul3A_433 : i32
      %add3A_435 = arith.constant 0 : i32
      %add3A_436 = arith.addi %mul3A_434, %add3A_435 : i32
      %swap3A = arith.index_cast %add3A_436 : i32 to index
      %swap3A_437 = tpu.vector_load %arg13[%swap3A] {strides = array<i32>} : memref<3200xf32, #tpu.memory_space<vmem>>, vector<16xf32>,
      %swap3A_438 = vector.shape_cast %swap3A_437 : vector<16xf32> to vector<16xf32>
      %swap3A_439 = vector.shape_cast %mul3A_432 : vector<16xf32> to vector<16xf32>
      tpu.vector_store %arg13[%swap3A], %swap3A_439 {strides = array<i32>} : memref<3200xf32, #tpu.memory_space<vmem>>, vector<16xf32>,
      %get3A_440 = arith.index_cast %scan3A_426 : i32 to index
      %get3A_441 = arith.constant 16 : index
      %get3A_442 = tpu.vector_load %arg10[%get3A_440, %get3A_441] {strides = array<i32>} : memref<50x64xf32, #tpu.memory_space<vmem>>, vector<1x16xf32>,
      %get3A_443 = vector.shape_cast %get3A_442 : vector<1x16xf32> to vector<16xf32>
      %mul3A_444 = arith.constant 8.000000e+00 : f32
      %mul3A_445 = vector.broadcast %mul3A_444 : f32 to vector<16xf32>
      %mul3A_446 = arith.mulf %get3A_443, %mul3A_445 : vector<16xf32>
      %mul3A_447 = arith.constant 64 : i32
      %mul3A_448 = arith.muli %scan3A_426, %mul3A_447 : i32
      %add3A_449 = arith.constant 16 : i32
      %add3A_450 = arith.addi %mul3A_448, %add3A_449 : i32
      %swap3A_451 = arith.index_cast %add3A_450 : i32 to index
      %swap3A_452 = tpu.vector_load %arg13[%swap3A_451] {strides = array<i32>} : memref<3200xf32, #tpu.memory_space<vmem>>, vector<16xf32>,
      %swap3A_453 = vector.shape_cast %swap3A_452 : vector<16xf32> to vector<16xf32>
      %swap3A_454 = vector.shape_cast %mul3A_446 : vector<16xf32> to vector<16xf32>
      tpu.vector_store %arg13[%swap3A_451], %swap3A_454 {strides = array<i32>} : memref<3200xf32, #tpu.memory_space<vmem>>, vector<16xf32>,
      %get3A_455 = arith.index_cast %scan3A_426 : i32 to index
      %get3A_456 = arith.constant 32 : index
      %get3A_457 = tpu.vector_load %arg10[%get3A_455, %get3A_456] {strides = array<i32>} : memref<50x64xf32, #tpu.memory_space<vmem>>, vector<1x16xf32>,
      %get3A_458 = vector.shape_cast %get3A_457 : vector<1x16xf32> to vector<16xf32>
      %mul3A_459 = arith.constant 8.000000e+00 : f32
      %mul3A_460 = vector.broadcast %mul3A_459 : f32 to vector<16xf32>
      %mul3A_461 = arith.mulf %get3A_458, %mul3A_460 : vector<16xf32>
      %mul3A_462 = arith.constant 64 : i32
      %mul3A_463 = arith.muli %scan3A_426, %mul3A_462 : i32
      %add3A_464 = arith.constant 32 : i32
      %add3A_465 = arith.addi %mul3A_463, %add3A_464 : i32
      %swap3A_466 = arith.index_cast %add3A_465 : i32 to index
      %swap3A_467 = tpu.vector_load %arg13[%swap3A_466] {strides = array<i32>} : memref<3200xf32, #tpu.memory_space<vmem>>, vector<16xf32>,
      %swap3A_468 = vector.shape_cast %swap3A_467 : vector<16xf32> to vector<16xf32>
      %swap3A_469 = vector.shape_cast %mul3A_461 : vector<16xf32> to vector<16xf32>
      tpu.vector_store %arg13[%swap3A_466], %swap3A_469 {strides = array<i32>} : memref<3200xf32, #tpu.memory_space<vmem>>, vector<16xf32>,
      %get3A_470 = arith.index_cast %scan3A_426 : i32 to index
      %get3A_471 = arith.constant 48 : index
      %get3A_472 = tpu.vector_load %arg10[%get3A_470, %get3A_471] {strides = array<i32>} : memref<50x64xf32, #tpu.memory_space<vmem>>, vector<1x16xf32>,
      %get3A_473 = vector.shape_cast %get3A_472 : vector<1x16xf32> to vector<16xf32>
      %mul3A_474 = arith.constant 8.000000e+00 : f32
      %mul3A_475 = vector.broadcast %mul3A_474 : f32 to vector<16xf32>
      %mul3A_476 = arith.mulf %get3A_473, %mul3A_475 : vector<16xf32>
      %mul3A_477 = arith.constant 64 : i32
      %mul3A_478 = arith.muli %scan3A_426, %mul3A_477 : i32
      %add3A_479 = arith.constant 48 : i32
      %add3A_480 = arith.addi %mul3A_478, %add3A_479 : i32
      %swap3A_481 = arith.index_cast %add3A_480 : i32 to index
      %swap3A_482 = tpu.vector_load %arg13[%swap3A_481] {strides = array<i32>} : memref<3200xf32, #tpu.memory_space<vmem>>, vector<16xf32>,
      %swap3A_483 = vector.shape_cast %swap3A_482 : vector<16xf32> to vector<16xf32>
      %swap3A_484 = vector.shape_cast %mul3A_476 : vector<16xf32> to vector<16xf32>
      tpu.vector_store %arg13[%swap3A_481], %swap3A_484 {strides = array<i32>} : memref<3200xf32, #tpu.memory_space<vmem>>, vector<16xf32>,
    }
    %scan3A_338 = arith.constant 50 : i32
    %add3A_339 = arith.constant 508 : i32
    %add3A_340 = arith.addi %mul3A_2, %add3A_339 : i32
    %mul3A_341 = arith.constant 3200 : i32
    %mul3A_342 = arith.muli %add3A_340, %mul3A_341 : i32
    %dma_start3A_343 = tpu.memref_slice %arg4[%mul3A_342] : memref<52428800xf32, #tpu.memory_space<hbm>> -> memref<3200xf32, #tpu.memory_space<hbm>>
    %dma_start3A_344 = tpu.memref_slice %arg4[%mul3A_342] : memref<52428800xf32, #tpu.memory_space<hbm>> -> memref<3200xf32, #tpu.memory_space<hbm>>
    tpu.enqueue_dma source(%arg13 : memref<3200xf32, #tpu.memory_space<vmem>>) target(%dma_start3A_344 : memref<3200xf32, #tpu.memory_space<hbm>>) target_semaphore(%arg22 : memref<!tpu.dma_semaphore, #tpu.memory_space<semaphore_mem>>)
    %dma_wait3A_345 = arith.constant 0 : i32
    %dma_wait3A_346 = tpu.memref_slice %arg4[%dma_wait3A_345] : memref<52428800xf32, #tpu.memory_space<hbm>> -> memref<3200xf32, #tpu.memory_space<hbm>>
    %dma_wait3A_347 = arith.constant 0 : i32
    %dma_wait3A_348 = tpu.memref_slice %arg4[%dma_wait3A_347] : memref<52428800xf32, #tpu.memory_space<hbm>> -> memref<3200xf32, #tpu.memory_space<hbm>>
    tpu.wait_dma2 semaphore(%arg23 : memref<!tpu.dma_semaphore, #tpu.memory_space<semaphore_mem>>) src(%arg14 : memref<3200xf32, #tpu.memory_space<vmem>>) dst(%dma_wait3A_348 : memref<3200xf32, #tpu.memory_space<hbm>>)
    %dma_wait3A_349 = arith.constant 0 : i32
    %dma_wait3A_350 = arith.constant 0 : i32
    %dma_wait3A_351 = tpu.memref_slice %arg5[%dma_wait3A_349, %dma_wait3A_350] : memref<512x50xi32, #tpu.memory_space<vmem>> -> memref<1x50xi32, #tpu.memory_space<vmem>>
    %dma_wait3A_352 = tpu.memref_squeeze %dma_wait3A_351 : memref<1x50xi32, #tpu.memory_space<vmem>> -> memref<50xi32, #tpu.memory_space<vmem>>
    %dma_wait3A_353 = arith.constant 0 : i32
    %dma_wait3A_354 = arith.constant 0 : i32
    %dma_wait3A_355 = tpu.memref_slice %arg3[%dma_wait3A_353, %dma_wait3A_354] : memref<1000000x64xf32, #tpu.memory_space<hbm>> -> memref<1000000x64xf32, #tpu.memory_space<hbm>>
    tpu.wait_indirect_dma semaphore(%arg20 : memref<!tpu.dma_semaphore, #tpu.memory_space<semaphore_mem>>) src(%dma_wait3A_355 : memref<1000000x64xf32, #tpu.memory_space<hbm>>) dst(%arg11 : memref<50x64xf32, #tpu.memory_space<vmem>>)
    %scan3A_356 = arith.constant 0 : i32
    %scan3A_357 = arith.constant 0 : i32
    %scan3A_358 = arith.constant 50 : i32
    %scan3A_359 = arith.addi %scan3A_357, %scan3A_358 : i32
    %scan3A_360 = arith.constant 1 : i32
    scf.for %scan3A_426 = %scan3A_357 to %scan3A_359 step %scan3A_360  : i32 {
      %get3A = arith.index_cast %scan3A_426 : i32 to index
      %get3A_427 = arith.constant 0 : index
      %get3A_428 = tpu.vector_load %arg11[%get3A, %get3A_427] {strides = array<i32>} : memref<50x64xf32, #tpu.memory_space<vmem>>, vector<1x16xf32>,
      %get3A_429 = vector.shape_cast %get3A_428 : vector<1x16xf32> to vector<16xf32>
      %mul3A_430 = arith.constant 8.000000e+00 : f32
      %mul3A_431 = vector.broadcast %mul3A_430 : f32 to vector<16xf32>
      %mul3A_432 = arith.mulf %get3A_429, %mul3A_431 : vector<16xf32>
      %mul3A_433 = arith.constant 64 : i32
      %mul3A_434 = arith.muli %scan3A_426, %mul3A_433 : i32
      %add3A_435 = arith.constant 0 : i32
      %add3A_436 = arith.addi %mul3A_434, %add3A_435 : i32
      %swap3A = arith.index_cast %add3A_436 : i32 to index
      %swap3A_437 = tpu.vector_load %arg14[%swap3A] {strides = array<i32>} : memref<3200xf32, #tpu.memory_space<vmem>>, vector<16xf32>,
      %swap3A_438 = vector.shape_cast %swap3A_437 : vector<16xf32> to vector<16xf32>
      %swap3A_439 = vector.shape_cast %mul3A_432 : vector<16xf32> to vector<16xf32>
      tpu.vector_store %arg14[%swap3A], %swap3A_439 {strides = array<i32>} : memref<3200xf32, #tpu.memory_space<vmem>>, vector<16xf32>,
      %get3A_440 = arith.index_cast %scan3A_426 : i32 to index
      %get3A_441 = arith.constant 16 : index
      %get3A_442 = tpu.vector_load %arg11[%get3A_440, %get3A_441] {strides = array<i32>} : memref<50x64xf32, #tpu.memory_space<vmem>>, vector<1x16xf32>,
      %get3A_443 = vector.shape_cast %get3A_442 : vector<1x16xf32> to vector<16xf32>
      %mul3A_444 = arith.constant 8.000000e+00 : f32
      %mul3A_445 = vector.broadcast %mul3A_444 : f32 to vector<16xf32>
      %mul3A_446 = arith.mulf %get3A_443, %mul3A_445 : vector<16xf32>
      %mul3A_447 = arith.constant 64 : i32
      %mul3A_448 = arith.muli %scan3A_426, %mul3A_447 : i32
      %add3A_449 = arith.constant 16 : i32
      %add3A_450 = arith.addi %mul3A_448, %add3A_449 : i32
      %swap3A_451 = arith.index_cast %add3A_450 : i32 to index
      %swap3A_452 = tpu.vector_load %arg14[%swap3A_451] {strides = array<i32>} : memref<3200xf32, #tpu.memory_space<vmem>>, vector<16xf32>,
      %swap3A_453 = vector.shape_cast %swap3A_452 : vector<16xf32> to vector<16xf32>
      %swap3A_454 = vector.shape_cast %mul3A_446 : vector<16xf32> to vector<16xf32>
      tpu.vector_store %arg14[%swap3A_451], %swap3A_454 {strides = array<i32>} : memref<3200xf32, #tpu.memory_space<vmem>>, vector<16xf32>,
      %get3A_455 = arith.index_cast %scan3A_426 : i32 to index
      %get3A_456 = arith.constant 32 : index
      %get3A_457 = tpu.vector_load %arg11[%get3A_455, %get3A_456] {strides = array<i32>} : memref<50x64xf32, #tpu.memory_space<vmem>>, vector<1x16xf32>,
      %get3A_458 = vector.shape_cast %get3A_457 : vector<1x16xf32> to vector<16xf32>
      %mul3A_459 = arith.constant 8.000000e+00 : f32
      %mul3A_460 = vector.broadcast %mul3A_459 : f32 to vector<16xf32>
      %mul3A_461 = arith.mulf %get3A_458, %mul3A_460 : vector<16xf32>
      %mul3A_462 = arith.constant 64 : i32
      %mul3A_463 = arith.muli %scan3A_426, %mul3A_462 : i32
      %add3A_464 = arith.constant 32 : i32
      %add3A_465 = arith.addi %mul3A_463, %add3A_464 : i32
      %swap3A_466 = arith.index_cast %add3A_465 : i32 to index
      %swap3A_467 = tpu.vector_load %arg14[%swap3A_466] {strides = array<i32>} : memref<3200xf32, #tpu.memory_space<vmem>>, vector<16xf32>,
      %swap3A_468 = vector.shape_cast %swap3A_467 : vector<16xf32> to vector<16xf32>
      %swap3A_469 = vector.shape_cast %mul3A_461 : vector<16xf32> to vector<16xf32>
      tpu.vector_store %arg14[%swap3A_466], %swap3A_469 {strides = array<i32>} : memref<3200xf32, #tpu.memory_space<vmem>>, vector<16xf32>,
      %get3A_470 = arith.index_cast %scan3A_426 : i32 to index
      %get3A_471 = arith.constant 48 : index
      %get3A_472 = tpu.vector_load %arg11[%get3A_470, %get3A_471] {strides = array<i32>} : memref<50x64xf32, #tpu.memory_space<vmem>>, vector<1x16xf32>,
      %get3A_473 = vector.shape_cast %get3A_472 : vector<1x16xf32> to vector<16xf32>
      %mul3A_474 = arith.constant 8.000000e+00 : f32
      %mul3A_475 = vector.broadcast %mul3A_474 : f32 to vector<16xf32>
      %mul3A_476 = arith.mulf %get3A_473, %mul3A_475 : vector<16xf32>
      %mul3A_477 = arith.constant 64 : i32
      %mul3A_478 = arith.muli %scan3A_426, %mul3A_477 : i32
      %add3A_479 = arith.constant 48 : i32
      %add3A_480 = arith.addi %mul3A_478, %add3A_479 : i32
      %swap3A_481 = arith.index_cast %add3A_480 : i32 to index
      %swap3A_482 = tpu.vector_load %arg14[%swap3A_481] {strides = array<i32>} : memref<3200xf32, #tpu.memory_space<vmem>>, vector<16xf32>,
      %swap3A_483 = vector.shape_cast %swap3A_482 : vector<16xf32> to vector<16xf32>
      %swap3A_484 = vector.shape_cast %mul3A_476 : vector<16xf32> to vector<16xf32>
      tpu.vector_store %arg14[%swap3A_481], %swap3A_484 {strides = array<i32>} : memref<3200xf32, #tpu.memory_space<vmem>>, vector<16xf32>,
    }
    %scan3A_361 = arith.constant 50 : i32
    %add3A_362 = arith.constant 509 : i32
    %add3A_363 = arith.addi %mul3A_2, %add3A_362 : i32
    %mul3A_364 = arith.constant 3200 : i32
    %mul3A_365 = arith.muli %add3A_363, %mul3A_364 : i32
    %dma_start3A_366 = tpu.memref_slice %arg4[%mul3A_365] : memref<52428800xf32, #tpu.memory_space<hbm>> -> memref<3200xf32, #tpu.memory_space<hbm>>
    %dma_start3A_367 = tpu.memref_slice %arg4[%mul3A_365] : memref<52428800xf32, #tpu.memory_space<hbm>> -> memref<3200xf32, #tpu.memory_space<hbm>>
    tpu.enqueue_dma source(%arg14 : memref<3200xf32, #tpu.memory_space<vmem>>) target(%dma_start3A_367 : memref<3200xf32, #tpu.memory_space<hbm>>) target_semaphore(%arg23 : memref<!tpu.dma_semaphore, #tpu.memory_space<semaphore_mem>>)
    %dma_wait3A_368 = arith.constant 0 : i32
    %dma_wait3A_369 = tpu.memref_slice %arg4[%dma_wait3A_368] : memref<52428800xf32, #tpu.memory_space<hbm>> -> memref<3200xf32, #tpu.memory_space<hbm>>
    %dma_wait3A_370 = arith.constant 0 : i32
    %dma_wait3A_371 = tpu.memref_slice %arg4[%dma_wait3A_370] : memref<52428800xf32, #tpu.memory_space<hbm>> -> memref<3200xf32, #tpu.memory_space<hbm>>
    tpu.wait_dma2 semaphore(%arg21 : memref<!tpu.dma_semaphore, #tpu.memory_space<semaphore_mem>>) src(%arg12 : memref<3200xf32, #tpu.memory_space<vmem>>) dst(%dma_wait3A_371 : memref<3200xf32, #tpu.memory_space<hbm>>)
    %dma_wait3A_372 = arith.constant 0 : i32
    %dma_wait3A_373 = arith.constant 0 : i32
    %dma_wait3A_374 = tpu.memref_slice %arg5[%dma_wait3A_372, %dma_wait3A_373] : memref<512x50xi32, #tpu.memory_space<vmem>> -> memref<1x50xi32, #tpu.memory_space<vmem>>
    %dma_wait3A_375 = tpu.memref_squeeze %dma_wait3A_374 : memref<1x50xi32, #tpu.memory_space<vmem>> -> memref<50xi32, #tpu.memory_space<vmem>>
    %dma_wait3A_376 = arith.constant 0 : i32
    %dma_wait3A_377 = arith.constant 0 : i32
    %dma_wait3A_378 = tpu.memref_slice %arg3[%dma_wait3A_376, %dma_wait3A_377] : memref<1000000x64xf32, #tpu.memory_space<hbm>> -> memref<1000000x64xf32, #tpu.memory_space<hbm>>
    tpu.wait_indirect_dma semaphore(%arg15 : memref<!tpu.dma_semaphore, #tpu.memory_space<semaphore_mem>>) src(%dma_wait3A_378 : memref<1000000x64xf32, #tpu.memory_space<hbm>>) dst(%arg6 : memref<50x64xf32, #tpu.memory_space<vmem>>)
    %scan3A_379 = arith.constant 0 : i32
    %scan3A_380 = arith.constant 0 : i32
    %scan3A_381 = arith.constant 50 : i32
    %scan3A_382 = arith.addi %scan3A_380, %scan3A_381 : i32
    %scan3A_383 = arith.constant 1 : i32
    scf.for %scan3A_426 = %scan3A_380 to %scan3A_382 step %scan3A_383  : i32 {
      %get3A = arith.index_cast %scan3A_426 : i32 to index
      %get3A_427 = arith.constant 0 : index
      %get3A_428 = tpu.vector_load %arg6[%get3A, %get3A_427] {strides = array<i32>} : memref<50x64xf32, #tpu.memory_space<vmem>>, vector<1x16xf32>,
      %get3A_429 = vector.shape_cast %get3A_428 : vector<1x16xf32> to vector<16xf32>
      %mul3A_430 = arith.constant 8.000000e+00 : f32
      %mul3A_431 = vector.broadcast %mul3A_430 : f32 to vector<16xf32>
      %mul3A_432 = arith.mulf %get3A_429, %mul3A_431 : vector<16xf32>
      %mul3A_433 = arith.constant 64 : i32
      %mul3A_434 = arith.muli %scan3A_426, %mul3A_433 : i32
      %add3A_435 = arith.constant 0 : i32
      %add3A_436 = arith.addi %mul3A_434, %add3A_435 : i32
      %swap3A = arith.index_cast %add3A_436 : i32 to index
      %swap3A_437 = tpu.vector_load %arg12[%swap3A] {strides = array<i32>} : memref<3200xf32, #tpu.memory_space<vmem>>, vector<16xf32>,
      %swap3A_438 = vector.shape_cast %swap3A_437 : vector<16xf32> to vector<16xf32>
      %swap3A_439 = vector.shape_cast %mul3A_432 : vector<16xf32> to vector<16xf32>
      tpu.vector_store %arg12[%swap3A], %swap3A_439 {strides = array<i32>} : memref<3200xf32, #tpu.memory_space<vmem>>, vector<16xf32>,
      %get3A_440 = arith.index_cast %scan3A_426 : i32 to index
      %get3A_441 = arith.constant 16 : index
      %get3A_442 = tpu.vector_load %arg6[%get3A_440, %get3A_441] {strides = array<i32>} : memref<50x64xf32, #tpu.memory_space<vmem>>, vector<1x16xf32>,
      %get3A_443 = vector.shape_cast %get3A_442 : vector<1x16xf32> to vector<16xf32>
      %mul3A_444 = arith.constant 8.000000e+00 : f32
      %mul3A_445 = vector.broadcast %mul3A_444 : f32 to vector<16xf32>
      %mul3A_446 = arith.mulf %get3A_443, %mul3A_445 : vector<16xf32>
      %mul3A_447 = arith.constant 64 : i32
      %mul3A_448 = arith.muli %scan3A_426, %mul3A_447 : i32
      %add3A_449 = arith.constant 16 : i32
      %add3A_450 = arith.addi %mul3A_448, %add3A_449 : i32
      %swap3A_451 = arith.index_cast %add3A_450 : i32 to index
      %swap3A_452 = tpu.vector_load %arg12[%swap3A_451] {strides = array<i32>} : memref<3200xf32, #tpu.memory_space<vmem>>, vector<16xf32>,
      %swap3A_453 = vector.shape_cast %swap3A_452 : vector<16xf32> to vector<16xf32>
      %swap3A_454 = vector.shape_cast %mul3A_446 : vector<16xf32> to vector<16xf32>
      tpu.vector_store %arg12[%swap3A_451], %swap3A_454 {strides = array<i32>} : memref<3200xf32, #tpu.memory_space<vmem>>, vector<16xf32>,
      %get3A_455 = arith.index_cast %scan3A_426 : i32 to index
      %get3A_456 = arith.constant 32 : index
      %get3A_457 = tpu.vector_load %arg6[%get3A_455, %get3A_456] {strides = array<i32>} : memref<50x64xf32, #tpu.memory_space<vmem>>, vector<1x16xf32>,
      %get3A_458 = vector.shape_cast %get3A_457 : vector<1x16xf32> to vector<16xf32>
      %mul3A_459 = arith.constant 8.000000e+00 : f32
      %mul3A_460 = vector.broadcast %mul3A_459 : f32 to vector<16xf32>
      %mul3A_461 = arith.mulf %get3A_458, %mul3A_460 : vector<16xf32>
      %mul3A_462 = arith.constant 64 : i32
      %mul3A_463 = arith.muli %scan3A_426, %mul3A_462 : i32
      %add3A_464 = arith.constant 32 : i32
      %add3A_465 = arith.addi %mul3A_463, %add3A_464 : i32
      %swap3A_466 = arith.index_cast %add3A_465 : i32 to index
      %swap3A_467 = tpu.vector_load %arg12[%swap3A_466] {strides = array<i32>} : memref<3200xf32, #tpu.memory_space<vmem>>, vector<16xf32>,
      %swap3A_468 = vector.shape_cast %swap3A_467 : vector<16xf32> to vector<16xf32>
      %swap3A_469 = vector.shape_cast %mul3A_461 : vector<16xf32> to vector<16xf32>
      tpu.vector_store %arg12[%swap3A_466], %swap3A_469 {strides = array<i32>} : memref<3200xf32, #tpu.memory_space<vmem>>, vector<16xf32>,
      %get3A_470 = arith.index_cast %scan3A_426 : i32 to index
      %get3A_471 = arith.constant 48 : index
      %get3A_472 = tpu.vector_load %arg6[%get3A_470, %get3A_471] {strides = array<i32>} : memref<50x64xf32, #tpu.memory_space<vmem>>, vector<1x16xf32>,
      %get3A_473 = vector.shape_cast %get3A_472 : vector<1x16xf32> to vector<16xf32>
      %mul3A_474 = arith.constant 8.000000e+00 : f32
      %mul3A_475 = vector.broadcast %mul3A_474 : f32 to vector<16xf32>
      %mul3A_476 = arith.mulf %get3A_473, %mul3A_475 : vector<16xf32>
      %mul3A_477 = arith.constant 64 : i32
      %mul3A_478 = arith.muli %scan3A_426, %mul3A_477 : i32
      %add3A_479 = arith.constant 48 : i32
      %add3A_480 = arith.addi %mul3A_478, %add3A_479 : i32
      %swap3A_481 = arith.index_cast %add3A_480 : i32 to index
      %swap3A_482 = tpu.vector_load %arg12[%swap3A_481] {strides = array<i32>} : memref<3200xf32, #tpu.memory_space<vmem>>, vector<16xf32>,
      %swap3A_483 = vector.shape_cast %swap3A_482 : vector<16xf32> to vector<16xf32>
      %swap3A_484 = vector.shape_cast %mul3A_476 : vector<16xf32> to vector<16xf32>
      tpu.vector_store %arg12[%swap3A_481], %swap3A_484 {strides = array<i32>} : memref<3200xf32, #tpu.memory_space<vmem>>, vector<16xf32>,
    }
    %scan3A_384 = arith.constant 50 : i32
    %add3A_385 = arith.constant 510 : i32
    %add3A_386 = arith.addi %mul3A_2, %add3A_385 : i32
    %mul3A_387 = arith.constant 3200 : i32
    %mul3A_388 = arith.muli %add3A_386, %mul3A_387 : i32
    %dma_start3A_389 = tpu.memref_slice %arg4[%mul3A_388] : memref<52428800xf32, #tpu.memory_space<hbm>> -> memref<3200xf32, #tpu.memory_space<hbm>>
    %dma_start3A_390 = tpu.memref_slice %arg4[%mul3A_388] : memref<52428800xf32, #tpu.memory_space<hbm>> -> memref<3200xf32, #tpu.memory_space<hbm>>
    tpu.enqueue_dma source(%arg12 : memref<3200xf32, #tpu.memory_space<vmem>>) target(%dma_start3A_390 : memref<3200xf32, #tpu.memory_space<hbm>>) target_semaphore(%arg21 : memref<!tpu.dma_semaphore, #tpu.memory_space<semaphore_mem>>)
    %dma_wait3A_391 = arith.constant 0 : i32
    %dma_wait3A_392 = tpu.memref_slice %arg4[%dma_wait3A_391] : memref<52428800xf32, #tpu.memory_space<hbm>> -> memref<3200xf32, #tpu.memory_space<hbm>>
    %dma_wait3A_393 = arith.constant 0 : i32
    %dma_wait3A_394 = tpu.memref_slice %arg4[%dma_wait3A_393] : memref<52428800xf32, #tpu.memory_space<hbm>> -> memref<3200xf32, #tpu.memory_space<hbm>>
    tpu.wait_dma2 semaphore(%arg22 : memref<!tpu.dma_semaphore, #tpu.memory_space<semaphore_mem>>) src(%arg13 : memref<3200xf32, #tpu.memory_space<vmem>>) dst(%dma_wait3A_394 : memref<3200xf32, #tpu.memory_space<hbm>>)
    %dma_wait3A_395 = arith.constant 0 : i32
    %dma_wait3A_396 = arith.constant 0 : i32
    %dma_wait3A_397 = tpu.memref_slice %arg5[%dma_wait3A_395, %dma_wait3A_396] : memref<512x50xi32, #tpu.memory_space<vmem>> -> memref<1x50xi32, #tpu.memory_space<vmem>>
    %dma_wait3A_398 = tpu.memref_squeeze %dma_wait3A_397 : memref<1x50xi32, #tpu.memory_space<vmem>> -> memref<50xi32, #tpu.memory_space<vmem>>
    %dma_wait3A_399 = arith.constant 0 : i32
    %dma_wait3A_400 = arith.constant 0 : i32
    %dma_wait3A_401 = tpu.memref_slice %arg3[%dma_wait3A_399, %dma_wait3A_400] : memref<1000000x64xf32, #tpu.memory_space<hbm>> -> memref<1000000x64xf32, #tpu.memory_space<hbm>>
    tpu.wait_indirect_dma semaphore(%arg16 : memref<!tpu.dma_semaphore, #tpu.memory_space<semaphore_mem>>) src(%dma_wait3A_401 : memref<1000000x64xf32, #tpu.memory_space<hbm>>) dst(%arg7 : memref<50x64xf32, #tpu.memory_space<vmem>>)
    %scan3A_402 = arith.constant 0 : i32
    %scan3A_403 = arith.constant 0 : i32
    %scan3A_404 = arith.constant 50 : i32
    %scan3A_405 = arith.addi %scan3A_403, %scan3A_404 : i32
    %scan3A_406 = arith.constant 1 : i32
    scf.for %scan3A_426 = %scan3A_403 to %scan3A_405 step %scan3A_406  : i32 {
      %get3A = arith.index_cast %scan3A_426 : i32 to index
      %get3A_427 = arith.constant 0 : index
      %get3A_428 = tpu.vector_load %arg7[%get3A, %get3A_427] {strides = array<i32>} : memref<50x64xf32, #tpu.memory_space<vmem>>, vector<1x16xf32>,
      %get3A_429 = vector.shape_cast %get3A_428 : vector<1x16xf32> to vector<16xf32>
      %mul3A_430 = arith.constant 8.000000e+00 : f32
      %mul3A_431 = vector.broadcast %mul3A_430 : f32 to vector<16xf32>
      %mul3A_432 = arith.mulf %get3A_429, %mul3A_431 : vector<16xf32>
      %mul3A_433 = arith.constant 64 : i32
      %mul3A_434 = arith.muli %scan3A_426, %mul3A_433 : i32
      %add3A_435 = arith.constant 0 : i32
      %add3A_436 = arith.addi %mul3A_434, %add3A_435 : i32
      %swap3A = arith.index_cast %add3A_436 : i32 to index
      %swap3A_437 = tpu.vector_load %arg13[%swap3A] {strides = array<i32>} : memref<3200xf32, #tpu.memory_space<vmem>>, vector<16xf32>,
      %swap3A_438 = vector.shape_cast %swap3A_437 : vector<16xf32> to vector<16xf32>
      %swap3A_439 = vector.shape_cast %mul3A_432 : vector<16xf32> to vector<16xf32>
      tpu.vector_store %arg13[%swap3A], %swap3A_439 {strides = array<i32>} : memref<3200xf32, #tpu.memory_space<vmem>>, vector<16xf32>,
      %get3A_440 = arith.index_cast %scan3A_426 : i32 to index
      %get3A_441 = arith.constant 16 : index
      %get3A_442 = tpu.vector_load %arg7[%get3A_440, %get3A_441] {strides = array<i32>} : memref<50x64xf32, #tpu.memory_space<vmem>>, vector<1x16xf32>,
      %get3A_443 = vector.shape_cast %get3A_442 : vector<1x16xf32> to vector<16xf32>
      %mul3A_444 = arith.constant 8.000000e+00 : f32
      %mul3A_445 = vector.broadcast %mul3A_444 : f32 to vector<16xf32>
      %mul3A_446 = arith.mulf %get3A_443, %mul3A_445 : vector<16xf32>
      %mul3A_447 = arith.constant 64 : i32
      %mul3A_448 = arith.muli %scan3A_426, %mul3A_447 : i32
      %add3A_449 = arith.constant 16 : i32
      %add3A_450 = arith.addi %mul3A_448, %add3A_449 : i32
      %swap3A_451 = arith.index_cast %add3A_450 : i32 to index
      %swap3A_452 = tpu.vector_load %arg13[%swap3A_451] {strides = array<i32>} : memref<3200xf32, #tpu.memory_space<vmem>>, vector<16xf32>,
      %swap3A_453 = vector.shape_cast %swap3A_452 : vector<16xf32> to vector<16xf32>
      %swap3A_454 = vector.shape_cast %mul3A_446 : vector<16xf32> to vector<16xf32>
      tpu.vector_store %arg13[%swap3A_451], %swap3A_454 {strides = array<i32>} : memref<3200xf32, #tpu.memory_space<vmem>>, vector<16xf32>,
      %get3A_455 = arith.index_cast %scan3A_426 : i32 to index
      %get3A_456 = arith.constant 32 : index
      %get3A_457 = tpu.vector_load %arg7[%get3A_455, %get3A_456] {strides = array<i32>} : memref<50x64xf32, #tpu.memory_space<vmem>>, vector<1x16xf32>,
      %get3A_458 = vector.shape_cast %get3A_457 : vector<1x16xf32> to vector<16xf32>
      %mul3A_459 = arith.constant 8.000000e+00 : f32
      %mul3A_460 = vector.broadcast %mul3A_459 : f32 to vector<16xf32>
      %mul3A_461 = arith.mulf %get3A_458, %mul3A_460 : vector<16xf32>
      %mul3A_462 = arith.constant 64 : i32
      %mul3A_463 = arith.muli %scan3A_426, %mul3A_462 : i32
      %add3A_464 = arith.constant 32 : i32
      %add3A_465 = arith.addi %mul3A_463, %add3A_464 : i32
      %swap3A_466 = arith.index_cast %add3A_465 : i32 to index
      %swap3A_467 = tpu.vector_load %arg13[%swap3A_466] {strides = array<i32>} : memref<3200xf32, #tpu.memory_space<vmem>>, vector<16xf32>,
      %swap3A_468 = vector.shape_cast %swap3A_467 : vector<16xf32> to vector<16xf32>
      %swap3A_469 = vector.shape_cast %mul3A_461 : vector<16xf32> to vector<16xf32>
      tpu.vector_store %arg13[%swap3A_466], %swap3A_469 {strides = array<i32>} : memref<3200xf32, #tpu.memory_space<vmem>>, vector<16xf32>,
      %get3A_470 = arith.index_cast %scan3A_426 : i32 to index
      %get3A_471 = arith.constant 48 : index
      %get3A_472 = tpu.vector_load %arg7[%get3A_470, %get3A_471] {strides = array<i32>} : memref<50x64xf32, #tpu.memory_space<vmem>>, vector<1x16xf32>,
      %get3A_473 = vector.shape_cast %get3A_472 : vector<1x16xf32> to vector<16xf32>
      %mul3A_474 = arith.constant 8.000000e+00 : f32
      %mul3A_475 = vector.broadcast %mul3A_474 : f32 to vector<16xf32>
      %mul3A_476 = arith.mulf %get3A_473, %mul3A_475 : vector<16xf32>
      %mul3A_477 = arith.constant 64 : i32
      %mul3A_478 = arith.muli %scan3A_426, %mul3A_477 : i32
      %add3A_479 = arith.constant 48 : i32
      %add3A_480 = arith.addi %mul3A_478, %add3A_479 : i32
      %swap3A_481 = arith.index_cast %add3A_480 : i32 to index
      %swap3A_482 = tpu.vector_load %arg13[%swap3A_481] {strides = array<i32>} : memref<3200xf32, #tpu.memory_space<vmem>>, vector<16xf32>,
      %swap3A_483 = vector.shape_cast %swap3A_482 : vector<16xf32> to vector<16xf32>
      %swap3A_484 = vector.shape_cast %mul3A_476 : vector<16xf32> to vector<16xf32>
      tpu.vector_store %arg13[%swap3A_481], %swap3A_484 {strides = array<i32>} : memref<3200xf32, #tpu.memory_space<vmem>>, vector<16xf32>,
    }
    %scan3A_407 = arith.constant 50 : i32
    %add3A_408 = arith.constant 511 : i32
    %add3A_409 = arith.addi %mul3A_2, %add3A_408 : i32
    %mul3A_410 = arith.constant 3200 : i32
    %mul3A_411 = arith.muli %add3A_409, %mul3A_410 : i32
    %dma_start3A_412 = tpu.memref_slice %arg4[%mul3A_411] : memref<52428800xf32, #tpu.memory_space<hbm>> -> memref<3200xf32, #tpu.memory_space<hbm>>
    %dma_start3A_413 = tpu.memref_slice %arg4[%mul3A_411] : memref<52428800xf32, #tpu.memory_space<hbm>> -> memref<3200xf32, #tpu.memory_space<hbm>>
    tpu.enqueue_dma source(%arg13 : memref<3200xf32, #tpu.memory_space<vmem>>) target(%dma_start3A_413 : memref<3200xf32, #tpu.memory_space<hbm>>) target_semaphore(%arg22 : memref<!tpu.dma_semaphore, #tpu.memory_space<semaphore_mem>>)
    %dma_wait3A_414 = arith.constant 0 : i32
    %dma_wait3A_415 = tpu.memref_slice %arg4[%dma_wait3A_414] : memref<52428800xf32, #tpu.memory_space<hbm>> -> memref<3200xf32, #tpu.memory_space<hbm>>
    %dma_wait3A_416 = arith.constant 0 : i32
    %dma_wait3A_417 = tpu.memref_slice %arg4[%dma_wait3A_416] : memref<52428800xf32, #tpu.memory_space<hbm>> -> memref<3200xf32, #tpu.memory_space<hbm>>
    tpu.wait_dma2 semaphore(%arg21 : memref<!tpu.dma_semaphore, #tpu.memory_space<semaphore_mem>>) src(%arg12 : memref<3200xf32, #tpu.memory_space<vmem>>) dst(%dma_wait3A_417 : memref<3200xf32, #tpu.memory_space<hbm>>)
    %dma_wait3A_418 = arith.constant 0 : i32
    %dma_wait3A_419 = tpu.memref_slice %arg4[%dma_wait3A_418] : memref<52428800xf32, #tpu.memory_space<hbm>> -> memref<3200xf32, #tpu.memory_space<hbm>>
    %dma_wait3A_420 = arith.constant 0 : i32
    %dma_wait3A_421 = tpu.memref_slice %arg4[%dma_wait3A_420] : memref<52428800xf32, #tpu.memory_space<hbm>> -> memref<3200xf32, #tpu.memory_space<hbm>>
    tpu.wait_dma2 semaphore(%arg22 : memref<!tpu.dma_semaphore, #tpu.memory_space<semaphore_mem>>) src(%arg13 : memref<3200xf32, #tpu.memory_space<vmem>>) dst(%dma_wait3A_421 : memref<3200xf32, #tpu.memory_space<hbm>>)
    %dma_wait3A_422 = arith.constant 0 : i32
    %dma_wait3A_423 = tpu.memref_slice %arg4[%dma_wait3A_422] : memref<52428800xf32, #tpu.memory_space<hbm>> -> memref<3200xf32, #tpu.memory_space<hbm>>
    %dma_wait3A_424 = arith.constant 0 : i32
    %dma_wait3A_425 = tpu.memref_slice %arg4[%dma_wait3A_424] : memref<52428800xf32, #tpu.memory_space<hbm>> -> memref<3200xf32, #tpu.memory_space<hbm>>
    tpu.wait_dma2 semaphore(%arg23 : memref<!tpu.dma_semaphore, #tpu.memory_space<semaphore_mem>>) src(%arg14 : memref<3200xf32, #tpu.memory_space<vmem>>) dst(%dma_wait3A_425 : memref<3200xf32, #tpu.memory_space<hbm>>)
    return
  }
}

</mosaic_0001>

<sc_bundles>
// kernel: kernel.3.cloned.1.call-start
scs
__scs_entry_jumppad:
0x0: {  	(pc) =	sbr.rel $0x88, $3  }
0x1: {  	(tag) =	ssettag $0x0;
	lr =	simm.s32 $0x1  }
0x2: {  	[smem:$0x3F9F] =	sst lr;
	_ =	strace $0xD0000000  }
0x3: {  	_ = 	snop  }
0x4: {  	_ = 	snop  }
0x5: {  	_ = 	snop  }
0x6: {  	_ = 	snop  }
0x7: {  	_ = 	snop  }
__scs_overlays_trampoline_lowered:
0x8: {  	[smem:$0x3FAE] =	sst s0  }
0x9: {  	[smem:$0x3FAF] =	sst s1  }
0xa: {  	[smem:$0x3FB0] =	sst s2  }
0xb: {  	[smem:$0x3FB1] =	sst s3  }
0xc: {  	[smem:$0x3FB2] =	sst s4  }
0xd: {  	[smem:$0x3FB3] =	sst s5  }
0xe: {  	[smem:$0x3FB4] =	sst s6  }
0xf: {  	[smem:$0x3FB5] =	sst s7  }
0x10: {  	[smem:$0x3FB6] =	sst s8  }
0x11: {  	[smem:$0x3FB7] =	sst s9;
	s0 =	simm.s32 @!p0 $0x0  }
0x12: {  	s1 =	sld [smem:$0x3F9D];
	s0 =	simm.s32 @p0 $0x1  }
0x13: {  	[smem:$0x3FB8] =	sst s0;
	s0 =	simm.s32 @!p1 $0x0  }
0x14: {  	s2 =	sld [smem:$0x3F9C];
	s0 =	simm.s32 @p1 $0x1  }
0x15: {  	[smem:$0x3FB9] =	sst s0;
	s0 =	simm.s32 @!p2 $0x0  }
0x16: {  	s3 =	sld [smem:$0x3FDB];
	s0 =	simm.s32 @p2 $0x1  }
0x17: {  	s4 =	simm.s32 $0x1BF5;
	[smem:$0x3FBB] =	sst s0  }
0x18: {  	s0 =	sld [smem:$0x3F9E];
	_ =	swait.ge [sflag:s4], $0x0  }
0x19: {  	s7 =	sld [smem:$0x3F9F]  }
0x1a: {  	s8 =	sadd.s32 $0xFFFFE003, lr  }
0x1b: {  	s9 =	sadd.s32 $0xFFFFFEF7, lr;
	s5 =	simm.s32 $0xFFFFFFFF;
	p2 =	slt.u32 s8, $0xFFFFF086  }
0x1c: {  	p1 =	slt.u32 s9, $0xF7A;
	s5 =	simm.s32 @!p2 $0x0  }
0x1d: {  	s5 =	simm.s32 @p1 $0x1;
	p0 =	seq.s32 s7, s2  }
0x1e: {  	s7 =	smul.u32 @!p0 $0xF7A, s2;
	p2 =	seq.s32 @!p0 s5, $0x0  }
0x1f: {  	s9 =	smul.u32 $0xF7A, s1;
	s8 =	simm.s32 @!p0 $0x1BF5;
	p2 =	por !p2, p0  }
0x20: {  	[sflag:s8] =	ssyncset.s32 @!p0 $0xFFFFF086;
	s6 =	sadd.s32 @!p0 s3, s7;
	s7 =	simm.s32 @!p0 $0x108  }
0x21: {  	s3 =	sadd.s32 s3, s9;
	s6 =	sadd.s32 @!p0 $0x88, s6;
	s7 =	simm.s32 @p2 $0x1082  }
0x22: {  	[simem:s7], [sflag:s8] =	dma.local @!p0 [hbm:s6], $0xF7A  }
0x23: {  	s9 =	sor.u32 $0xD0000000, s2;
	s6 =	simm.s32 $0x108;
	_ =	swait.ge @!p0 [sflag:s8], $0x0  }
0x24: {  	s3 =	sadd.s32 $0x88, s3;
	s6 =	simm.s32 @!p1 $0x1082;
	[sflag:s4] =	ssyncset.s32 $0xFFFFF086  }
0x25: {  	[simem:s6], [sflag:s4] =	dma.local [hbm:s3], $0xF7A  }
0x26: {  	[smem:$0x3F9F] =	sst s1;
	(tag) =	ssettag s2;
	_ =	strace s9  }
0x27: {  	s1 =	sld [smem:$0x3FAF]  }
0x28: {  	s2 =	sld [smem:$0x3FB0]  }
0x29: {  	s4 =	sld [smem:$0x3FB2]  }
0x2a: {  	p0 =	seq.s32 s5, $0x0;
	s5 =	sld [smem:$0x3FB3]  }
0x2b: {  	s6 =	sld [smem:$0x3FB4]  }
0x2c: {  	s7 =	sld [smem:$0x3FB5]  }
0x2d: {  	s3 =	simm.s32 $0x108;
	s8 =	sld [smem:$0x3FB6]  }
0x2e: {  	s3 =	simm.s32 @!p0 $0x1082;
	s9 =	sld [smem:$0x3FB7]  }
0x2f: {  	lr =	sadd.s32 s0, s3;
	s0 =	sld [smem:$0x3FAE]  }
0x30: {  	s3 =	sld [smem:$0x3FB1]  }
0x31: {  	[smem:$0x3FBA] =	sst s10  }
0x32: {  	s10 =	sld [smem:$0x3FB8];
	_ =	sdelay $0x3  }
0x33: {  	p0 =	seq.s32 s10, $0x1;
	s10 =	sld [smem:$0x3FBA];
	_ =	sdelay $0x3  }
0x34: {  	[smem:$0x3FBA] =	sst s10  }
0x35: {  	s10 =	sld [smem:$0x3FB9];
	_ =	sdelay $0x3  }
0x36: {  	p1 =	seq.s32 s10, $0x1;
	s10 =	sld [smem:$0x3FBA];
	_ =	sdelay $0x3  }
0x37: {  	[smem:$0x3FBA] =	sst s10  }
0x38: {  	s10 =	sld [smem:$0x3FBB]  }
0x39: {  	_ = 	snop;
	(pc) =	sbr.ind lr, $3  }
0x3a: {  	_ = 	snop  }
0x3b: {  	_ = 	snop  }
0x3c: {  	p2 =	seq.s32 s10, $0x1;
	s10 =	sld [smem:$0x3FBA]  }
0x3d: {  	_ =	shalt  }
0x3e: {  	_ =	shalt  }
0x3f: {  	_ =	shalt  }
0x40: {  	_ =	shalt  }
0x41: {  	_ =	shalt  }
0x42: {  	_ =	shalt  }
0x43: {  	_ =	shalt  }
0x44: {  	_ =	shalt  }
0x45: {  	_ =	shalt  }
0x46: {  	_ =	shalt  }
0x47: {  	_ =	shalt  }
0x48: {  	_ =	shalt  }
0x49: {  	_ =	shalt  }
0x4a: {  	_ =	shalt  }
0x4b: {  	_ =	shalt  }
0x4c: {  	_ =	shalt  }
0x4d: {  	_ =	shalt  }
0x4e: {  	_ =	shalt  }
0x4f: {  	_ =	shalt  }
0x50: {  	_ =	shalt  }
0x51: {  	_ =	shalt  }
0x52: {  	_ =	shalt  }
0x53: {  	_ =	shalt  }
0x54: {  	_ =	shalt  }
0x55: {  	_ =	shalt  }
0x56: {  	_ =	shalt  }
0x57: {  	_ =	shalt  }
0x58: {  	_ =	shalt  }
0x59: {  	_ =	shalt  }
0x5a: {  	_ =	shalt  }
0x5b: {  	_ =	shalt  }
0x5c: {  	_ =	shalt  }
0x5d: {  	_ =	shalt  }
0x5e: {  	_ =	shalt  }
0x5f: {  	_ =	shalt  }
0x60: {  	_ =	shalt  }
0x61: {  	_ =	shalt  }
0x62: {  	_ =	shalt  }
0x63: {  	_ =	shalt  }
0x64: {  	_ =	shalt  }
0x65: {  	_ =	shalt  }
0x66: {  	_ =	shalt  }
0x67: {  	_ =	shalt  }
0x68: {  	_ =	shalt  }
0x69: {  	_ =	shalt  }
0x6a: {  	_ =	shalt  }
0x6b: {  	_ =	shalt  }
0x6c: {  	_ =	shalt  }
0x6d: {  	_ =	shalt  }
0x6e: {  	_ =	shalt  }
0x6f: {  	_ =	shalt  }
0x70: {  	_ =	shalt  }
0x71: {  	_ =	shalt  }
0x72: {  	_ =	shalt  }
0x73: {  	_ =	shalt  }
0x74: {  	_ =	shalt  }
0x75: {  	_ =	shalt  }
0x76: {  	_ =	shalt  }
0x77: {  	_ =	shalt  }
0x78: {  	_ =	shalt  }
0x79: {  	_ =	shalt  }
0x7a: {  	_ =	shalt  }
0x7b: {  	_ =	shalt  }
0x7c: {  	_ =	shalt  }
0x7d: {  	_ =	shalt  }
0x7e: {  	_ =	shalt  }
0x7f: {  	_ =	shalt  }
0x80: {  	_ =	shalt  }
0x81: {  	_ =	shalt  }
0x82: {  	_ =	shalt  }
0x83: {  	_ =	shalt  }
0x84: {  	_ =	shalt  }
0x85: {  	_ =	shalt  }
0x86: {  	_ =	shalt  }
0x87: {  	_ =	shalt  }
.Lfunc_end0:
.L_simem_size_0:
called_computation.1_lowered:
.L_overlay_start_0:
0x88: {  	s2 =	sld [smem:$0x3FD9]  }
0x89: {  	s3 =	sld [smem:$0x3FFE];
	_ =	sdelay $0x1  }
0x8a: {  	s1 =	srdreg.scid  }
0x8b: {  	s0 =	sand.u32 $0x1, s1  }
0x8c: {  	s17 =	sshll.u32 s0, $0xA;
	s2 =	sadd.s32 s3, s2  }
0x8d: {  	s2 =	sadd.s32 s2, s17  }
0x8e: {  	[smem:$0x3FC6] =	sst s2  }
0x8f: {  	_ = 	snop  }
0x90: {  	s2 =	sld [smem:$0x3FD0];
	(tm) =	ssettm $0x1  }
0x91: {  	s18 =	sld [smem:$0x3FFB];
	_ =	sdelay $0x3  }
0x92: {  	_ =	strace s18  }
0x93: {  	s3 =	sld [smem:$0x3FFC];
	_ =	sdelay $0x3  }
0x94: {  	_ =	strace s3  }
0x95: {  	s3 =	sld [smem:$0x3FFD];
	_ =	sdelay $0x3  }
0x96: {  	_ =	strace s3  }
0x97: {  	_ =	strace $0x8FFFFFFF  }
0x98: {  	s19 =	sld [smem:$0x3FDB];
	_ =	sdelay $0x1  }
0x99: {  	s4 =	simm.s32 $_scs_section_size  }
0x9a: {  	s5 =	simm.s32 $_size__tile_overlayer_lowered;
	s6 =	simm.s32 $_tile_overlayer_lowered  }
0x9b: {  	s22 =	simm.s32 $0x1BFF;
	s21 =	sshll.u32 s6, $0x1;
	s3 =	sadd.s32 s4, s19  }
0x9c: {  	s7 =	simm.s32 $0x0;
	s20 =	sshll.u32 s5, $0x1;
	s5 =	sadd.s32 s21, s3  }
0x9d: {  	[timem:s7], [sflag:s22] =	dma.local [hbm:s5], s20  }
0x9e: {  	_ =	swait.ge [sflag:s22], s20  }
0x9f: {  	s4 =	ssub.s32 $0x0, s20;
	[sflag:s22] =	ssyncset.done $0x0  }
0xa0: {  	[sflag:s22] =	ssyncadd.s32 s4;
	_ =	sdelay $0x1  }
0xa1: {  	s23 =	simm.s32 $0x1B8B  }
0xa2: {  	_ =	swait.ge [sflag:s23], $0x1  }
0xa3: {  	[sflag:s23] =	ssyncset.done $0x0  }
0xa4: {  	s25 =	simm.s32 $0x1B8E;
	s24 =	sld [smem:$0x3FFE];
	[sflag:s23] =	ssyncadd.s32 $0xFFFFFFFF  }
0xa5: {  	s26 =	simm.s32 $execute0_lowered;
	[smem:$0x3FD2] =	sst s25  }
0xa6: {  	s5 =	sshll.u32 s26, $0x1;
	_ =	strace $0x80000046;
	[dreg:$0x1] =	wrdreg $0xFFFFFFFF  }
0xa7: {  	s28 =	simm.s32 $_size_execute0_lowered;
	s3 =	sadd.s32 s3, s5;
	[dreg:$0x0] =	wrdreg $0x0  }
0xa8: {  	s5 =	sshll.u32 s28, $0x1;
	[dreg:$0x2] =	wrdreg s3  }
0xa9: {  	[dreg:$0x3] =	wrdreg s5  }
0xaa: {  	[dreg:$0x4] =	wrdreg $0xC0  }
0xab: {  	_ =	task [dreg:s7], $0x5FFFF  }
0xac: {  	[dreg:$0x1] =	wrdreg $0xFFFFFFFF  }
0xad: {  	[dreg:$0x0] =	wrdreg $0x60  }
0xae: {  	[dreg:$0x2] =	wrdreg s24  }
0xaf: {  	[dreg:$0x3] =	wrdreg s2  }
0xb0: {  	[dreg:$0x4] =	wrdreg $0x9  }
0xb1: {  	_ =	task.clear_ibuf [dreg:s7], $0x5FFFF;
	_ =	strace $0x90000046  }
0xb2: {  	s29 =	simm.s32 $0x9;
	_ =	strace $0x80000048  }
0xb3: {  	_ =	swait.ge [sflag:s29], $0x1  }
0xb4: {  	[sflag:s29] =	ssyncadd.s32 $0xFFFFFFFF  }
0xb5: {  	_ =	strace $0x90000048  }
0xb6: {  	_ =	sfence  }
0xb7: {  	s30 =	sld [smem:$0x0];
	_ =	sdelay $0x2  }
0xb8: {  	s31 =	sshll.u32 s1, $0xD;
	s1 =	sshrl.u32 s1, $0x2  }
0xb9: {  	s3 =	sand.u32 $0x4000, s31;
	s1 =	sadd.s32 s1, s30  }
0xba: {  	s0 =	sor.u32 s3, s0;
	s1 =	sshll.u32 s1, $0x11  }
0xbb: {  	s0 =	sor.u32 s1, s0  }
0xbc: {  	s0 =	sadd.s32 $0x8F2B, s0  }
0xbd: {  	[sflag:s0] =	ssyncadd.remote.s32 $0x1  }
0xbe: {  	_ =	sfence.sel $0xFFFF  }
0xbf: {  	[dreg:$0x0] =	wrdreg $0xFFFFFFFF;
	(pc) =	sbr.abs _section_cstart, $3  }
0xc0: {  	[dreg:$0x1] =	wrdreg $0xFFFFFFFF  }
0xc1: {  	_ =	task.clear_ibuf [dreg:s7], $0x2FFFF;
	_ =	strace $0x9FFFFFFF  }
0xc2: {  	(tm) =	ssettm $0x7FFFFFFF  }
0xc3: {  	_ =	shalt  }
tec
execute0_lowered:
.L_overlay_start_1:
0x0: {  	(tag) =	ssettag $0x1  }
0x1: {  	s0 =	rddreg [dreg:$0x0];
	s1 =	srdreg.scid  }
0x2: {  	s3 =	stileid.u32;
	s2 =	rddreg [dreg:$0x1];
	s28 =	simm.s32 $0x0  }
0x3: {  	s29 =	simm.s32 $0x32;
	s1 =	sand.u32 $0x1, s1;
	s3 =	sshll.u32 s3, $0x1  }
0x4: {  	s30 =	simm.s32 $0x7000;
	[smem:$0x7FF] =	sst s28;
	s3 =	sor.u32 s1, s3  }
0x5: {  	s1 =	ssub.s32 $0x2, s1;
	_ =	strace $0x80000047;
	s4 =	smul.u32 $0xE00, s3  }
0x6: {  	s5 =	sshrl.u32 s1, $0x1;
	s6 =	smul.u32 $0x32000, s3;
	s8 =	sshll.u32 s3, $0x9  }
0x7: {  	s3 =	smul.u32 $0x190000, s3;
	s31 =	ssub.s32 s1, s5;
	s11 =	sor.u32 $0x6, s8  }
0x8: {  	s7 =	sadd.s32 s4, s0;
	s4 =	sadd.s32 $0xF42E00, s0;
	s0 =	smax.u32 s31, $0x1  }
0x9: {  	s12 =	sor.u32 $0x7, s8;
	s10 =	sadd.s32 s2, s6;
	[dreg:$0x11] =	wrdreg s0  }
0xa: {  	s13 =	sor.u32 $0x8, s8;
	s9 =	sadd.s32 $0xA00, s7;
	[dreg:$0x4] =	wrdreg s10  }
0xb: {  	s14 =	sor.u32 $0x9, s8;
	s6 =	sadd.s32 $0x190, s10;
	[dreg:$0x3] =	wrdreg s9  }
0xc: {  	s15 =	sor.u32 $0xA, s8;
	s16 =	sadd.s32 $0x320, s10;
	[dreg:$0x5] =	wrdreg s6  }
0xd: {  	s1 =	simm.s32 $0x7C80;
	s17 =	sadd.s32 $0x4B0, s10;
	[dreg:$0x6] =	wrdreg s16  }
0xe: {  	s3 =	sshrl.u32 s3, $0x3;
	s18 =	sadd.s32 $0x640, s10;
	[dreg:$0x7] =	wrdreg s17  }
0xf: {  	s3 =	sadd.s32 s2, s3;
	s31 =	sadd.s32 $0x7D0, s10;
	[dreg:$0x8] =	wrdreg s18  }
0x10: {  	s5 =	simm.s32 $0xA200;
	s19 =	sadd.s32 $0x31380, s3;
	[dreg:$0x12] =	wrdreg s31  }
0x11: {  	s7 =	simm.s32 $0xAE80;
	s20 =	sadd.s32 $0x31510, s3;
	[dreg:$0x9] =	wrdreg s19  }
0x12: {  	s10 =	simm.s32 $0x2;
	s21 =	sadd.s32 $0x316A0, s3;
	[dreg:$0xa] =	wrdreg s20  }
0x13: {  	s16 =	sor.u32 $0xB, s8;
	s22 =	sadd.s32 $0x31830, s3;
	[dreg:$0xb] =	wrdreg s21  }
0x14: {  	s23 =	sadd.s32 $0x319C0, s3;
	s24 =	sadd.s32 $0x31B50, s3;
	[dreg:$0xc] =	wrdreg s22  }
0x15: {  	s25 =	sadd.s32 $0x31CE0, s3;
	s26 =	sadd.s32 $0x31E70, s3;
	[dreg:$0xd] =	wrdreg s23  }
0x16: {  	s8 =	simm.s32 $0x1;
	s9 =	simm.s32 $0xBB00;
	[dreg:$0xe] =	wrdreg s24  }
0x17: {  	s17 =	simm.s32 $0xC780;
	s18 =	simm.s32 $0x3;
	[dreg:$0xf] =	wrdreg s25  }
0x18: {  	s3 =	simm.s32 $0x0;
	[dreg:$0x10] =	wrdreg s26;
	s19 =	simm.s32 $0xD400  }
0x19: {  	s20 =	simm.s32 $0x7;
	s21 =	simm.s32 $0x4;
	s22 =	simm.s32 $0x8  }
0x1a: {  	s23 =	simm.s32 $0x5;
	s24 =	simm.s32 $0x9;
	s25 =	simm.s32 $0x6  }
.LBB2_1:
0x1b: {  	[dreg:$0x13] =	wrdreg s3  }
0x1c: {  	s0 =	rddreg [dreg:$0x3];
	s6 =	simm.s32 $0xA  }
0x1d: {  	[tilespmem:s28], [sflag:$0xA] =	stream.linear.gather [hbm4b:s0+s28], $0x7000, $0x38;
	[tilespmem:$0xE080] =	vst v63  }
0x1e: {  	_ =	swait.ge [sflag:s6], $0x7000  }
0x1f: {  	[sflag:s6] =	ssyncset.done $0x0  }
0x20: {  	[sflag:s6] =	ssyncadd.s32 $0xFFFF9000  }
0x21: {  	[tilespmem:s30], [sflag:$0x1] =	stream.indirect.gather [hbm4b:s4+s29], $0x40, s28, s29, $0xb8;
	[tilespmem:$0xE080] =	vst v63  }
0x22: {  	s26 =	simm.s32 $0x38  }
0x23: {  	[tilespmem:s1], [sflag:$0x2] =	stream.indirect.gather [hbm4b:s4+s29], $0x40, s26, s29, $0xb8;
	[tilespmem:$0xE080] =	vst v63  }
0x24: {  	s31 =	simm.s32 $0x8900;
	s28 =	simm.s32 $0x70  }
0x25: {  	[tilespmem:s31], [sflag:$0x3] =	stream.indirect.gather [hbm4b:s4+s29], $0x40, s28, s29, $0xb8;
	[tilespmem:$0xE080] =	vst v63  }
0x26: {  	s6 =	simm.s32 $0xA8;
	s26 =	simm.s32 $0x9580  }
0x27: {  	[tilespmem:s26], [sflag:$0x4] =	stream.indirect.gather [hbm4b:s4+s29], $0x40, s6, s29, $0xb8;
	[tilespmem:$0xE080] =	vst v63  }
0x28: {  	s28 =	simm.s32 $0xE0  }
0x29: {  	[tilespmem:s5], [sflag:$0x5] =	stream.indirect.gather [hbm4b:s4+s29], $0x40, s28, s29, $0xb8;
	[tilespmem:$0xE080] =	vst v63  }
0x2a: {  	s31 =	simm.s32 $0x118  }
0x2b: {  	[tilespmem:s7], [sflag:$0x6] =	stream.indirect.gather [hbm4b:s4+s29], $0x40, s31, s29, $0xb8;
	[tilespmem:$0xE080] =	vst v63  }
0x2c: {  	_ =	swait.ge [sflag:s8], $0xC80  }
0x2d: {  	[sflag:s8] =	ssyncset.done $0x0  }
0x2e: {  	s3 =	simm.s32 $0x0;
	[sflag:s8] =	ssyncadd.s32 $0xFFFFF380  }
0x2f: {  	v1 =	vld [tilespmem:s3+$0x7030]  }
0x30: {  	v2 =	vld [tilespmem:s3+$0x7000]  }
0x31: {  	v3 =	vld [tilespmem:s3+$0x7010]  }
0x32: {  	v0 =	vld [tilespmem:s3+$0x7020]  }
0x33: {  	s6 =	simm.s32 $0x100  }
.LBB2_2:
0x34: {  	s26 =	sshra.s32 s6, $0x2;
	p0 =	sne.s32 s6, $0x3100;
	s6 =	sadd.s32 $0x100, s6;
	v4 =	vmul.f32 $8.000000000e+00, v1  }
.Ltmp0:
0x35: {  	v1 =	vld [tilespmem:s26+$0x7030];
	v5 =	vmul.f32 $8.000000000e+00, v2;
	(pc) =	sbr.rel @p0 .LBB2_2-.Ltmp0, $4  }
0x36: {  	v2 =	vld [tilespmem:s26+$0x7000];
	v6 =	vmul.f32 $8.000000000e+00, v3;
	[tilespmem:s3+$0xBB30] =	vst v4  }
0x37: {  	v3 =	vld [tilespmem:s26+$0x7010];
	[tilespmem:s3+$0xBB00] =	vst v5;
	v4 =	vmul.f32 $8.000000000e+00, v0  }
0x38: {  	v0 =	vld [tilespmem:s26+$0x7020];
	[tilespmem:s3+$0xBB10] =	vst v6  }
0x39: {  	[tilespmem:s3+$0xBB20] =	vst v4;
	s3 =	smov.u32 s26  }
0x3a: {  	v1 =	vmul.f32 $8.000000000e+00, v1  }
0x3b: {  	v2 =	vmul.f32 $8.000000000e+00, v2  }
0x3c: {  	v3 =	vmul.f32 $8.000000000e+00, v3;
	[tilespmem:s3+$0xBB30] =	vst v1  }
0x3d: {  	[tilespmem:s3+$0xBB00] =	vst v2;
	v0 =	vmul.f32 $8.000000000e+00, v0  }
0x3e: {  	[tilespmem:s3+$0xBB10] =	vst v3  }
0x3f: {  	s28 =	simm.s32 $0x0;
	s0 =	rddreg [dreg:$0x4];
	[tilespmem:s3+$0xBB20] =	vst v0  }
0x40: {  	[hbm4b:s0+s28] =	stream.linear.scatter [tilespmem:s9], [sflag:$0x7], $0xC80, $0x38;
	[tilespmem:$0xE080] =	vst v63  }
0x41: {  	s31 =	simm.s32 $0x150  }
0x42: {  	[tilespmem:s30], [sflag:$0x1] =	stream.indirect.gather [hbm4b:s4+s29], $0x40, s31, s29, $0xb8;
	[tilespmem:$0xE080] =	vst v63  }
0x43: {  	_ =	swait.ge [sflag:s10], $0xC80  }
0x44: {  	[sflag:s10] =	ssyncset.done $0x0  }
0x45: {  	s3 =	simm.s32 $0x0;
	[sflag:s10] =	ssyncadd.s32 $0xFFFFF380  }
0x46: {  	v1 =	vld [tilespmem:s3+$0x7CB0]  }
0x47: {  	v2 =	vld [tilespmem:s3+$0x7C80]  }
0x48: {  	v3 =	vld [tilespmem:s3+$0x7C90]  }
0x49: {  	v0 =	vld [tilespmem:s3+$0x7CA0]  }
0x4a: {  	s6 =	simm.s32 $0x100  }
.LBB2_4:
0x4b: {  	s26 =	sshra.s32 s6, $0x2;
	p0 =	sne.s32 s6, $0x3100;
	s6 =	sadd.s32 $0x100, s6;
	v4 =	vmul.f32 $8.000000000e+00, v1  }
.Ltmp1:
0x4c: {  	v1 =	vld [tilespmem:s26+$0x7CB0];
	v5 =	vmul.f32 $8.000000000e+00, v2;
	(pc) =	sbr.rel @p0 .LBB2_4-.Ltmp1, $4  }
0x4d: {  	v2 =	vld [tilespmem:s26+$0x7C80];
	v6 =	vmul.f32 $8.000000000e+00, v3;
	[tilespmem:s3+$0xC7B0] =	vst v4  }
0x4e: {  	v3 =	vld [tilespmem:s26+$0x7C90];
	[tilespmem:s3+$0xC780] =	vst v5;
	v4 =	vmul.f32 $8.000000000e+00, v0  }
0x4f: {  	v0 =	vld [tilespmem:s26+$0x7CA0];
	[tilespmem:s3+$0xC790] =	vst v6  }
0x50: {  	[tilespmem:s3+$0xC7A0] =	vst v4;
	s3 =	smov.u32 s26  }
0x51: {  	v1 =	vmul.f32 $8.000000000e+00, v1  }
0x52: {  	v2 =	vmul.f32 $8.000000000e+00, v2  }
0x53: {  	v3 =	vmul.f32 $8.000000000e+00, v3;
	[tilespmem:s3+$0xC7B0] =	vst v1  }
0x54: {  	[tilespmem:s3+$0xC780] =	vst v2;
	v0 =	vmul.f32 $8.000000000e+00, v0  }
0x55: {  	[tilespmem:s3+$0xC790] =	vst v3  }
0x56: {  	s28 =	simm.s32 $0x0;
	s0 =	rddreg [dreg:$0x5];
	[tilespmem:s3+$0xC7A0] =	vst v0  }
0x57: {  	[hbm4b:s0+s28] =	stream.linear.scatter [tilespmem:s17], [sflag:$0x8], $0xC80, $0x38;
	[tilespmem:$0xE080] =	vst v63  }
0x58: {  	s31 =	simm.s32 $0x188  }
0x59: {  	[tilespmem:s1], [sflag:$0x2] =	stream.indirect.gather [hbm4b:s4+s29], $0x40, s31, s29, $0xb8;
	[tilespmem:$0xE080] =	vst v63  }
0x5a: {  	_ =	swait.ge [sflag:s18], $0xC80  }
0x5b: {  	[sflag:s18] =	ssyncset.done $0x0  }
0x5c: {  	s3 =	simm.s32 $0x0;
	[sflag:s18] =	ssyncadd.s32 $0xFFFFF380  }
0x5d: {  	v1 =	vld [tilespmem:s3+$0x8930]  }
0x5e: {  	v2 =	vld [tilespmem:s3+$0x8900]  }
0x5f: {  	v3 =	vld [tilespmem:s3+$0x8910]  }
0x60: {  	v0 =	vld [tilespmem:s3+$0x8920]  }
0x61: {  	s6 =	simm.s32 $0x100  }
.LBB2_6:
0x62: {  	s26 =	sshra.s32 s6, $0x2;
	p0 =	sne.s32 s6, $0x3100;
	s6 =	sadd.s32 $0x100, s6;
	v4 =	vmul.f32 $8.000000000e+00, v1  }
.Ltmp2:
0x63: {  	v1 =	vld [tilespmem:s26+$0x8930];
	v5 =	vmul.f32 $8.000000000e+00, v2;
	(pc) =	sbr.rel @p0 .LBB2_6-.Ltmp2, $4  }
0x64: {  	v2 =	vld [tilespmem:s26+$0x8900];
	v6 =	vmul.f32 $8.000000000e+00, v3;
	[tilespmem:s3+$0xD430] =	vst v4  }
0x65: {  	v3 =	vld [tilespmem:s26+$0x8910];
	[tilespmem:s3+$0xD400] =	vst v5;
	v4 =	vmul.f32 $8.000000000e+00, v0  }
0x66: {  	v0 =	vld [tilespmem:s26+$0x8920];
	[tilespmem:s3+$0xD410] =	vst v6  }
0x67: {  	[tilespmem:s3+$0xD420] =	vst v4;
	s3 =	smov.u32 s26  }
0x68: {  	v1 =	vmul.f32 $8.000000000e+00, v1  }
0x69: {  	v2 =	vmul.f32 $8.000000000e+00, v2  }
0x6a: {  	v3 =	vmul.f32 $8.000000000e+00, v3;
	[tilespmem:s3+$0xD430] =	vst v1  }
0x6b: {  	[tilespmem:s3+$0xD400] =	vst v2;
	v0 =	vmul.f32 $8.000000000e+00, v0  }
0x6c: {  	[tilespmem:s3+$0xD410] =	vst v3  }
0x6d: {  	s26 =	simm.s32 $0x0;
	s0 =	rddreg [dreg:$0x6];
	[tilespmem:s3+$0xD420] =	vst v0  }
0x6e: {  	[hbm4b:s0+s26] =	stream.linear.scatter [tilespmem:s19], [sflag:$0x9], $0xC80, $0x38;
	[tilespmem:$0xE080] =	vst v63  }
0x6f: {  	s28 =	simm.s32 $0x8900;
	s31 =	simm.s32 $0x1C0  }
0x70: {  	[tilespmem:s28], [sflag:$0x3] =	stream.indirect.gather [hbm4b:s4+s29], $0x40, s31, s29, $0xb8;
	[tilespmem:$0xE080] =	vst v63  }
0x71: {  	_ =	swait.ge [sflag:s20], $0xC80  }
0x72: {  	[sflag:s20] =	ssyncset.done $0x0  }
0x73: {  	[sflag:s20] =	ssyncadd.s32 $0xFFFFF380  }
0x74: {  	_ =	swait.ge [sflag:s21], $0xC80  }
0x75: {  	[sflag:s21] =	ssyncset.done $0x0  }
0x76: {  	s3 =	simm.s32 $0x0;
	[sflag:s21] =	ssyncadd.s32 $0xFFFFF380  }
0x77: {  	v1 =	vld [tilespmem:s3+$0x95B0]  }
0x78: {  	v2 =	vld [tilespmem:s3+$0x9580]  }
0x79: {  	v3 =	vld [tilespmem:s3+$0x9590]  }
0x7a: {  	v0 =	vld [tilespmem:s3+$0x95A0]  }
0x7b: {  	s6 =	simm.s32 $0x100  }
.LBB2_8:
0x7c: {  	s26 =	sshra.s32 s6, $0x2;
	p0 =	sne.s32 s6, $0x3100;
	s6 =	sadd.s32 $0x100, s6;
	v4 =	vmul.f32 $8.000000000e+00, v1  }
.Ltmp3:
0x7d: {  	v1 =	vld [tilespmem:s26+$0x95B0];
	v5 =	vmul.f32 $8.000000000e+00, v2;
	(pc) =	sbr.rel @p0 .LBB2_8-.Ltmp3, $4  }
0x7e: {  	v2 =	vld [tilespmem:s26+$0x9580];
	v6 =	vmul.f32 $8.000000000e+00, v3;
	[tilespmem:s3+$0xBB30] =	vst v4  }
0x7f: {  	v3 =	vld [tilespmem:s26+$0x9590];
	[tilespmem:s3+$0xBB00] =	vst v5;
	v4 =	vmul.f32 $8.000000000e+00, v0  }
0x80: {  	v0 =	vld [tilespmem:s26+$0x95A0];
	[tilespmem:s3+$0xBB10] =	vst v6  }
0x81: {  	[tilespmem:s3+$0xBB20] =	vst v4;
	s3 =	smov.u32 s26  }
0x82: {  	v1 =	vmul.f32 $8.000000000e+00, v1  }
0x83: {  	v2 =	vmul.f32 $8.000000000e+00, v2  }
0x84: {  	v3 =	vmul.f32 $8.000000000e+00, v3;
	[tilespmem:s3+$0xBB30] =	vst v1  }
0x85: {  	[tilespmem:s3+$0xBB00] =	vst v2;
	v0 =	vmul.f32 $8.000000000e+00, v0  }
0x86: {  	[tilespmem:s3+$0xBB10] =	vst v3  }
0x87: {  	s26 =	simm.s32 $0x0;
	s0 =	rddreg [dreg:$0x7];
	[tilespmem:s3+$0xBB20] =	vst v0  }
0x88: {  	[hbm4b:s0+s26] =	stream.linear.scatter [tilespmem:s9], [sflag:$0x7], $0xC80, $0x38;
	[tilespmem:$0xE080] =	vst v63  }
0x89: {  	s28 =	simm.s32 $0x9580;
	s31 =	simm.s32 $0x1F8  }
0x8a: {  	[tilespmem:s28], [sflag:$0x4] =	stream.indirect.gather [hbm4b:s4+s29], $0x40, s31, s29, $0xb8;
	[tilespmem:$0xE080] =	vst v63  }
0x8b: {  	_ =	swait.ge [sflag:s22], $0xC80  }
0x8c: {  	[sflag:s22] =	ssyncset.done $0x0  }
0x8d: {  	[sflag:s22] =	ssyncadd.s32 $0xFFFFF380  }
0x8e: {  	_ =	swait.ge [sflag:s23], $0xC80  }
0x8f: {  	[sflag:s23] =	ssyncset.done $0x0  }
0x90: {  	s3 =	simm.s32 $0x0;
	[sflag:s23] =	ssyncadd.s32 $0xFFFFF380  }
0x91: {  	v1 =	vld [tilespmem:s3+$0xA230]  }
0x92: {  	v2 =	vld [tilespmem:s3+$0xA200]  }
0x93: {  	v3 =	vld [tilespmem:s3+$0xA210]  }
0x94: {  	v0 =	vld [tilespmem:s3+$0xA220]  }
0x95: {  	s6 =	simm.s32 $0x100  }
.LBB2_10:
0x96: {  	s26 =	sshra.s32 s6, $0x2;
	p0 =	sne.s32 s6, $0x3100;
	s6 =	sadd.s32 $0x100, s6;
	v4 =	vmul.f32 $8.000000000e+00, v1  }
.Ltmp4:
0x97: {  	v1 =	vld [tilespmem:s26+$0xA230];
	v5 =	vmul.f32 $8.000000000e+00, v2;
	(pc) =	sbr.rel @p0 .LBB2_10-.Ltmp4, $4  }
0x98: {  	v2 =	vld [tilespmem:s26+$0xA200];
	v6 =	vmul.f32 $8.000000000e+00, v3;
	[tilespmem:s3+$0xC7B0] =	vst v4  }
0x99: {  	v3 =	vld [tilespmem:s26+$0xA210];
	[tilespmem:s3+$0xC780] =	vst v5;
	v4 =	vmul.f32 $8.000000000e+00, v0  }
0x9a: {  	v0 =	vld [tilespmem:s26+$0xA220];
	[tilespmem:s3+$0xC790] =	vst v6  }
0x9b: {  	[tilespmem:s3+$0xC7A0] =	vst v4;
	s3 =	smov.u32 s26  }
0x9c: {  	v1 =	vmul.f32 $8.000000000e+00, v1  }
0x9d: {  	v2 =	vmul.f32 $8.000000000e+00, v2  }
0x9e: {  	v3 =	vmul.f32 $8.000000000e+00, v3;
	[tilespmem:s3+$0xC7B0] =	vst v1  }
0x9f: {  	[tilespmem:s3+$0xC780] =	vst v2;
	v0 =	vmul.f32 $8.000000000e+00, v0  }
0xa0: {  	[tilespmem:s3+$0xC790] =	vst v3  }
0xa1: {  	s28 =	simm.s32 $0x0;
	s0 =	rddreg [dreg:$0x8];
	[tilespmem:s3+$0xC7A0] =	vst v0  }
0xa2: {  	[hbm4b:s0+s28] =	stream.linear.scatter [tilespmem:s17], [sflag:$0x8], $0xC80, $0x38;
	[tilespmem:$0xE080] =	vst v63  }
0xa3: {  	s31 =	simm.s32 $0x230  }
0xa4: {  	[tilespmem:s5], [sflag:$0x5] =	stream.indirect.gather [hbm4b:s4+s29], $0x40, s31, s29, $0xb8;
	[tilespmem:$0xE080] =	vst v63  }
0xa5: {  	_ =	swait.ge [sflag:s24], $0xC80  }
0xa6: {  	[sflag:s24] =	ssyncset.done $0x0  }
0xa7: {  	[sflag:s24] =	ssyncadd.s32 $0xFFFFF380  }
0xa8: {  	_ =	swait.ge [sflag:s25], $0xC80  }
0xa9: {  	[sflag:s25] =	ssyncset.done $0x0  }
0xaa: {  	s3 =	simm.s32 $0x0;
	[sflag:s25] =	ssyncadd.s32 $0xFFFFF380  }
0xab: {  	v1 =	vld [tilespmem:s3+$0xAEB0]  }
0xac: {  	v2 =	vld [tilespmem:s3+$0xAE80]  }
0xad: {  	v3 =	vld [tilespmem:s3+$0xAE90]  }
0xae: {  	v0 =	vld [tilespmem:s3+$0xAEA0]  }
0xaf: {  	s6 =	simm.s32 $0x100  }
.LBB2_12:
0xb0: {  	s26 =	sshra.s32 s6, $0x2;
	p0 =	sne.s32 s6, $0x3100;
	s6 =	sadd.s32 $0x100, s6;
	v4 =	vmul.f32 $8.000000000e+00, v1  }
.Ltmp5:
0xb1: {  	v1 =	vld [tilespmem:s26+$0xAEB0];
	v5 =	vmul.f32 $8.000000000e+00, v2;
	(pc) =	sbr.rel @p0 .LBB2_12-.Ltmp5, $4  }
0xb2: {  	v2 =	vld [tilespmem:s26+$0xAE80];
	v6 =	vmul.f32 $8.000000000e+00, v3;
	[tilespmem:s3+$0xD430] =	vst v4  }
0xb3: {  	v3 =	vld [tilespmem:s26+$0xAE90];
	[tilespmem:s3+$0xD400] =	vst v5;
	v4 =	vmul.f32 $8.000000000e+00, v0  }
0xb4: {  	v0 =	vld [tilespmem:s26+$0xAEA0];
	[tilespmem:s3+$0xD410] =	vst v6  }
0xb5: {  	[tilespmem:s3+$0xD420] =	vst v4;
	s3 =	smov.u32 s26  }
0xb6: {  	v1 =	vmul.f32 $8.000000000e+00, v1  }
0xb7: {  	v2 =	vmul.f32 $8.000000000e+00, v2  }
0xb8: {  	v3 =	vmul.f32 $8.000000000e+00, v3;
	[tilespmem:s3+$0xD430] =	vst v1  }
0xb9: {  	[tilespmem:s3+$0xD400] =	vst v2;
	v0 =	vmul.f32 $8.000000000e+00, v0  }
0xba: {  	[tilespmem:s3+$0xD410] =	vst v3  }
0xbb: {  	s6 =	simm.s32 $0x0;
	s0 =	rddreg [dreg:$0x12];
	[tilespmem:s3+$0xD420] =	vst v0  }
0xbc: {  	[hbm4b:s0+s6] =	stream.linear.scatter [tilespmem:s19], [sflag:$0x9], $0xC80, $0x38;
	[tilespmem:$0xE080] =	vst v63  }
0xbd: {  	s31 =	simm.s32 $0x268  }
0xbe: {  	[tilespmem:s7], [sflag:$0x6] =	stream.indirect.gather [hbm4b:s4+s29], $0x40, s31, s29, $0xb8;
	[tilespmem:$0xE080] =	vst v63  }
.LBB2_14:
0xbf: {  	_ =	swait.ge [sflag:s20], $0xC80  }
0xc0: {  	[sflag:s20] =	ssyncset.done $0x0  }
0xc1: {  	[sflag:s20] =	ssyncadd.s32 $0xFFFFF380  }
0xc2: {  	_ =	swait.ge [sflag:s8], $0xC80  }
0xc3: {  	[sflag:s8] =	ssyncset.done $0x0  }
0xc4: {  	s26 =	simm.s32 $0x0;
	[sflag:s8] =	ssyncadd.s32 $0xFFFFF380  }
0xc5: {  	v2 =	vld [tilespmem:s26+$0x7030]  }
0xc6: {  	v1 =	vld [tilespmem:s26+$0x7000]  }
0xc7: {  	v3 =	vld [tilespmem:s26+$0x7010]  }
0xc8: {  	v0 =	vld [tilespmem:s26+$0x7020]  }
0xc9: {  	s3 =	simm.s32 $0x100  }
.LBB2_15:
0xca: {  	s28 =	sshra.s32 s3, $0x2;
	p0 =	sne.s32 s3, $0x3100;
	s3 =	sadd.s32 $0x100, s3;
	v4 =	vmul.f32 $8.000000000e+00, v2  }
.Ltmp6:
0xcb: {  	v2 =	vld [tilespmem:s28+$0x7030];
	v5 =	vmul.f32 $8.000000000e+00, v1;
	(pc) =	sbr.rel @p0 .LBB2_15-.Ltmp6, $4  }
0xcc: {  	v1 =	vld [tilespmem:s28+$0x7000];
	v6 =	vmul.f32 $8.000000000e+00, v3;
	[tilespmem:s26+$0xBB30] =	vst v4  }
0xcd: {  	v3 =	vld [tilespmem:s28+$0x7010];
	[tilespmem:s26+$0xBB00] =	vst v5;
	v4 =	vmul.f32 $8.000000000e+00, v0  }
0xce: {  	v0 =	vld [tilespmem:s28+$0x7020];
	[tilespmem:s26+$0xBB10] =	vst v6  }
0xcf: {  	[tilespmem:s26+$0xBB20] =	vst v4;
	s26 =	smov.u32 s28  }
0xd0: {  	v2 =	vmul.f32 $8.000000000e+00, v2;
	s28 =	smul.u32 $0x6, s6  }
0xd1: {  	v1 =	vmul.f32 $8.000000000e+00, v1  }
0xd2: {  	s31 =	smul.u32 $0x540, s6;
	v3 =	vmul.f32 $8.000000000e+00, v3;
	[tilespmem:s26+$0xBB30] =	vst v2;
	s3 =	sadd.s32 s28, s11  }
0xd3: {  	[tilespmem:s26+$0xBB00] =	vst v1;
	v0 =	vmul.f32 $8.000000000e+00, v0;
	s3 =	smul.u32 $0x190, s3  }
0xd4: {  	[tilespmem:s26+$0xBB10] =	vst v3  }
0xd5: {  	s0 =	simm.s32 $0x0;
	[tilespmem:s26+$0xBB20] =	vst v0;
	s3 =	sadd.s32 s2, s3;
	s26 =	sshra.s32 s31, $0x2  }
0xd6: {  	[hbm4b:s3+s0] =	stream.linear.scatter [tilespmem:s9], [sflag:$0x7], $0xC80, $0x38;
	[tilespmem:$0xE080] =	vst v63  }
0xd7: {  	s0 =	sadd.s32 $0x2A0, s26  }
0xd8: {  	[tilespmem:s30], [sflag:$0x1] =	stream.indirect.gather [hbm4b:s4+s29], $0x40, s0, s29, $0xb8;
	[tilespmem:$0xE080] =	vst v63  }
0xd9: {  	_ =	swait.ge [sflag:s22], $0xC80  }
0xda: {  	[sflag:s22] =	ssyncset.done $0x0  }
0xdb: {  	[sflag:s22] =	ssyncadd.s32 $0xFFFFF380  }
0xdc: {  	_ =	swait.ge [sflag:s10], $0xC80  }
0xdd: {  	[sflag:s10] =	ssyncset.done $0x0  }
0xde: {  	s3 =	simm.s32 $0x0;
	[sflag:s10] =	ssyncadd.s32 $0xFFFFF380  }
0xdf: {  	v1 =	vld [tilespmem:s3+$0x7CB0]  }
0xe0: {  	v2 =	vld [tilespmem:s3+$0x7C80]  }
0xe1: {  	v3 =	vld [tilespmem:s3+$0x7C90]  }
0xe2: {  	v0 =	vld [tilespmem:s3+$0x7CA0]  }
0xe3: {  	s31 =	simm.s32 $0x100  }
.LBB2_17:
0xe4: {  	s0 =	sshra.s32 s31, $0x2;
	p0 =	sne.s32 s31, $0x3100;
	s31 =	sadd.s32 $0x100, s31;
	v4 =	vmul.f32 $8.000000000e+00, v1  }
.Ltmp7:
0xe5: {  	v1 =	vld [tilespmem:s0+$0x7CB0];
	v5 =	vmul.f32 $8.000000000e+00, v2;
	(pc) =	sbr.rel @p0 .LBB2_17-.Ltmp7, $4  }
0xe6: {  	v2 =	vld [tilespmem:s0+$0x7C80];
	v6 =	vmul.f32 $8.000000000e+00, v3;
	[tilespmem:s3+$0xC7B0] =	vst v4  }
0xe7: {  	v3 =	vld [tilespmem:s0+$0x7C90];
	[tilespmem:s3+$0xC780] =	vst v5;
	v4 =	vmul.f32 $8.000000000e+00, v0  }
0xe8: {  	v0 =	vld [tilespmem:s0+$0x7CA0];
	[tilespmem:s3+$0xC790] =	vst v6  }
0xe9: {  	[tilespmem:s3+$0xC7A0] =	vst v4;
	s3 =	smov.u32 s0  }
0xea: {  	v1 =	vmul.f32 $8.000000000e+00, v1  }
0xeb: {  	v2 =	vmul.f32 $8.000000000e+00, v2  }
0xec: {  	s0 =	sadd.s32 s28, s12;
	v3 =	vmul.f32 $8.000000000e+00, v3;
	[tilespmem:s3+$0xC7B0] =	vst v1  }
0xed: {  	s0 =	smul.u32 $0x190, s0;
	[tilespmem:s3+$0xC780] =	vst v2;
	v0 =	vmul.f32 $8.000000000e+00, v0  }
0xee: {  	[tilespmem:s3+$0xC790] =	vst v3  }
0xef: {  	s0 =	sadd.s32 s2, s0;
	[tilespmem:s3+$0xC7A0] =	vst v0;
	s3 =	simm.s32 $0x0  }
0xf0: {  	[hbm4b:s0+s3] =	stream.linear.scatter [tilespmem:s17], [sflag:$0x8], $0xC80, $0x38;
	[tilespmem:$0xE080] =	vst v63  }
0xf1: {  	s3 =	sadd.s32 $0x2D8, s26  }
0xf2: {  	[tilespmem:s1], [sflag:$0x2] =	stream.indirect.gather [hbm4b:s4+s29], $0x40, s3, s29, $0xb8;
	[tilespmem:$0xE080] =	vst v63  }
0xf3: {  	_ =	swait.ge [sflag:s24], $0xC80  }
0xf4: {  	[sflag:s24] =	ssyncset.done $0x0  }
0xf5: {  	[sflag:s24] =	ssyncadd.s32 $0xFFFFF380  }
0xf6: {  	_ =	swait.ge [sflag:s18], $0xC80  }
0xf7: {  	[sflag:s18] =	ssyncset.done $0x0  }
0xf8: {  	s3 =	simm.s32 $0x0;
	[sflag:s18] =	ssyncadd.s32 $0xFFFFF380  }
0xf9: {  	v1 =	vld [tilespmem:s3+$0x8930]  }
0xfa: {  	v2 =	vld [tilespmem:s3+$0x8900]  }
0xfb: {  	v3 =	vld [tilespmem:s3+$0x8910]  }
0xfc: {  	v0 =	vld [tilespmem:s3+$0x8920]  }
0xfd: {  	s31 =	simm.s32 $0x100  }
.LBB2_19:
0xfe: {  	s0 =	sshra.s32 s31, $0x2;
	p0 =	sne.s32 s31, $0x3100;
	s31 =	sadd.s32 $0x100, s31;
	v4 =	vmul.f32 $8.000000000e+00, v1  }
.Ltmp8:
0xff: {  	v1 =	vld [tilespmem:s0+$0x8930];
	v5 =	vmul.f32 $8.000000000e+00, v2;
	(pc) =	sbr.rel @p0 .LBB2_19-.Ltmp8, $4  }
0x100: {  	v2 =	vld [tilespmem:s0+$0x8900];
	v6 =	vmul.f32 $8.000000000e+00, v3;
	[tilespmem:s3+$0xD430] =	vst v4  }
0x101: {  	v3 =	vld [tilespmem:s0+$0x8910];
	[tilespmem:s3+$0xD400] =	vst v5;
	v4 =	vmul.f32 $8.000000000e+00, v0  }
0x102: {  	v0 =	vld [tilespmem:s0+$0x8920];
	[tilespmem:s3+$0xD410] =	vst v6  }
0x103: {  	[tilespmem:s3+$0xD420] =	vst v4;
	s3 =	smov.u32 s0  }
0x104: {  	v1 =	vmul.f32 $8.000000000e+00, v1  }
0x105: {  	v2 =	vmul.f32 $8.000000000e+00, v2  }
0x106: {  	s0 =	sadd.s32 s28, s13;
	v3 =	vmul.f32 $8.000000000e+00, v3;
	[tilespmem:s3+$0xD430] =	vst v1  }
0x107: {  	s0 =	smul.u32 $0x190, s0;
	[tilespmem:s3+$0xD400] =	vst v2;
	v0 =	vmul.f32 $8.000000000e+00, v0  }
0x108: {  	[tilespmem:s3+$0xD410] =	vst v3  }
0x109: {  	s0 =	sadd.s32 s2, s0;
	[tilespmem:s3+$0xD420] =	vst v0;
	s3 =	simm.s32 $0x0  }
0x10a: {  	[hbm4b:s0+s3] =	stream.linear.scatter [tilespmem:s19], [sflag:$0x9], $0xC80, $0x38;
	[tilespmem:$0xE080] =	vst v63  }
0x10b: {  	s0 =	sadd.s32 $0x310, s26;
	s3 =	simm.s32 $0x8900  }
0x10c: {  	[tilespmem:s3], [sflag:$0x3] =	stream.indirect.gather [hbm4b:s4+s29], $0x40, s0, s29, $0xb8;
	[tilespmem:$0xE080] =	vst v63  }
0x10d: {  	_ =	swait.ge [sflag:s20], $0xC80  }
0x10e: {  	[sflag:s20] =	ssyncset.done $0x0  }
0x10f: {  	[sflag:s20] =	ssyncadd.s32 $0xFFFFF380  }
0x110: {  	_ =	swait.ge [sflag:s21], $0xC80  }
0x111: {  	[sflag:s21] =	ssyncset.done $0x0  }
0x112: {  	s3 =	simm.s32 $0x0;
	[sflag:s21] =	ssyncadd.s32 $0xFFFFF380  }
0x113: {  	v1 =	vld [tilespmem:s3+$0x95B0]  }
0x114: {  	v2 =	vld [tilespmem:s3+$0x9580]  }
0x115: {  	v3 =	vld [tilespmem:s3+$0x9590]  }
0x116: {  	v0 =	vld [tilespmem:s3+$0x95A0]  }
0x117: {  	s31 =	simm.s32 $0x100  }
.LBB2_21:
0x118: {  	s0 =	sshra.s32 s31, $0x2;
	p0 =	sne.s32 s31, $0x3100;
	s31 =	sadd.s32 $0x100, s31;
	v4 =	vmul.f32 $8.000000000e+00, v1  }
.Ltmp9:
0x119: {  	v1 =	vld [tilespmem:s0+$0x95B0];
	v5 =	vmul.f32 $8.000000000e+00, v2;
	(pc) =	sbr.rel @p0 .LBB2_21-.Ltmp9, $4  }
0x11a: {  	v2 =	vld [tilespmem:s0+$0x9580];
	v6 =	vmul.f32 $8.000000000e+00, v3;
	[tilespmem:s3+$0xBB30] =	vst v4  }
0x11b: {  	v3 =	vld [tilespmem:s0+$0x9590];
	[tilespmem:s3+$0xBB00] =	vst v5;
	v4 =	vmul.f32 $8.000000000e+00, v0  }
0x11c: {  	v0 =	vld [tilespmem:s0+$0x95A0];
	[tilespmem:s3+$0xBB10] =	vst v6  }
0x11d: {  	[tilespmem:s3+$0xBB20] =	vst v4;
	s3 =	smov.u32 s0  }
0x11e: {  	v1 =	vmul.f32 $8.000000000e+00, v1  }
0x11f: {  	v2 =	vmul.f32 $8.000000000e+00, v2  }
0x120: {  	s0 =	sadd.s32 s28, s14;
	v3 =	vmul.f32 $8.000000000e+00, v3;
	[tilespmem:s3+$0xBB30] =	vst v1  }
0x121: {  	s0 =	smul.u32 $0x190, s0;
	[tilespmem:s3+$0xBB00] =	vst v2;
	v0 =	vmul.f32 $8.000000000e+00, v0  }
0x122: {  	[tilespmem:s3+$0xBB10] =	vst v3  }
0x123: {  	s0 =	sadd.s32 s2, s0;
	[tilespmem:s3+$0xBB20] =	vst v0;
	s3 =	simm.s32 $0x0  }
0x124: {  	[hbm4b:s0+s3] =	stream.linear.scatter [tilespmem:s9], [sflag:$0x7], $0xC80, $0x38;
	[tilespmem:$0xE080] =	vst v63  }
0x125: {  	s0 =	sadd.s32 $0x348, s26;
	s3 =	simm.s32 $0x9580  }
0x126: {  	[tilespmem:s3], [sflag:$0x4] =	stream.indirect.gather [hbm4b:s4+s29], $0x40, s0, s29, $0xb8;
	[tilespmem:$0xE080] =	vst v63  }
0x127: {  	_ =	swait.ge [sflag:s22], $0xC80  }
0x128: {  	[sflag:s22] =	ssyncset.done $0x0  }
0x129: {  	[sflag:s22] =	ssyncadd.s32 $0xFFFFF380  }
0x12a: {  	_ =	swait.ge [sflag:s23], $0xC80  }
0x12b: {  	[sflag:s23] =	ssyncset.done $0x0  }
0x12c: {  	s3 =	simm.s32 $0x0;
	[sflag:s23] =	ssyncadd.s32 $0xFFFFF380  }
0x12d: {  	v1 =	vld [tilespmem:s3+$0xA230]  }
0x12e: {  	v2 =	vld [tilespmem:s3+$0xA200]  }
0x12f: {  	v3 =	vld [tilespmem:s3+$0xA210]  }
0x130: {  	v0 =	vld [tilespmem:s3+$0xA220]  }
0x131: {  	s31 =	simm.s32 $0x100  }
.LBB2_23:
0x132: {  	s0 =	sshra.s32 s31, $0x2;
	p0 =	sne.s32 s31, $0x3100;
	s31 =	sadd.s32 $0x100, s31;
	v4 =	vmul.f32 $8.000000000e+00, v1  }
.Ltmp10:
0x133: {  	v1 =	vld [tilespmem:s0+$0xA230];
	v5 =	vmul.f32 $8.000000000e+00, v2;
	(pc) =	sbr.rel @p0 .LBB2_23-.Ltmp10, $4  }
0x134: {  	v2 =	vld [tilespmem:s0+$0xA200];
	v6 =	vmul.f32 $8.000000000e+00, v3;
	[tilespmem:s3+$0xC7B0] =	vst v4  }
0x135: {  	v3 =	vld [tilespmem:s0+$0xA210];
	[tilespmem:s3+$0xC780] =	vst v5;
	v4 =	vmul.f32 $8.000000000e+00, v0  }
0x136: {  	v0 =	vld [tilespmem:s0+$0xA220];
	[tilespmem:s3+$0xC790] =	vst v6  }
0x137: {  	[tilespmem:s3+$0xC7A0] =	vst v4;
	s3 =	smov.u32 s0  }
0x138: {  	v1 =	vmul.f32 $8.000000000e+00, v1  }
0x139: {  	v2 =	vmul.f32 $8.000000000e+00, v2  }
0x13a: {  	s0 =	sadd.s32 s28, s15;
	v3 =	vmul.f32 $8.000000000e+00, v3;
	[tilespmem:s3+$0xC7B0] =	vst v1  }
0x13b: {  	s0 =	smul.u32 $0x190, s0;
	[tilespmem:s3+$0xC780] =	vst v2;
	v0 =	vmul.f32 $8.000000000e+00, v0  }
0x13c: {  	[tilespmem:s3+$0xC790] =	vst v3  }
0x13d: {  	s0 =	sadd.s32 s2, s0;
	[tilespmem:s3+$0xC7A0] =	vst v0;
	s3 =	simm.s32 $0x0  }
0x13e: {  	[hbm4b:s0+s3] =	stream.linear.scatter [tilespmem:s17], [sflag:$0x8], $0xC80, $0x38;
	[tilespmem:$0xE080] =	vst v63  }
0x13f: {  	s3 =	sadd.s32 $0x380, s26  }
0x140: {  	[tilespmem:s5], [sflag:$0x5] =	stream.indirect.gather [hbm4b:s4+s29], $0x40, s3, s29, $0xb8;
	[tilespmem:$0xE080] =	vst v63  }
0x141: {  	_ =	swait.ge [sflag:s24], $0xC80  }
0x142: {  	[sflag:s24] =	ssyncset.done $0x0  }
0x143: {  	[sflag:s24] =	ssyncadd.s32 $0xFFFFF380  }
0x144: {  	_ =	swait.ge [sflag:s25], $0xC80  }
0x145: {  	[sflag:s25] =	ssyncset.done $0x0  }
0x146: {  	s3 =	simm.s32 $0x0;
	[sflag:s25] =	ssyncadd.s32 $0xFFFFF380  }
0x147: {  	v1 =	vld [tilespmem:s3+$0xAEB0]  }
0x148: {  	v2 =	vld [tilespmem:s3+$0xAE80]  }
0x149: {  	v3 =	vld [tilespmem:s3+$0xAE90]  }
0x14a: {  	v0 =	vld [tilespmem:s3+$0xAEA0]  }
0x14b: {  	s31 =	simm.s32 $0x100  }
.LBB2_25:
0x14c: {  	s0 =	sshra.s32 s31, $0x2;
	p0 =	sne.s32 s31, $0x3100;
	s31 =	sadd.s32 $0x100, s31;
	v4 =	vmul.f32 $8.000000000e+00, v1  }
.Ltmp11:
0x14d: {  	v1 =	vld [tilespmem:s0+$0xAEB0];
	v5 =	vmul.f32 $8.000000000e+00, v2;
	(pc) =	sbr.rel @p0 .LBB2_25-.Ltmp11, $4  }
0x14e: {  	v2 =	vld [tilespmem:s0+$0xAE80];
	v6 =	vmul.f32 $8.000000000e+00, v3;
	[tilespmem:s3+$0xD430] =	vst v4  }
0x14f: {  	v3 =	vld [tilespmem:s0+$0xAE90];
	[tilespmem:s3+$0xD400] =	vst v5;
	v4 =	vmul.f32 $8.000000000e+00, v0  }
0x150: {  	v0 =	vld [tilespmem:s0+$0xAEA0];
	[tilespmem:s3+$0xD410] =	vst v6  }
0x151: {  	[tilespmem:s3+$0xD420] =	vst v4;
	s3 =	smov.u32 s0  }
0x152: {  	v1 =	vmul.f32 $8.000000000e+00, v1  }
0x153: {  	v2 =	vmul.f32 $8.000000000e+00, v2  }
0x154: {  	s0 =	sadd.s32 s28, s16;
	s6 =	sadd.s32 $0x1, s6;
	v3 =	vmul.f32 $8.000000000e+00, v3;
	[tilespmem:s3+$0xD430] =	vst v1  }
0x155: {  	s0 =	smul.u32 $0x190, s0;
	p0 =	sne.s32 s6, $0x53;
	[tilespmem:s3+$0xD400] =	vst v2;
	v0 =	vmul.f32 $8.000000000e+00, v0  }
.Ltmp12:
0x156: {  	[tilespmem:s3+$0xD410] =	vst v3;
	(pc) =	sbr.rel @p0 .LBB2_14-.Ltmp12, $4  }
0x157: {  	s28 =	simm.s32 $0x0;
	s0 =	sadd.s32 s2, s0;
	[tilespmem:s3+$0xD420] =	vst v0  }
0x158: {  	[hbm4b:s0+s28] =	stream.linear.scatter [tilespmem:s19], [sflag:$0x9], $0xC80, $0x38;
	[tilespmem:$0xE080] =	vst v63  }
0x159: {  	s31 =	sadd.s32 $0x3B8, s26  }
0x15a: {  	[tilespmem:s7], [sflag:$0x6] =	stream.indirect.gather [hbm4b:s4+s29], $0x40, s31, s29, $0xb8;
	[tilespmem:$0xE080] =	vst v63  }
0x15b: {  	_ =	swait.ge [sflag:s20], $0xC80  }
0x15c: {  	[sflag:s20] =	ssyncset.done $0x0  }
0x15d: {  	[sflag:s20] =	ssyncadd.s32 $0xFFFFF380  }
0x15e: {  	_ =	swait.ge [sflag:s8], $0xC80  }
0x15f: {  	[sflag:s8] =	ssyncset.done $0x0  }
0x160: {  	s3 =	simm.s32 $0x0;
	[sflag:s8] =	ssyncadd.s32 $0xFFFFF380  }
0x161: {  	v1 =	vld [tilespmem:s3+$0x7030]  }
0x162: {  	v2 =	vld [tilespmem:s3+$0x7000]  }
0x163: {  	v3 =	vld [tilespmem:s3+$0x7010]  }
0x164: {  	v0 =	vld [tilespmem:s3+$0x7020]  }
0x165: {  	s6 =	simm.s32 $0x100  }
.LBB2_28:
0x166: {  	s0 =	sshra.s32 s6, $0x2;
	p0 =	sne.s32 s6, $0x3100;
	s6 =	sadd.s32 $0x100, s6;
	v4 =	vmul.f32 $8.000000000e+00, v1  }
.Ltmp13:
0x167: {  	v1 =	vld [tilespmem:s0+$0x7030];
	v5 =	vmul.f32 $8.000000000e+00, v2;
	(pc) =	sbr.rel @p0 .LBB2_28-.Ltmp13, $4  }
0x168: {  	v2 =	vld [tilespmem:s0+$0x7000];
	v6 =	vmul.f32 $8.000000000e+00, v3;
	[tilespmem:s3+$0xBB30] =	vst v4  }
0x169: {  	v3 =	vld [tilespmem:s0+$0x7010];
	[tilespmem:s3+$0xBB00] =	vst v5;
	v4 =	vmul.f32 $8.000000000e+00, v0  }
0x16a: {  	v0 =	vld [tilespmem:s0+$0x7020];
	[tilespmem:s3+$0xBB10] =	vst v6  }
0x16b: {  	[tilespmem:s3+$0xBB20] =	vst v4;
	s3 =	smov.u32 s0  }
0x16c: {  	v1 =	vmul.f32 $8.000000000e+00, v1  }
0x16d: {  	v2 =	vmul.f32 $8.000000000e+00, v2  }
0x16e: {  	v3 =	vmul.f32 $8.000000000e+00, v3;
	[tilespmem:s3+$0xBB30] =	vst v1  }
0x16f: {  	[tilespmem:s3+$0xBB00] =	vst v2;
	v0 =	vmul.f32 $8.000000000e+00, v0  }
0x170: {  	[tilespmem:s3+$0xBB10] =	vst v3  }
0x171: {  	s0 =	simm.s32 $0x0;
	s26 =	rddreg [dreg:$0x9];
	[tilespmem:s3+$0xBB20] =	vst v0  }
0x172: {  	[hbm4b:s26+s0] =	stream.linear.scatter [tilespmem:s9], [sflag:$0x7], $0xC80, $0x38;
	[tilespmem:$0xE080] =	vst v63  }
0x173: {  	s31 =	simm.s32 $0x6F90  }
0x174: {  	[tilespmem:s30], [sflag:$0x1] =	stream.indirect.gather [hbm4b:s4+s29], $0x40, s31, s29, $0xb8;
	[tilespmem:$0xE080] =	vst v63  }
0x175: {  	_ =	swait.ge [sflag:s22], $0xC80  }
0x176: {  	[sflag:s22] =	ssyncset.done $0x0  }
0x177: {  	[sflag:s22] =	ssyncadd.s32 $0xFFFFF380  }
0x178: {  	_ =	swait.ge [sflag:s10], $0xC80  }
0x179: {  	[sflag:s10] =	ssyncset.done $0x0  }
0x17a: {  	s3 =	simm.s32 $0x0;
	[sflag:s10] =	ssyncadd.s32 $0xFFFFF380  }
0x17b: {  	v1 =	vld [tilespmem:s3+$0x7CB0]  }
0x17c: {  	v2 =	vld [tilespmem:s3+$0x7C80]  }
0x17d: {  	v3 =	vld [tilespmem:s3+$0x7C90]  }
0x17e: {  	v0 =	vld [tilespmem:s3+$0x7CA0]  }
0x17f: {  	s6 =	simm.s32 $0x100  }
.LBB2_30:
0x180: {  	s0 =	sshra.s32 s6, $0x2;
	p0 =	sne.s32 s6, $0x3100;
	s6 =	sadd.s32 $0x100, s6;
	v4 =	vmul.f32 $8.000000000e+00, v1  }
.Ltmp14:
0x181: {  	v1 =	vld [tilespmem:s0+$0x7CB0];
	v5 =	vmul.f32 $8.000000000e+00, v2;
	(pc) =	sbr.rel @p0 .LBB2_30-.Ltmp14, $4  }
0x182: {  	v2 =	vld [tilespmem:s0+$0x7C80];
	v6 =	vmul.f32 $8.000000000e+00, v3;
	[tilespmem:s3+$0xC7B0] =	vst v4  }
0x183: {  	v3 =	vld [tilespmem:s0+$0x7C90];
	[tilespmem:s3+$0xC780] =	vst v5;
	v4 =	vmul.f32 $8.000000000e+00, v0  }
0x184: {  	v0 =	vld [tilespmem:s0+$0x7CA0];
	[tilespmem:s3+$0xC790] =	vst v6  }
0x185: {  	[tilespmem:s3+$0xC7A0] =	vst v4;
	s3 =	smov.u32 s0  }
0x186: {  	v1 =	vmul.f32 $8.000000000e+00, v1  }
0x187: {  	v2 =	vmul.f32 $8.000000000e+00, v2  }
0x188: {  	v3 =	vmul.f32 $8.000000000e+00, v3;
	[tilespmem:s3+$0xC7B0] =	vst v1  }
0x189: {  	[tilespmem:s3+$0xC780] =	vst v2;
	v0 =	vmul.f32 $8.000000000e+00, v0  }
0x18a: {  	[tilespmem:s3+$0xC790] =	vst v3  }
0x18b: {  	s0 =	simm.s32 $0x0;
	s26 =	rddreg [dreg:$0xa];
	[tilespmem:s3+$0xC7A0] =	vst v0  }
0x18c: {  	[hbm4b:s26+s0] =	stream.linear.scatter [tilespmem:s17], [sflag:$0x8], $0xC80, $0x38;
	[tilespmem:$0xE080] =	vst v63  }
0x18d: {  	s31 =	simm.s32 $0x6FC8  }
0x18e: {  	[tilespmem:s1], [sflag:$0x2] =	stream.indirect.gather [hbm4b:s4+s29], $0x40, s31, s29, $0xb8;
	[tilespmem:$0xE080] =	vst v63  }
0x18f: {  	_ =	swait.ge [sflag:s24], $0xC80  }
0x190: {  	[sflag:s24] =	ssyncset.done $0x0  }
0x191: {  	[sflag:s24] =	ssyncadd.s32 $0xFFFFF380  }
0x192: {  	_ =	swait.ge [sflag:s18], $0xC80  }
0x193: {  	[sflag:s18] =	ssyncset.done $0x0  }
0x194: {  	s3 =	simm.s32 $0x0;
	[sflag:s18] =	ssyncadd.s32 $0xFFFFF380  }
0x195: {  	v1 =	vld [tilespmem:s3+$0x8930]  }
0x196: {  	v2 =	vld [tilespmem:s3+$0x8900]  }
0x197: {  	v3 =	vld [tilespmem:s3+$0x8910]  }
0x198: {  	v0 =	vld [tilespmem:s3+$0x8920]  }
0x199: {  	s6 =	simm.s32 $0x100  }
.LBB2_32:
0x19a: {  	s0 =	sshra.s32 s6, $0x2;
	p0 =	sne.s32 s6, $0x3100;
	s6 =	sadd.s32 $0x100, s6;
	v4 =	vmul.f32 $8.000000000e+00, v1  }
.Ltmp15:
0x19b: {  	v1 =	vld [tilespmem:s0+$0x8930];
	v5 =	vmul.f32 $8.000000000e+00, v2;
	(pc) =	sbr.rel @p0 .LBB2_32-.Ltmp15, $4  }
0x19c: {  	v2 =	vld [tilespmem:s0+$0x8900];
	v6 =	vmul.f32 $8.000000000e+00, v3;
	[tilespmem:s3+$0xD430] =	vst v4  }
0x19d: {  	v3 =	vld [tilespmem:s0+$0x8910];
	[tilespmem:s3+$0xD400] =	vst v5;
	v4 =	vmul.f32 $8.000000000e+00, v0  }
0x19e: {  	v0 =	vld [tilespmem:s0+$0x8920];
	[tilespmem:s3+$0xD410] =	vst v6  }
0x19f: {  	[tilespmem:s3+$0xD420] =	vst v4;
	s3 =	smov.u32 s0  }
0x1a0: {  	v1 =	vmul.f32 $8.000000000e+00, v1  }
0x1a1: {  	v2 =	vmul.f32 $8.000000000e+00, v2  }
0x1a2: {  	v3 =	vmul.f32 $8.000000000e+00, v3;
	[tilespmem:s3+$0xD430] =	vst v1  }
0x1a3: {  	[tilespmem:s3+$0xD400] =	vst v2;
	v0 =	vmul.f32 $8.000000000e+00, v0  }
0x1a4: {  	[tilespmem:s3+$0xD410] =	vst v3  }
0x1a5: {  	s0 =	simm.s32 $0x0;
	s31 =	rddreg [dreg:$0xb];
	[tilespmem:s3+$0xD420] =	vst v0  }
0x1a6: {  	[hbm4b:s31+s0] =	stream.linear.scatter [tilespmem:s19], [sflag:$0x9], $0xC80, $0x38;
	[tilespmem:$0xE080] =	vst v63  }
0x1a7: {  	_ =	swait.ge [sflag:s20], $0xC80  }
0x1a8: {  	[sflag:s20] =	ssyncset.done $0x0  }
0x1a9: {  	[sflag:s20] =	ssyncadd.s32 $0xFFFFF380  }
0x1aa: {  	_ =	swait.ge [sflag:s21], $0xC80  }
0x1ab: {  	[sflag:s21] =	ssyncset.done $0x0  }
0x1ac: {  	s3 =	simm.s32 $0x0;
	[sflag:s21] =	ssyncadd.s32 $0xFFFFF380  }
0x1ad: {  	v1 =	vld [tilespmem:s3+$0x95B0]  }
0x1ae: {  	v2 =	vld [tilespmem:s3+$0x9580]  }
0x1af: {  	v3 =	vld [tilespmem:s3+$0x9590]  }
0x1b0: {  	v0 =	vld [tilespmem:s3+$0x95A0]  }
0x1b1: {  	s6 =	simm.s32 $0x100  }
.LBB2_34:
0x1b2: {  	s0 =	sshra.s32 s6, $0x2;
	p0 =	sne.s32 s6, $0x3100;
	s6 =	sadd.s32 $0x100, s6;
	v4 =	vmul.f32 $8.000000000e+00, v1  }
.Ltmp16:
0x1b3: {  	v1 =	vld [tilespmem:s0+$0x95B0];
	v5 =	vmul.f32 $8.000000000e+00, v2;
	(pc) =	sbr.rel @p0 .LBB2_34-.Ltmp16, $4  }
0x1b4: {  	v2 =	vld [tilespmem:s0+$0x9580];
	v6 =	vmul.f32 $8.000000000e+00, v3;
	[tilespmem:s3+$0xBB30] =	vst v4  }
0x1b5: {  	v3 =	vld [tilespmem:s0+$0x9590];
	[tilespmem:s3+$0xBB00] =	vst v5;
	v4 =	vmul.f32 $8.000000000e+00, v0  }
0x1b6: {  	v0 =	vld [tilespmem:s0+$0x95A0];
	[tilespmem:s3+$0xBB10] =	vst v6  }
0x1b7: {  	[tilespmem:s3+$0xBB20] =	vst v4;
	s3 =	smov.u32 s0  }
0x1b8: {  	v1 =	vmul.f32 $8.000000000e+00, v1  }
0x1b9: {  	v2 =	vmul.f32 $8.000000000e+00, v2  }
0x1ba: {  	v3 =	vmul.f32 $8.000000000e+00, v3;
	[tilespmem:s3+$0xBB30] =	vst v1  }
0x1bb: {  	[tilespmem:s3+$0xBB00] =	vst v2;
	v0 =	vmul.f32 $8.000000000e+00, v0  }
0x1bc: {  	[tilespmem:s3+$0xBB10] =	vst v3  }
0x1bd: {  	s0 =	simm.s32 $0x0;
	s31 =	rddreg [dreg:$0xc];
	[tilespmem:s3+$0xBB20] =	vst v0  }
0x1be: {  	[hbm4b:s31+s0] =	stream.linear.scatter [tilespmem:s9], [sflag:$0x7], $0xC80, $0x38;
	[tilespmem:$0xE080] =	vst v63  }
0x1bf: {  	_ =	swait.ge [sflag:s22], $0xC80  }
0x1c0: {  	[sflag:s22] =	ssyncset.done $0x0  }
0x1c1: {  	[sflag:s22] =	ssyncadd.s32 $0xFFFFF380  }
0x1c2: {  	_ =	swait.ge [sflag:s23], $0xC80  }
0x1c3: {  	[sflag:s23] =	ssyncset.done $0x0  }
0x1c4: {  	s3 =	simm.s32 $0x0;
	[sflag:s23] =	ssyncadd.s32 $0xFFFFF380  }
0x1c5: {  	v1 =	vld [tilespmem:s3+$0xA230]  }
0x1c6: {  	v2 =	vld [tilespmem:s3+$0xA200]  }
0x1c7: {  	v3 =	vld [tilespmem:s3+$0xA210]  }
0x1c8: {  	v0 =	vld [tilespmem:s3+$0xA220]  }
0x1c9: {  	s6 =	simm.s32 $0x100  }
.LBB2_36:
0x1ca: {  	s0 =	sshra.s32 s6, $0x2;
	p0 =	sne.s32 s6, $0x3100;
	s6 =	sadd.s32 $0x100, s6;
	v4 =	vmul.f32 $8.000000000e+00, v1  }
.Ltmp17:
0x1cb: {  	v1 =	vld [tilespmem:s0+$0xA230];
	v5 =	vmul.f32 $8.000000000e+00, v2;
	(pc) =	sbr.rel @p0 .LBB2_36-.Ltmp17, $4  }
0x1cc: {  	v2 =	vld [tilespmem:s0+$0xA200];
	v6 =	vmul.f32 $8.000000000e+00, v3;
	[tilespmem:s3+$0xC7B0] =	vst v4  }
0x1cd: {  	v3 =	vld [tilespmem:s0+$0xA210];
	[tilespmem:s3+$0xC780] =	vst v5;
	v4 =	vmul.f32 $8.000000000e+00, v0  }
0x1ce: {  	v0 =	vld [tilespmem:s0+$0xA220];
	[tilespmem:s3+$0xC790] =	vst v6  }
0x1cf: {  	[tilespmem:s3+$0xC7A0] =	vst v4;
	s3 =	smov.u32 s0  }
0x1d0: {  	v1 =	vmul.f32 $8.000000000e+00, v1  }
0x1d1: {  	v2 =	vmul.f32 $8.000000000e+00, v2  }
0x1d2: {  	v3 =	vmul.f32 $8.000000000e+00, v3;
	[tilespmem:s3+$0xC7B0] =	vst v1  }
0x1d3: {  	[tilespmem:s3+$0xC780] =	vst v2;
	v0 =	vmul.f32 $8.000000000e+00, v0  }
0x1d4: {  	[tilespmem:s3+$0xC790] =	vst v3  }
0x1d5: {  	s0 =	simm.s32 $0x0;
	s31 =	rddreg [dreg:$0xd];
	[tilespmem:s3+$0xC7A0] =	vst v0  }
0x1d6: {  	[hbm4b:s31+s0] =	stream.linear.scatter [tilespmem:s17], [sflag:$0x8], $0xC80, $0x38;
	[tilespmem:$0xE080] =	vst v63  }
0x1d7: {  	_ =	swait.ge [sflag:s24], $0xC80  }
0x1d8: {  	[sflag:s24] =	ssyncset.done $0x0  }
0x1d9: {  	[sflag:s24] =	ssyncadd.s32 $0xFFFFF380  }
0x1da: {  	_ =	swait.ge [sflag:s25], $0xC80  }
0x1db: {  	[sflag:s25] =	ssyncset.done $0x0  }
0x1dc: {  	s3 =	simm.s32 $0x0;
	[sflag:s25] =	ssyncadd.s32 $0xFFFFF380  }
0x1dd: {  	v1 =	vld [tilespmem:s3+$0xAEB0]  }
0x1de: {  	v2 =	vld [tilespmem:s3+$0xAE80]  }
0x1df: {  	v3 =	vld [tilespmem:s3+$0xAE90]  }
0x1e0: {  	v0 =	vld [tilespmem:s3+$0xAEA0]  }
0x1e1: {  	s6 =	simm.s32 $0x100  }
.LBB2_38:
0x1e2: {  	s0 =	sshra.s32 s6, $0x2;
	p0 =	sne.s32 s6, $0x3100;
	s6 =	sadd.s32 $0x100, s6;
	v4 =	vmul.f32 $8.000000000e+00, v1  }
.Ltmp18:
0x1e3: {  	v1 =	vld [tilespmem:s0+$0xAEB0];
	v5 =	vmul.f32 $8.000000000e+00, v2;
	(pc) =	sbr.rel @p0 .LBB2_38-.Ltmp18, $4  }
0x1e4: {  	v2 =	vld [tilespmem:s0+$0xAE80];
	v6 =	vmul.f32 $8.000000000e+00, v3;
	[tilespmem:s3+$0xD430] =	vst v4  }
0x1e5: {  	v3 =	vld [tilespmem:s0+$0xAE90];
	[tilespmem:s3+$0xD400] =	vst v5;
	v4 =	vmul.f32 $8.000000000e+00, v0  }
0x1e6: {  	v0 =	vld [tilespmem:s0+$0xAEA0];
	[tilespmem:s3+$0xD410] =	vst v6  }
0x1e7: {  	[tilespmem:s3+$0xD420] =	vst v4;
	s3 =	smov.u32 s0  }
0x1e8: {  	v1 =	vmul.f32 $8.000000000e+00, v1  }
0x1e9: {  	v2 =	vmul.f32 $8.000000000e+00, v2  }
0x1ea: {  	v3 =	vmul.f32 $8.000000000e+00, v3;
	[tilespmem:s3+$0xD430] =	vst v1  }
0x1eb: {  	[tilespmem:s3+$0xD400] =	vst v2;
	v0 =	vmul.f32 $8.000000000e+00, v0  }
0x1ec: {  	[tilespmem:s3+$0xD410] =	vst v3  }
0x1ed: {  	s0 =	simm.s32 $0x0;
	s31 =	rddreg [dreg:$0xe];
	[tilespmem:s3+$0xD420] =	vst v0  }
0x1ee: {  	[hbm4b:s31+s0] =	stream.linear.scatter [tilespmem:s19], [sflag:$0x9], $0xC80, $0x38;
	[tilespmem:$0xE080] =	vst v63  }
0x1ef: {  	_ =	swait.ge [sflag:s20], $0xC80  }
0x1f0: {  	[sflag:s20] =	ssyncset.done $0x0  }
0x1f1: {  	[sflag:s20] =	ssyncadd.s32 $0xFFFFF380  }
0x1f2: {  	_ =	swait.ge [sflag:s8], $0xC80  }
0x1f3: {  	[sflag:s8] =	ssyncset.done $0x0  }
0x1f4: {  	s3 =	simm.s32 $0x0;
	[sflag:s8] =	ssyncadd.s32 $0xFFFFF380  }
0x1f5: {  	v1 =	vld [tilespmem:s3+$0x7030]  }
0x1f6: {  	v2 =	vld [tilespmem:s3+$0x7000]  }
0x1f7: {  	v3 =	vld [tilespmem:s3+$0x7010]  }
0x1f8: {  	v0 =	vld [tilespmem:s3+$0x7020]  }
0x1f9: {  	s6 =	simm.s32 $0x100  }
.LBB2_40:
0x1fa: {  	s0 =	sshra.s32 s6, $0x2;
	p0 =	sne.s32 s6, $0x3100;
	s6 =	sadd.s32 $0x100, s6;
	v4 =	vmul.f32 $8.000000000e+00, v1  }
.Ltmp19:
0x1fb: {  	v1 =	vld [tilespmem:s0+$0x7030];
	v5 =	vmul.f32 $8.000000000e+00, v2;
	(pc) =	sbr.rel @p0 .LBB2_40-.Ltmp19, $4  }
0x1fc: {  	v2 =	vld [tilespmem:s0+$0x7000];
	v6 =	vmul.f32 $8.000000000e+00, v3;
	[tilespmem:s3+$0xBB30] =	vst v4  }
0x1fd: {  	v3 =	vld [tilespmem:s0+$0x7010];
	[tilespmem:s3+$0xBB00] =	vst v5;
	v4 =	vmul.f32 $8.000000000e+00, v0  }
0x1fe: {  	v0 =	vld [tilespmem:s0+$0x7020];
	[tilespmem:s3+$0xBB10] =	vst v6  }
0x1ff: {  	[tilespmem:s3+$0xBB20] =	vst v4;
	s3 =	smov.u32 s0  }
0x200: {  	v1 =	vmul.f32 $8.000000000e+00, v1  }
0x201: {  	v2 =	vmul.f32 $8.000000000e+00, v2  }
0x202: {  	v3 =	vmul.f32 $8.000000000e+00, v3;
	[tilespmem:s3+$0xBB30] =	vst v1  }
0x203: {  	[tilespmem:s3+$0xBB00] =	vst v2;
	v0 =	vmul.f32 $8.000000000e+00, v0  }
0x204: {  	[tilespmem:s3+$0xBB10] =	vst v3  }
0x205: {  	s0 =	simm.s32 $0x0;
	s31 =	rddreg [dreg:$0xf];
	[tilespmem:s3+$0xBB20] =	vst v0  }
0x206: {  	[hbm4b:s31+s0] =	stream.linear.scatter [tilespmem:s9], [sflag:$0x7], $0xC80, $0x38;
	[tilespmem:$0xE080] =	vst v63  }
0x207: {  	_ =	swait.ge [sflag:s22], $0xC80  }
0x208: {  	[sflag:s22] =	ssyncset.done $0x0  }
0x209: {  	[sflag:s22] =	ssyncadd.s32 $0xFFFFF380  }
0x20a: {  	_ =	swait.ge [sflag:s10], $0xC80  }
0x20b: {  	[sflag:s10] =	ssyncset.done $0x0  }
0x20c: {  	s3 =	simm.s32 $0x0;
	[sflag:s10] =	ssyncadd.s32 $0xFFFFF380  }
0x20d: {  	v1 =	vld [tilespmem:s3+$0x7CB0]  }
0x20e: {  	v2 =	vld [tilespmem:s3+$0x7C80]  }
0x20f: {  	v3 =	vld [tilespmem:s3+$0x7C90]  }
0x210: {  	v0 =	vld [tilespmem:s3+$0x7CA0]  }
0x211: {  	s6 =	simm.s32 $0x100  }
.LBB2_42:
0x212: {  	s0 =	sshra.s32 s6, $0x2;
	p0 =	sne.s32 s6, $0x3100;
	s6 =	sadd.s32 $0x100, s6;
	v4 =	vmul.f32 $8.000000000e+00, v1  }
.Ltmp20:
0x213: {  	v1 =	vld [tilespmem:s0+$0x7CB0];
	v5 =	vmul.f32 $8.000000000e+00, v2;
	(pc) =	sbr.rel @p0 .LBB2_42-.Ltmp20, $4  }
0x214: {  	v2 =	vld [tilespmem:s0+$0x7C80];
	v6 =	vmul.f32 $8.000000000e+00, v3;
	[tilespmem:s3+$0xC7B0] =	vst v4  }
0x215: {  	v3 =	vld [tilespmem:s0+$0x7C90];
	[tilespmem:s3+$0xC780] =	vst v5;
	v4 =	vmul.f32 $8.000000000e+00, v0  }
0x216: {  	v0 =	vld [tilespmem:s0+$0x7CA0];
	[tilespmem:s3+$0xC790] =	vst v6  }
0x217: {  	[tilespmem:s3+$0xC7A0] =	vst v4;
	s3 =	smov.u32 s0  }
0x218: {  	v1 =	vmul.f32 $8.000000000e+00, v1  }
0x219: {  	v2 =	vmul.f32 $8.000000000e+00, v2  }
0x21a: {  	v3 =	vmul.f32 $8.000000000e+00, v3;
	[tilespmem:s3+$0xC7B0] =	vst v1  }
0x21b: {  	[tilespmem:s3+$0xC780] =	vst v2;
	v0 =	vmul.f32 $8.000000000e+00, v0  }
0x21c: {  	[tilespmem:s3+$0xC790] =	vst v3  }
0x21d: {  	s0 =	rddreg [dreg:$0x10];
	[tilespmem:s3+$0xC7A0] =	vst v0  }
0x21e: {  	[hbm4b:s0+s28] =	stream.linear.scatter [tilespmem:s17], [sflag:$0x8], $0xC80, $0x38;
	[tilespmem:$0xE080] =	vst v63  }
0x21f: {  	_ =	swait.ge [sflag:s20], $0xC80  }
0x220: {  	[sflag:s20] =	ssyncset.done $0x0  }
0x221: {  	[sflag:s20] =	ssyncadd.s32 $0xFFFFF380  }
0x222: {  	_ =	swait.ge [sflag:s22], $0xC80  }
0x223: {  	[sflag:s22] =	ssyncset.done $0x0  }
0x224: {  	[sflag:s22] =	ssyncadd.s32 $0xFFFFF380  }
0x225: {  	_ =	swait.ge [sflag:s24], $0xC80  }
0x226: {  	s26 =	rddreg [dreg:$0x13]  }
0x227: {  	s31 =	rddreg [dreg:$0x11];
	s3 =	sadd.s32 $0x1, s26  }
0x228: {  	p0 =	sne.s32 s3, s31  }
.Ltmp21:
0x229: {  	_ = 	snop;
	(pc) =	sbr.rel @p0 .LBB2_1-.Ltmp21, $3  }
0x22a: {  	_ =	sdelay $0x1  }
0x22b: {  	[sflag:s24] =	ssyncset.done $0x0  }
0x22c: {  	[sflag:s24] =	ssyncadd.s32 $0xFFFFF380  }
0x22d: {  	_ =	sfence.sel $0x180000  }
0x22e: {  	[bflag:$0x0] =	sbarrier.arrive $0xFFFF  }
0x22f: {  	_ =	strace $0x90000047  }
0x230: {  	s0 =	stileid.u32;
	[bflag:$0x2] =	sbarrier.arrive $0xFFFF  }
0x231: {  	p0 =	sne.s32 s0, $0x0;
	s0 =	rddreg [dreg:$0x2]  }
0x232: {  	s0 =	sadd.s32 @!p0 $0x100000, s0  }
0x233: {  	[sflag:s0] =	ssyncadd.tile.s32 @!p0 $0x1;
	_ =	shalt  }
.Lfunc_end2:
_tile_overlayer_lowered:
.L_overlay_start_2:
0x234: {  	(tag) =	ssettag $0x2  }
0x235: {  	s0 =	rddreg [dreg:$0x0];
	s2 =	stileid.u32  }
0x236: {  	s1 =	rddreg [dreg:$0x1];
	p0 =	sne.s32 s2, $0x0  }
0x237: {  	s3 =	rddreg [dreg:$0x2];
	[bflag:$0x3] =	sbarrier.arrive $0xFFFF;
	s2 =	simm.s32 @!p0 $0x1C0A  }
0x238: {  	[timem:s3], [sflag:s2] =	dma.local @!p0 [hbm:s0], s1  }
0x239: {  	s0 =	simm.s32 @!p0 $0xA  }
0x23a: {  	_ =	swait.ge @!p0 [sflag:s0], s1  }
0x23b: {  	s1 =	ssub.s32 @!p0 $0x0, s1;
	[sflag:s0] =	ssyncset.done @!p0 $0x0  }
0x23c: {  	[sflag:s0] =	ssyncadd.s32 @!p0 s1  }
0x23d: {  	[bflag:$0x3] =	sbarrier.arrive $0xFFFF  }
0x23e: {  	_ =	shalt  }

// kernel: sparse-core-data-format-call.cloned.1.call-start
scs
called_computation_lowered:
.L_overlay_start_0:
0x0: {  	s2 =	sld [smem:$0x3FD9]  }
0x1: {  	s3 =	sld [smem:$0x3FFE];
	_ =	sdelay $0x1  }
0x2: {  	s1 =	srdreg.scid  }
0x3: {  	s0 =	sand.u32 $0x1, s1  }
0x4: {  	s18 =	sshll.u32 s0, $0xA;
	s2 =	sadd.s32 s3, s2  }
0x5: {  	s2 =	sadd.s32 s2, s18  }
0x6: {  	[smem:$0x3FC6] =	sst s2  }
0x7: {  	_ = 	snop  }
0x8: {  	s2 =	sld [smem:$0x3FD0];
	(tm) =	ssettm $0x1  }
0x9: {  	s19 =	sld [smem:$0x3FFB];
	_ =	sdelay $0x3  }
0xa: {  	_ =	strace s19  }
0xb: {  	s3 =	sld [smem:$0x3FFC];
	_ =	sdelay $0x3  }
0xc: {  	_ =	strace s3  }
0xd: {  	s3 =	sld [smem:$0x3FFD];
	_ =	sdelay $0x3  }
0xe: {  	_ =	strace s3  }
0xf: {  	_ =	strace $0x8FFFFFFF  }
0x10: {  	s20 =	sld [smem:$0x3FDB];
	_ =	sdelay $0x1  }
0x11: {  	s4 =	simm.s32 $_scs_section_size  }
0x12: {  	s5 =	simm.s32 $_size__tile_overlayer_lowered;
	s6 =	simm.s32 $_tile_overlayer_lowered  }
0x13: {  	s23 =	simm.s32 $0x1BFF;
	s22 =	sshll.u32 s6, $0x1;
	s3 =	sadd.s32 s4, s20  }
0x14: {  	s7 =	simm.s32 $0x0;
	s21 =	sshll.u32 s5, $0x1;
	s5 =	sadd.s32 s22, s3  }
0x15: {  	[timem:s7], [sflag:s23] =	dma.local [hbm:s5], s21  }
0x16: {  	_ =	swait.ge [sflag:s23], s21  }
0x17: {  	s4 =	ssub.s32 $0x0, s21;
	[sflag:s23] =	ssyncset.done $0x0  }
0x18: {  	[sflag:s23] =	ssyncadd.s32 s4;
	_ =	sdelay $0x1  }
0x19: {  	s24 =	simm.s32 $0x1B8B  }
0x1a: {  	_ =	swait.ge [sflag:s24], $0x1  }
0x1b: {  	[sflag:s24] =	ssyncset.done $0x0  }
0x1c: {  	s26 =	simm.s32 $0x1B8E;
	s25 =	sld [smem:$0x3FFE];
	[sflag:s24] =	ssyncadd.s32 $0xFFFFFFFF  }
0x1d: {  	s27 =	simm.s32 $execute0_lowered;
	[smem:$0x3FD2] =	sst s26  }
0x1e: {  	s5 =	sshll.u32 s27, $0x1;
	_ =	strace $0x80000049;
	[dreg:$0x1] =	wrdreg $0xFFFFFFFF  }
0x1f: {  	s28 =	simm.s32 $_size_execute0_lowered;
	s3 =	sadd.s32 s3, s5;
	[dreg:$0x0] =	wrdreg $0x0  }
0x20: {  	s5 =	sshll.u32 s28, $0x1;
	[dreg:$0x2] =	wrdreg s3  }
0x21: {  	[dreg:$0x3] =	wrdreg s5  }
0x22: {  	[dreg:$0x4] =	wrdreg $0xC0  }
0x23: {  	_ =	task [dreg:s7], $0x5FFFF  }
0x24: {  	[dreg:$0x1] =	wrdreg $0xFFFFFFFF  }
0x25: {  	[dreg:$0x0] =	wrdreg $0x60  }
0x26: {  	[dreg:$0x2] =	wrdreg s25  }
0x27: {  	[dreg:$0x3] =	wrdreg s2  }
0x28: {  	[dreg:$0x4] =	wrdreg $0x9  }
0x29: {  	_ =	task.clear_ibuf [dreg:s7], $0x5FFFF;
	_ =	strace $0x90000049  }
0x2a: {  	s29 =	simm.s32 $0x9;
	_ =	strace $0x8000004B  }
0x2b: {  	_ =	swait.ge [sflag:s29], $0x1  }
0x2c: {  	[sflag:s29] =	ssyncadd.s32 $0xFFFFFFFF  }
0x2d: {  	_ =	strace $0x9000004B  }
0x2e: {  	_ =	sfence  }
0x2f: {  	s30 =	sld [smem:$0x0];
	_ =	sdelay $0x2  }
0x30: {  	s31 =	sshll.u32 s1, $0xD;
	s1 =	sshrl.u32 s1, $0x2  }
0x31: {  	s3 =	sand.u32 $0x4000, s31;
	s1 =	sadd.s32 s1, s30  }
0x32: {  	s0 =	sor.u32 s3, s0;
	s1 =	sshll.u32 s1, $0x11  }
0x33: {  	s0 =	sor.u32 s1, s0  }
0x34: {  	s0 =	sadd.s32 $0x8F2B, s0  }
0x35: {  	[sflag:s0] =	ssyncadd.remote.s32 $0x1  }
0x36: {  	_ =	sfence.sel $0xFFFF  }
0x37: {  	[dreg:$0x0] =	wrdreg $0xFFFFFFFF;
	(pc) =	sbr.abs _section_cstart, $3  }
0x38: {  	[dreg:$0x1] =	wrdreg $0xFFFFFFFF  }
0x39: {  	_ =	task.clear_ibuf [dreg:s7], $0x2FFFF;
	_ =	strace $0x9FFFFFFF  }
0x3a: {  	(tm) =	ssettm $0x7FFFFFFF  }
0x3b: {  	_ =	shalt  }
tec
execute0_lowered:
.L_overlay_start_1:
0x0: {  	(tag) =	ssettag $0x1  }
0x1: {  	s0 =	srdreg.scid  }
0x2: {  	s1 =	sshll.u32 s0, $0x4  }
0x3: {  	s0 =	stileid.u32;
	s1 =	sand.u32 $0x10, s1  }
0x4: {  	s1 =	sor.u32 s0, s1  }
0x5: {  	s6 =	rddreg [dreg:$0x0];
	s4 =	simm.s32 $0x1;
	s2 =	sshll.u32 s1, $0x7  }
0x6: {  	s7 =	simm.s32 $0x2;
	s12 =	simm.s32 $0x0;
	s1 =	ssub.s32 $0x4000, s2  }
0x7: {  	s8 =	simm.s32 $0x20000;
	s13 =	simm.s32 $0x0;
	s3 =	sand.u32 $0xF80, s1  }
0x8: {  	s9 =	simm.s32 $0x0;
	s5 =	sshrl.u32 s1, $0xC;
	p0 =	sne.s32 s3, $0x0  }
.Ltmp0:
0x9: {  	s1 =	rddreg [dreg:$0x2];
	s4 =	simm.s32 @!p0 $0x0;
	(pc) =	sbr.rel .LBB1_1-.Ltmp0, $4  }
0xa: {  	s11 =	simm.s32 $0x0;
	s3 =	rddreg [dreg:$0x1];
	s5 =	sadd.s32 s4, s5  }
0xb: {  	_ =	strace $0x8000004A;
	s4 =	simm.s32 $0x1;
	s5 =	smul.u32 $0x32, s5  }
0xc: {  	s6 =	sadd.s32 $0xA00, s6;
	s10 =	smov.u32 s2;
	[sflag:s4] =	ssyncpa.u1 $0x0  }
0xd: {  	p0 =	por $0x0, $0x0;
	[sflag:s7] =	ssyncpa.u1 $0x0;
	s7 =	sor.u32 $0x1, s5  }
.LBB1_4:
0xe: {  	s16 =	sshll.u32 s13, $0x3;
	s17 =	sand.u32 $0x78, s13  }
0xf: {  	s30 =	sand.u32 $0x1F800, s13;
	s12 =	sshll.u32 s12, $0x11;
	s16 =	sand.u32 $0x3C00, s16  }
0x10: {  	[tilespmem:s15+$0x810 ss:$0x81] =	vst.msk $0xffff, v2;
	s31 =	sand.u32 $0x7, s13;
	s16 =	sor.u32 s17, s16;
	s17 =	sadd.s32 s3, s30  }
0x11: {  	[tilespmem:s15+$0x1020 ss:$0x81] =	vst.msk $0xffff, v0;
	s13 =	sshll.u32 s31, $0x12;
	s12 =	sadd.s32 s12, s17;
	s16 =	sshrl.u32 s16, $0x3  }
0x12: {  	[tilespmem:s15+$0x0 ss:$0x81] =	vst.msk $0xffff, v1;
	s13 =	sor.u32 $0x400, s13;
	s12 =	sadd.s32 s16, s12  }
0x13: {  	[hbm4b:s12+s13] =	stream.strided.scatter [tilespmem:s14], [sflag:$0x2], $0x2000, s8, s13, $0x20;
	[tilespmem:$0x8080] =	vst v63  }
.LBB1_5:
0x14: {  	s14 =	sadd.s32 $0x1, s9  }
0x15: {  	s12 =	sadd.s32 $0x1000, s10;
	s16 =	smov.u32 s10;
	p2 =	sgt.s32 s14, $0x31  }
0x16: {  	s16 =	smov.u32 @p2 s12  }
0x17: {  	s14 =	simm.s32 @p2 $0x0;
	p2 =	sgt.s32 s16, $0x3FFF  }
0x18: {  	s16 =	smov.u32 @p2 s2;
	p2 =	sne.s32 s11, s7  }
.Ltmp1:
0x19: {  	p1 =	slt.u32 s11, $0x2;
	(pc) =	sbr.rel @!p2 .LBB1_6-.Ltmp1, $4  }
0x1a: {  	s15 =	simm.s32 @!p1 $0x2  }
0x1b: {  	s13 =	smov.u32 s10;
	p0 =	por !p0, !p0;
	_ =	swait.ge @!p1 [sflag:s15], $0x2000  }
0x1c: {  	s12 =	smov.u32 s9;
	[sflag:s15] =	ssyncset.done @!p1 $0x0;
	s9 =	smov.u32 s14  }
0x1d: {  	s11 =	sadd.s32 $0x1, s11;
	[sflag:s15] =	ssyncadd.s32 @!p1 $0xFFFFE000;
	s10 =	smov.u32 s16  }
.LBB1_1:
0x1e: {  	p1 =	sge.u32 s11, s5  }
0x1f: {  	s14 =	sand.u32 @!p1 $0x1FFFFFF, s9  }
0x20: {  	s15 =	smulhi.u32 @!p1 $0x4924925, s14;
	_ =	sdelay $0x1  }
0x21: {  	s15 =	smul.u32 @!p1 $0x38, s15  }
0x22: {  	s16 =	sxor.u32 @!p1 $0xFFFFFFFF, s11;
	s17 =	smul.u32 @!p1 $0x380, s10  }
0x23: {  	s31 =	sadd.s32 $0xFFFFFFFF, s11;
	s16 =	sshll.u32 @!p1 s16, $0xD;
	s14 =	ssub.s32 @!p1 s14, s15  }
0x24: {  	s15 =	sand.u32 @!p1 $0x2000, s16;
	s16 =	sadd.s32 @!p1 s6, s17;
	s14 =	sshll.u32 @!p1 s14, $0x4  }
0x25: {  	s17 =	simm.s32 @!p1 $0x1C00;
	s14 =	sadd.s32 @!p1 s14, s16;
	s16 =	simm.s32 @!p1 $0x40  }
0x26: {  	[tilespmem:s15], [sflag:$0x1] =	stream.strided.gather @!p1 [hbm4b:s14+s16], $0x2000, s17, s16, $0x38;
	[tilespmem:$0x8080] =	vst v63  }
0x27: {  	p1 =	sge.u32 s31, s5  }
.Ltmp2:
0x28: {  	_ = 	snop;
	(pc) =	sbr.rel @p1 .LBB1_5-.Ltmp2, $1  }
0x29: {  	_ =	sdelay $0x3  }
0x2a: {  	s14 =	simm.s32 $0x1  }
0x2b: {  	_ =	swait.ge [sflag:s4], $0x2000;
	s14 =	simm.s32 @!p0 $0x0  }
0x2c: {  	[sflag:s4] =	ssyncset.done $0x0;
	s15 =	sshll.u32 s14, $0xD  }
0x2d: {  	[sflag:s4] =	ssyncadd.s32 $0xFFFFE000;
	s18 =	sor.u32 $0x20, s15  }
0x2e: {  	s14 =	smul.u32 $0x8100, s14;
	v3 =	vld [tilespmem:s18+$0x10]  }
0x2f: {  	s30 =	sand.u32 $0x1, s11;
	v2 =	vld [tilespmem:s18+$0xFFFFFFF0]  }
0x30: {  	s15 =	smul.u32 $0x8100, s30;
	s14 =	sshrl.u32 s14, $0x2;
	v0 =	vld [tilespmem:s18+$0x0]  }
0x31: {  	v1 =	vld [tilespmem:s18+$0xFFFFFFE0];
	s16 =	sor.u32 $0x4000, s14  }
0x32: {  	s31 =	sshrl.u32 s15, $0x2;
	s15 =	sadd.s32 $0x0, s16  }
0x33: {  	s17 =	simm.s32 $0x4;
	s18 =	sadd.s32 $0x40, s18;
	s14 =	sor.u32 $0x4000, s31;
	[tilespmem:s15+$0x1830 ss:$0x81] =	vst.msk $0xffff, v3  }
.LBB1_3:
0x34: {  	v3 =	vld [tilespmem:s18+$0x10];
	p1 =	sne.s32 s17, $0x1FC;
	[tilespmem:s15+$0x810 ss:$0x81] =	vst.msk $0xffff, v2;
	s19 =	smov.u32 s17;
	s17 =	sadd.s32 $0x4, s17  }
.Ltmp3:
0x35: {  	v2 =	vld [tilespmem:s18+$0xFFFFFFF0];
	[tilespmem:s15+$0x1020 ss:$0x81] =	vst.msk $0xffff, v0;
	(pc) =	sbr.rel @p1 .LBB1_3-.Ltmp3, $4  }
0x36: {  	v0 =	vld [tilespmem:s18+$0x0];
	[tilespmem:s15+$0x0 ss:$0x81] =	vst.msk $0xffff, v1  }
0x37: {  	s15 =	sshra.s32 s19, $0x2;
	v1 =	vld [tilespmem:s18+$0xFFFFFFE0]  }
0x38: {  	s15 =	sadd.s32 s15, s16  }
0x39: {  	s18 =	sadd.s32 $0x40, s18;
	[tilespmem:s15+$0x1830 ss:$0x81] =	vst.msk $0xffff, v3  }
.Ltmp4:
0x3a: {  	_ = 	snop;
	(pc) =	sbr.rel .LBB1_4-.Ltmp4, $1  }
0x3b: {  	_ =	sdelay $0x3  }
.LBB1_6:
0x3c: {  	_ =	sfence.sel $0x180000  }
0x3d: {  	s2 =	simm.s32 $0x1;
	[bflag:$0x0] =	sbarrier.arrive $0xFFFF  }
0x3e: {  	s31 =	simm.s32 $0x2;
	[sflag:s2] =	ssyncpa.u1 $0x1  }
0x3f: {  	[sflag:s31] =	ssyncpa.u1 $0x1  }
0x40: {  	p0 =	sne.s32 s0, $0x0;
	_ =	strace $0x9000004A  }
0x41: {  	s0 =	sadd.s32 @!p0 $0x100000, s1;
	[bflag:$0x2] =	sbarrier.arrive $0xFFFF  }
0x42: {  	[sflag:s0] =	ssyncadd.tile.s32 @!p0 $0x1;
	_ =	shalt  }
.Lfunc_end1:
_tile_overlayer_lowered:
.L_overlay_start_2:
0x43: {  	(tag) =	ssettag $0x2  }
0x44: {  	s0 =	rddreg [dreg:$0x0];
	s2 =	stileid.u32  }
0x45: {  	s1 =	rddreg [dreg:$0x1];
	p0 =	sne.s32 s2, $0x0  }
0x46: {  	s3 =	rddreg [dreg:$0x2];
	[bflag:$0x3] =	sbarrier.arrive $0xFFFF;
	s2 =	simm.s32 @!p0 $0x1C01  }
0x47: {  	[timem:s3], [sflag:s2] =	dma.local @!p0 [hbm:s0], s1  }
0x48: {  	s0 =	simm.s32 @!p0 $0x1  }
0x49: {  	_ =	swait.ge @!p0 [sflag:s0], s1  }
0x4a: {  	s1 =	ssub.s32 @!p0 $0x0, s1;
	[sflag:s0] =	ssyncset.done @!p0 $0x0  }
0x4b: {  	[sflag:s0] =	ssyncadd.s32 @!p0 s1  }
0x4c: {  	[bflag:$0x3] =	sbarrier.arrive $0xFFFF  }
0x4d: {  	_ =	shalt  }

</sc_bundles>
